<compile_context>
chip_gen: v7x
topology: tpu7x:2x2x1
jax: 0.10.2.dev20260603
libtpu: 0.0.44.dev20260713+nightly
codegen_flags: <defaults>
</compile_context>

<pallas_src>
import functools

import jax
import jax.numpy as jnp
from jax import lax
from jax.experimental import pallas as pl
from jax.experimental.pallas import tpu as pltpu
from jax.experimental.pallas import tpu_sc as plsc

N_NODES = 100000
N_EDGES = 6400000

NC = 2
NS = 16
L = 16
NW = NC * NS

SUB = 128
NSUB = 16
CHUNK = SUB * NSUB
N_CHUNKS = N_EDGES // CHUNK

_MESH = plsc.VectorSubcoreMesh(core_axis_name="c", subcore_axis_name="s")


def _rsqrt(x):
    i = lax.bitcast_convert_type(x, jnp.int32)
    i = jnp.int32(0x5F3759DF) - lax.shift_right_logical(i, 1)
    y = lax.bitcast_convert_type(i, jnp.float32)
    for _ in range(3):
        y = y * (1.5 - 0.5 * x * y * y)
    return y


@functools.partial(
    pl.kernel,
    out_type=jax.ShapeDtypeStruct((N_EDGES, 4), jnp.float32),
    mesh=_MESH,
    scratch_types=[
        pltpu.VMEM((NSUB, SUB), jnp.int32),
        pltpu.VMEM((NSUB, SUB), jnp.int32),
        pltpu.VMEM((CHUNK, 3), jnp.float32),
        pltpu.VMEM((CHUNK, 3), jnp.float32),
        pltpu.VMEM((CHUNK, 4), jnp.float32),
        pltpu.SemaphoreType.DMA,
    ],
    compiler_params=pltpu.CompilerParams(
        needs_layout_passes=False, use_tc_tiling_on_sc=False),
)
def _edge_vectors(pos_hbm, send_hbm, recv_hbm, out_hbm,
                  idx_s, idx_r, rows_s, rows_r, out_v, sem):
    wid = lax.axis_index("s") * NC + lax.axis_index("c")
    lane = lax.iota(jnp.int32, L)
    col = [jnp.full((L,), k, jnp.int32) for k in range(4)]
    n_mine = (N_CHUNKS - wid + NW - 1) // NW

    def chunk_body(t, carry):
        g = wid + t * NW
        base = g * CHUNK
        pltpu.sync_copy(send_hbm.at[g], idx_s)
        pltpu.sync_copy(recv_hbm.at[g], idx_r)
        copies = []
        for j in range(NSUB):
            sl = pl.ds(j * SUB, SUB)
            copies.append(
                pltpu.async_copy(pos_hbm.at[idx_s.at[j]], rows_s.at[sl], sem))
            copies.append(
                pltpu.async_copy(pos_hbm.at[idx_r.at[j]], rows_r.at[sl], sem))
        for c in copies:
            c.wait()

        def step(i, carry2):
            row = i * L + lane
            d = []
            for k in range(3):
                sv = plsc.load_gather(rows_s, [row, col[k]])
                rv = plsc.load_gather(rows_r, [row, col[k]])
                d.append(rv - sv)
            acc = d[0] * d[0] + d[1] * d[1] + d[2] * d[2] + 1e-12
            ln = acc * _rsqrt(acc)
            for k in range(3):
                plsc.store_scatter(out_v, [row, col[k]], d[k])
            plsc.store_scatter(out_v, [row, col[3]], ln)
            return carry2

        lax.fori_loop(0, CHUNK // L, step, 0, unroll=2)
        pltpu.sync_copy(out_v, out_hbm.at[pl.ds(base, CHUNK)])
        return carry

    lax.fori_loop(0, n_mine, chunk_body, 0)


def kernel(positions, senders, receivers):
    send_t = senders.reshape(N_CHUNKS, NSUB, SUB)
    recv_t = receivers.reshape(N_CHUNKS, NSUB, SUB)
    return _edge_vectors(positions, send_t, recv_t)

# --- scband reference (transcript-rebuilt; emitter-appended) ---
"""Pipeline reference for scband-edge-vectors-61753039782726 (READ-ONLY COPY).

The authoritative reference and input builder live on the scoring server;
editing this copy changes nothing except your own understanding.
"""

import jax, jax.numpy as jnp
import numpy as np

N_NODES = 100000
N_EDGES = 6400000


def setup_inputs(seed: int = 0) -> dict:
    key = jax.random.key(seed)
    k1, k2, k3 = jax.random.split(key, 3)
    positions = jax.random.normal(k1, (N_NODES, 3), dtype=jnp.float32) * 10.0
    senders = jax.random.randint(k2, (N_EDGES,), 0, N_NODES, dtype=jnp.int32)
    receivers = jax.random.randint(k3, (N_EDGES,), 0, N_NODES, dtype=jnp.int32)
    return {"positions": positions, "senders": senders, "receivers": receivers}


def reference(positions, senders, receivers):
    # Faithful translation of _graphs.with_edge_vectors(graph, with_lengths=True):
    # edge vector r_ij = pos[receiver] - pos[sender]; length = ||r_ij||.
    # (No unit cell present in this graph, so no periodic shift is applied.)
    vectors = jnp.take(positions, receivers, axis=0) - jnp.take(positions, senders, axis=0)
    # safe norm (guards against zero-length self-loop edges)
    lengths = jnp.sqrt(jnp.sum(vectors * vectors, axis=-1, keepdims=True) + 1e-12)
    # edges now carry [vector (3), length (1)] per edge, as jraph stores them stacked
    edges = jnp.concatenate([vectors, lengths], axis=-1)
    return edges

if __name__ == "__main__":
    import jax
    _d = setup_inputs()
    print(jax.jit(kernel)(*tuple(_d.values())))

</pallas_src>

<mosaic_0001>
#map = affine_map<(d0, d1) -> (0, 0)>
#map1 = affine_map<(d0, d1) -> (0, 0, 0)>
module attributes {stable_mosaic.version = 14 : i64} {
  func.func @_edge_vectors(%arg0: i32, %arg1: i32, %arg2: memref<100000x3xf32, #tpu.memory_space<hbm>>, %arg3: memref<3125x16x128xi32, #tpu.memory_space<hbm>>, %arg4: memref<3125x16x128xi32, #tpu.memory_space<hbm>>, %arg5: memref<6400000x4xf32, #tpu.memory_space<hbm>>, %arg6: memref<16x128xi32, #tpu.memory_space<vmem>>, %arg7: memref<16x128xi32, #tpu.memory_space<vmem>>, %arg8: memref<2048x3xf32, #tpu.memory_space<vmem>>, %arg9: memref<2048x3xf32, #tpu.memory_space<vmem>>, %arg10: memref<2048x4xf32, #tpu.memory_space<vmem>>, %arg11: memref<!tpu.dma_semaphore, #tpu.memory_space<semaphore_mem>>) attributes {dimension_semantics = [#tpu.dimension_semantics<core_parallel>, #tpu.dimension_semantics<subcore_parallel>], iteration_bounds = array<i64: 2, 16>, scalar_prefetch = 0 : i64, scratch_operands = 6 : i64, tpu.core_type = #tpu.core_type<sc_vector_subcore>, window_params = [{transform_indices = #map}, {transform_indices = #map1}, {transform_indices = #map1}, {transform_indices = #map}]} {
    %mul3A = arith.constant 2 : i32
    %mul3A_0 = arith.muli %arg1, %mul3A : i32
    %add3A = arith.addi %mul3A_0, %arg0 : i32
    %iota3A = tpu.iota {dimensions = array<i32: 0>} : vector<16xi32>
    %broadcast_in_dim3A = arith.constant 0 : i32
    %broadcast_in_dim3A_1 = vector.broadcast %broadcast_in_dim3A : i32 to vector<16xi32>
    %broadcast_in_dim3A_2 = arith.constant 1 : i32
    %broadcast_in_dim3A_3 = vector.broadcast %broadcast_in_dim3A_2 : i32 to vector<16xi32>
    %broadcast_in_dim3A_4 = arith.constant 2 : i32
    %broadcast_in_dim3A_5 = vector.broadcast %broadcast_in_dim3A_4 : i32 to vector<16xi32>
    %broadcast_in_dim3A_6 = arith.constant 3 : i32
    %broadcast_in_dim3A_7 = vector.broadcast %broadcast_in_dim3A_6 : i32 to vector<16xi32>
    %sub3A = arith.constant 3125 : i32
    %sub3A_8 = arith.subi %sub3A, %add3A : i32
    %add3A_9 = arith.constant 32 : i32
    %add3A_10 = arith.addi %sub3A_8, %add3A_9 : i32
    %sub3A_11 = arith.constant 1 : i32
    %sub3A_12 = arith.subi %add3A_10, %sub3A_11 : i32
    %jit3A = arith.constant 32 : i32
    %div3A = arith.divsi %sub3A_12, %jit3A : i32
    %sign3A = arith.constant 0 : i32
    %sign3A_13 = arith.cmpi sgt, %sub3A_12, %sign3A : i32
    %sign3A_14 = arith.extui %sign3A_13 : i1 to i32
    %sign3A_15 = arith.constant 0 : i32
    %sign3A_16 = arith.cmpi slt, %sub3A_12, %sign3A_15 : i32
    %sign3A_17 = arith.extui %sign3A_16 : i1 to i32
    %sign3A_18 = arith.subi %sign3A_14, %sign3A_17 : i32
    %sign3A_19 = arith.constant 0 : i32
    %sign3A_20 = arith.cmpi sgt, %jit3A, %sign3A_19 : i32
    %sign3A_21 = arith.extui %sign3A_20 : i1 to i32
    %sign3A_22 = arith.constant 0 : i32
    %sign3A_23 = arith.cmpi slt, %jit3A, %sign3A_22 : i32
    %sign3A_24 = arith.extui %sign3A_23 : i1 to i32
    %sign3A_25 = arith.subi %sign3A_21, %sign3A_24 : i32
    %ne3A = arith.cmpi ne, %sign3A_18, %sign3A_25 : i32
    %rem3A = arith.remsi %sub3A_12, %jit3A : i32
    %ne3A_26 = arith.constant 0 : i32
    %ne3A_27 = arith.cmpi ne, %rem3A, %ne3A_26 : i32
    %and3A = arith.andi %ne3A, %ne3A_27 : i1
    %sub3A_28 = arith.constant 1 : i32
    %sub3A_29 = arith.subi %div3A, %sub3A_28 : i32
    %select_n3A = arith.select %and3A, %sub3A_29, %div3A : i32
    %while3A = arith.constant 0 : i32
    %while3A_30 = arith.constant 0 : i32
    %while3A_31 = arith.subi %select_n3A, %while3A_30 : i32
    %while3A_32 = arith.addi %while3A_30, %while3A_31 : i32
    %while3A_33 = arith.constant 1 : i32
    %while3A_34 = arith.divsi %while3A_31, %while3A_33 : i32
    %while3A_35 = arith.muli %while3A_34, %while3A_33 : i32
    %while3A_36 = arith.addi %while3A_30, %while3A_35 : i32
    %while3A_37 = arith.constant 1 : i32
    scf.for %while3A_39 = %while3A_30 to %while3A_36 step %while3A_37  : i32 {
      %mul3A_40 = arith.constant 32 : i32
      %mul3A_41 = arith.muli %while3A_39, %mul3A_40 : i32
      %add3A_42 = arith.addi %add3A, %mul3A_41 : i32
      %mul3A_43 = arith.constant 2048 : i32
      %mul3A_44 = arith.muli %add3A_42, %mul3A_43 : i32
      "tpu.region"() ({
        %run_scoped3A = tpu.sem_alloc : memref<!tpu.dma_semaphore, #tpu.memory_space<semaphore_mem>>
        %dma_start3A_688 = arith.constant 0 : i32
        %dma_start3A_689 = arith.constant 0 : i32
        %dma_start3A_690 = tpu.memref_slice %arg3[%add3A_42, %dma_start3A_688, %dma_start3A_689] : memref<3125x16x128xi32, #tpu.memory_space<hbm>> -> memref<1x16x128xi32, #tpu.memory_space<hbm>>
        %dma_start3A_691 = tpu.memref_squeeze %dma_start3A_690 : memref<1x16x128xi32, #tpu.memory_space<hbm>> -> memref<16x128xi32, #tpu.memory_space<hbm>>
        %dma_start3A_692 = arith.constant 0 : i32
        %dma_start3A_693 = arith.constant 0 : i32
        %dma_start3A_694 = tpu.memref_slice %arg3[%add3A_42, %dma_start3A_692, %dma_start3A_693] : memref<3125x16x128xi32, #tpu.memory_space<hbm>> -> memref<1x16x128xi32, #tpu.memory_space<hbm>>
        %dma_start3A_695 = tpu.memref_squeeze %dma_start3A_694 : memref<1x16x128xi32, #tpu.memory_space<hbm>> -> memref<16x128xi32, #tpu.memory_space<hbm>>
        tpu.enqueue_dma source(%dma_start3A_695 : memref<16x128xi32, #tpu.memory_space<hbm>>) target(%arg6 : memref<16x128xi32, #tpu.memory_space<vmem>>) target_semaphore(%run_scoped3A : memref<!tpu.dma_semaphore, #tpu.memory_space<semaphore_mem>>)
        %dma_wait3A_696 = arith.constant 0 : i32
        %dma_wait3A_697 = arith.constant 0 : i32
        %dma_wait3A_698 = tpu.memref_slice %arg3[%add3A_42, %dma_wait3A_696, %dma_wait3A_697] : memref<3125x16x128xi32, #tpu.memory_space<hbm>> -> memref<1x16x128xi32, #tpu.memory_space<hbm>>
        %dma_wait3A_699 = tpu.memref_squeeze %dma_wait3A_698 : memref<1x16x128xi32, #tpu.memory_space<hbm>> -> memref<16x128xi32, #tpu.memory_space<hbm>>
        %dma_wait3A_700 = arith.constant 0 : i32
        %dma_wait3A_701 = arith.constant 0 : i32
        %dma_wait3A_702 = tpu.memref_slice %arg3[%add3A_42, %dma_wait3A_700, %dma_wait3A_701] : memref<3125x16x128xi32, #tpu.memory_space<hbm>> -> memref<1x16x128xi32, #tpu.memory_space<hbm>>
        %dma_wait3A_703 = tpu.memref_squeeze %dma_wait3A_702 : memref<1x16x128xi32, #tpu.memory_space<hbm>> -> memref<16x128xi32, #tpu.memory_space<hbm>>
        tpu.wait_dma2 semaphore(%run_scoped3A : memref<!tpu.dma_semaphore, #tpu.memory_space<semaphore_mem>>) src(%dma_wait3A_703 : memref<16x128xi32, #tpu.memory_space<hbm>>) dst(%arg6 : memref<16x128xi32, #tpu.memory_space<vmem>>)
        tpu.yield
      }) : () -> ()
      "tpu.region"() ({
        %run_scoped3A = tpu.sem_alloc : memref<!tpu.dma_semaphore, #tpu.memory_space<semaphore_mem>>
        %dma_start3A_688 = arith.constant 0 : i32
        %dma_start3A_689 = arith.constant 0 : i32
        %dma_start3A_690 = tpu.memref_slice %arg4[%add3A_42, %dma_start3A_688, %dma_start3A_689] : memref<3125x16x128xi32, #tpu.memory_space<hbm>> -> memref<1x16x128xi32, #tpu.memory_space<hbm>>
        %dma_start3A_691 = tpu.memref_squeeze %dma_start3A_690 : memref<1x16x128xi32, #tpu.memory_space<hbm>> -> memref<16x128xi32, #tpu.memory_space<hbm>>
        %dma_start3A_692 = arith.constant 0 : i32
        %dma_start3A_693 = arith.constant 0 : i32
        %dma_start3A_694 = tpu.memref_slice %arg4[%add3A_42, %dma_start3A_692, %dma_start3A_693] : memref<3125x16x128xi32, #tpu.memory_space<hbm>> -> memref<1x16x128xi32, #tpu.memory_space<hbm>>
        %dma_start3A_695 = tpu.memref_squeeze %dma_start3A_694 : memref<1x16x128xi32, #tpu.memory_space<hbm>> -> memref<16x128xi32, #tpu.memory_space<hbm>>
        tpu.enqueue_dma source(%dma_start3A_695 : memref<16x128xi32, #tpu.memory_space<hbm>>) target(%arg7 : memref<16x128xi32, #tpu.memory_space<vmem>>) target_semaphore(%run_scoped3A : memref<!tpu.dma_semaphore, #tpu.memory_space<semaphore_mem>>)
        %dma_wait3A_696 = arith.constant 0 : i32
        %dma_wait3A_697 = arith.constant 0 : i32
        %dma_wait3A_698 = tpu.memref_slice %arg4[%add3A_42, %dma_wait3A_696, %dma_wait3A_697] : memref<3125x16x128xi32, #tpu.memory_space<hbm>> -> memref<1x16x128xi32, #tpu.memory_space<hbm>>
        %dma_wait3A_699 = tpu.memref_squeeze %dma_wait3A_698 : memref<1x16x128xi32, #tpu.memory_space<hbm>> -> memref<16x128xi32, #tpu.memory_space<hbm>>
        %dma_wait3A_700 = arith.constant 0 : i32
        %dma_wait3A_701 = arith.constant 0 : i32
        %dma_wait3A_702 = tpu.memref_slice %arg4[%add3A_42, %dma_wait3A_700, %dma_wait3A_701] : memref<3125x16x128xi32, #tpu.memory_space<hbm>> -> memref<1x16x128xi32, #tpu.memory_space<hbm>>
        %dma_wait3A_703 = tpu.memref_squeeze %dma_wait3A_702 : memref<1x16x128xi32, #tpu.memory_space<hbm>> -> memref<16x128xi32, #tpu.memory_space<hbm>>
        tpu.wait_dma2 semaphore(%run_scoped3A : memref<!tpu.dma_semaphore, #tpu.memory_space<semaphore_mem>>) src(%dma_wait3A_703 : memref<16x128xi32, #tpu.memory_space<hbm>>) dst(%arg7 : memref<16x128xi32, #tpu.memory_space<vmem>>)
        tpu.yield
      }) : () -> ()
      %dma_start3A = arith.constant 0 : i32
      %dma_start3A_45 = arith.constant 0 : i32
      %dma_start3A_46 = arith.constant 0 : i32
      %dma_start3A_47 = tpu.memref_slice %arg8[%dma_start3A_45, %dma_start3A_46] : memref<2048x3xf32, #tpu.memory_space<vmem>> -> memref<128x3xf32, #tpu.memory_space<vmem>>
      %dma_start3A_48 = arith.constant 0 : i32
      %dma_start3A_49 = tpu.memref_slice %arg6[%dma_start3A, %dma_start3A_48] : memref<16x128xi32, #tpu.memory_space<vmem>> -> memref<1x128xi32, #tpu.memory_space<vmem>>
      %dma_start3A_50 = tpu.memref_squeeze %dma_start3A_49 : memref<1x128xi32, #tpu.memory_space<vmem>> -> memref<128xi32, #tpu.memory_space<vmem>>
      %dma_start3A_51 = arith.constant 0 : i32
      %dma_start3A_52 = arith.constant 0 : i32
      %dma_start3A_53 = tpu.memref_slice %arg2[%dma_start3A_51, %dma_start3A_52] : memref<100000x3xf32, #tpu.memory_space<hbm>> -> memref<100000x3xf32, #tpu.memory_space<hbm>>
      tpu.enqueue_indirect_dma source(%dma_start3A_53 : memref<100000x3xf32, #tpu.memory_space<hbm>>) target(%dma_start3A_47 : memref<128x3xf32, #tpu.memory_space<vmem>>) offsets(%dma_start3A_50 : memref<128xi32, #tpu.memory_space<vmem>>) semaphore(%arg11 : memref<!tpu.dma_semaphore, #tpu.memory_space<semaphore_mem>>)
      %dma_start3A_54 = arith.constant 0 : i32
      %dma_start3A_55 = arith.constant 0 : i32
      %dma_start3A_56 = arith.constant 0 : i32
      %dma_start3A_57 = tpu.memref_slice %arg9[%dma_start3A_55, %dma_start3A_56] : memref<2048x3xf32, #tpu.memory_space<vmem>> -> memref<128x3xf32, #tpu.memory_space<vmem>>
      %dma_start3A_58 = arith.constant 0 : i32
      %dma_start3A_59 = tpu.memref_slice %arg7[%dma_start3A_54, %dma_start3A_58] : memref<16x128xi32, #tpu.memory_space<vmem>> -> memref<1x128xi32, #tpu.memory_space<vmem>>
      %dma_start3A_60 = tpu.memref_squeeze %dma_start3A_59 : memref<1x128xi32, #tpu.memory_space<vmem>> -> memref<128xi32, #tpu.memory_space<vmem>>
      %dma_start3A_61 = arith.constant 0 : i32
      %dma_start3A_62 = arith.constant 0 : i32
      %dma_start3A_63 = tpu.memref_slice %arg2[%dma_start3A_61, %dma_start3A_62] : memref<100000x3xf32, #tpu.memory_space<hbm>> -> memref<100000x3xf32, #tpu.memory_space<hbm>>
      tpu.enqueue_indirect_dma source(%dma_start3A_63 : memref<100000x3xf32, #tpu.memory_space<hbm>>) target(%dma_start3A_57 : memref<128x3xf32, #tpu.memory_space<vmem>>) offsets(%dma_start3A_60 : memref<128xi32, #tpu.memory_space<vmem>>) semaphore(%arg11 : memref<!tpu.dma_semaphore, #tpu.memory_space<semaphore_mem>>)
      %dma_start3A_64 = arith.constant 1 : i32
      %dma_start3A_65 = arith.constant 128 : i32
      %dma_start3A_66 = arith.constant 0 : i32
      %dma_start3A_67 = tpu.memref_slice %arg8[%dma_start3A_65, %dma_start3A_66] : memref<2048x3xf32, #tpu.memory_space<vmem>> -> memref<128x3xf32, #tpu.memory_space<vmem>>
      %dma_start3A_68 = arith.constant 0 : i32
      %dma_start3A_69 = tpu.memref_slice %arg6[%dma_start3A_64, %dma_start3A_68] : memref<16x128xi32, #tpu.memory_space<vmem>> -> memref<1x128xi32, #tpu.memory_space<vmem>>
      %dma_start3A_70 = tpu.memref_squeeze %dma_start3A_69 : memref<1x128xi32, #tpu.memory_space<vmem>> -> memref<128xi32, #tpu.memory_space<vmem>>
      %dma_start3A_71 = arith.constant 0 : i32
      %dma_start3A_72 = arith.constant 0 : i32
      %dma_start3A_73 = tpu.memref_slice %arg2[%dma_start3A_71, %dma_start3A_72] : memref<100000x3xf32, #tpu.memory_space<hbm>> -> memref<100000x3xf32, #tpu.memory_space<hbm>>
      tpu.enqueue_indirect_dma source(%dma_start3A_73 : memref<100000x3xf32, #tpu.memory_space<hbm>>) target(%dma_start3A_67 : memref<128x3xf32, #tpu.memory_space<vmem>>) offsets(%dma_start3A_70 : memref<128xi32, #tpu.memory_space<vmem>>) semaphore(%arg11 : memref<!tpu.dma_semaphore, #tpu.memory_space<semaphore_mem>>)
      %dma_start3A_74 = arith.constant 1 : i32
      %dma_start3A_75 = arith.constant 128 : i32
      %dma_start3A_76 = arith.constant 0 : i32
      %dma_start3A_77 = tpu.memref_slice %arg9[%dma_start3A_75, %dma_start3A_76] : memref<2048x3xf32, #tpu.memory_space<vmem>> -> memref<128x3xf32, #tpu.memory_space<vmem>>
      %dma_start3A_78 = arith.constant 0 : i32
      %dma_start3A_79 = tpu.memref_slice %arg7[%dma_start3A_74, %dma_start3A_78] : memref<16x128xi32, #tpu.memory_space<vmem>> -> memref<1x128xi32, #tpu.memory_space<vmem>>
      %dma_start3A_80 = tpu.memref_squeeze %dma_start3A_79 : memref<1x128xi32, #tpu.memory_space<vmem>> -> memref<128xi32, #tpu.memory_space<vmem>>
      %dma_start3A_81 = arith.constant 0 : i32
      %dma_start3A_82 = arith.constant 0 : i32
      %dma_start3A_83 = tpu.memref_slice %arg2[%dma_start3A_81, %dma_start3A_82] : memref<100000x3xf32, #tpu.memory_space<hbm>> -> memref<100000x3xf32, #tpu.memory_space<hbm>>
      tpu.enqueue_indirect_dma source(%dma_start3A_83 : memref<100000x3xf32, #tpu.memory_space<hbm>>) target(%dma_start3A_77 : memref<128x3xf32, #tpu.memory_space<vmem>>) offsets(%dma_start3A_80 : memref<128xi32, #tpu.memory_space<vmem>>) semaphore(%arg11 : memref<!tpu.dma_semaphore, #tpu.memory_space<semaphore_mem>>)
      %dma_start3A_84 = arith.constant 2 : i32
      %dma_start3A_85 = arith.constant 256 : i32
      %dma_start3A_86 = arith.constant 0 : i32
      %dma_start3A_87 = tpu.memref_slice %arg8[%dma_start3A_85, %dma_start3A_86] : memref<2048x3xf32, #tpu.memory_space<vmem>> -> memref<128x3xf32, #tpu.memory_space<vmem>>
      %dma_start3A_88 = arith.constant 0 : i32
      %dma_start3A_89 = tpu.memref_slice %arg6[%dma_start3A_84, %dma_start3A_88] : memref<16x128xi32, #tpu.memory_space<vmem>> -> memref<1x128xi32, #tpu.memory_space<vmem>>
      %dma_start3A_90 = tpu.memref_squeeze %dma_start3A_89 : memref<1x128xi32, #tpu.memory_space<vmem>> -> memref<128xi32, #tpu.memory_space<vmem>>
      %dma_start3A_91 = arith.constant 0 : i32
      %dma_start3A_92 = arith.constant 0 : i32
      %dma_start3A_93 = tpu.memref_slice %arg2[%dma_start3A_91, %dma_start3A_92] : memref<100000x3xf32, #tpu.memory_space<hbm>> -> memref<100000x3xf32, #tpu.memory_space<hbm>>
      tpu.enqueue_indirect_dma source(%dma_start3A_93 : memref<100000x3xf32, #tpu.memory_space<hbm>>) target(%dma_start3A_87 : memref<128x3xf32, #tpu.memory_space<vmem>>) offsets(%dma_start3A_90 : memref<128xi32, #tpu.memory_space<vmem>>) semaphore(%arg11 : memref<!tpu.dma_semaphore, #tpu.memory_space<semaphore_mem>>)
      %dma_start3A_94 = arith.constant 2 : i32
      %dma_start3A_95 = arith.constant 256 : i32
      %dma_start3A_96 = arith.constant 0 : i32
      %dma_start3A_97 = tpu.memref_slice %arg9[%dma_start3A_95, %dma_start3A_96] : memref<2048x3xf32, #tpu.memory_space<vmem>> -> memref<128x3xf32, #tpu.memory_space<vmem>>
      %dma_start3A_98 = arith.constant 0 : i32
      %dma_start3A_99 = tpu.memref_slice %arg7[%dma_start3A_94, %dma_start3A_98] : memref<16x128xi32, #tpu.memory_space<vmem>> -> memref<1x128xi32, #tpu.memory_space<vmem>>
      %dma_start3A_100 = tpu.memref_squeeze %dma_start3A_99 : memref<1x128xi32, #tpu.memory_space<vmem>> -> memref<128xi32, #tpu.memory_space<vmem>>
      %dma_start3A_101 = arith.constant 0 : i32
      %dma_start3A_102 = arith.constant 0 : i32
      %dma_start3A_103 = tpu.memref_slice %arg2[%dma_start3A_101, %dma_start3A_102] : memref<100000x3xf32, #tpu.memory_space<hbm>> -> memref<100000x3xf32, #tpu.memory_space<hbm>>
      tpu.enqueue_indirect_dma source(%dma_start3A_103 : memref<100000x3xf32, #tpu.memory_space<hbm>>) target(%dma_start3A_97 : memref<128x3xf32, #tpu.memory_space<vmem>>) offsets(%dma_start3A_100 : memref<128xi32, #tpu.memory_space<vmem>>) semaphore(%arg11 : memref<!tpu.dma_semaphore, #tpu.memory_space<semaphore_mem>>)
      %dma_start3A_104 = arith.constant 3 : i32
      %dma_start3A_105 = arith.constant 384 : i32
      %dma_start3A_106 = arith.constant 0 : i32
      %dma_start3A_107 = tpu.memref_slice %arg8[%dma_start3A_105, %dma_start3A_106] : memref<2048x3xf32, #tpu.memory_space<vmem>> -> memref<128x3xf32, #tpu.memory_space<vmem>>
      %dma_start3A_108 = arith.constant 0 : i32
      %dma_start3A_109 = tpu.memref_slice %arg6[%dma_start3A_104, %dma_start3A_108] : memref<16x128xi32, #tpu.memory_space<vmem>> -> memref<1x128xi32, #tpu.memory_space<vmem>>
      %dma_start3A_110 = tpu.memref_squeeze %dma_start3A_109 : memref<1x128xi32, #tpu.memory_space<vmem>> -> memref<128xi32, #tpu.memory_space<vmem>>
      %dma_start3A_111 = arith.constant 0 : i32
      %dma_start3A_112 = arith.constant 0 : i32
      %dma_start3A_113 = tpu.memref_slice %arg2[%dma_start3A_111, %dma_start3A_112] : memref<100000x3xf32, #tpu.memory_space<hbm>> -> memref<100000x3xf32, #tpu.memory_space<hbm>>
      tpu.enqueue_indirect_dma source(%dma_start3A_113 : memref<100000x3xf32, #tpu.memory_space<hbm>>) target(%dma_start3A_107 : memref<128x3xf32, #tpu.memory_space<vmem>>) offsets(%dma_start3A_110 : memref<128xi32, #tpu.memory_space<vmem>>) semaphore(%arg11 : memref<!tpu.dma_semaphore, #tpu.memory_space<semaphore_mem>>)
      %dma_start3A_114 = arith.constant 3 : i32
      %dma_start3A_115 = arith.constant 384 : i32
      %dma_start3A_116 = arith.constant 0 : i32
      %dma_start3A_117 = tpu.memref_slice %arg9[%dma_start3A_115, %dma_start3A_116] : memref<2048x3xf32, #tpu.memory_space<vmem>> -> memref<128x3xf32, #tpu.memory_space<vmem>>
      %dma_start3A_118 = arith.constant 0 : i32
      %dma_start3A_119 = tpu.memref_slice %arg7[%dma_start3A_114, %dma_start3A_118] : memref<16x128xi32, #tpu.memory_space<vmem>> -> memref<1x128xi32, #tpu.memory_space<vmem>>
      %dma_start3A_120 = tpu.memref_squeeze %dma_start3A_119 : memref<1x128xi32, #tpu.memory_space<vmem>> -> memref<128xi32, #tpu.memory_space<vmem>>
      %dma_start3A_121 = arith.constant 0 : i32
      %dma_start3A_122 = arith.constant 0 : i32
      %dma_start3A_123 = tpu.memref_slice %arg2[%dma_start3A_121, %dma_start3A_122] : memref<100000x3xf32, #tpu.memory_space<hbm>> -> memref<100000x3xf32, #tpu.memory_space<hbm>>
      tpu.enqueue_indirect_dma source(%dma_start3A_123 : memref<100000x3xf32, #tpu.memory_space<hbm>>) target(%dma_start3A_117 : memref<128x3xf32, #tpu.memory_space<vmem>>) offsets(%dma_start3A_120 : memref<128xi32, #tpu.memory_space<vmem>>) semaphore(%arg11 : memref<!tpu.dma_semaphore, #tpu.memory_space<semaphore_mem>>)
      %dma_start3A_124 = arith.constant 4 : i32
      %dma_start3A_125 = arith.constant 512 : i32
      %dma_start3A_126 = arith.constant 0 : i32
      %dma_start3A_127 = tpu.memref_slice %arg8[%dma_start3A_125, %dma_start3A_126] : memref<2048x3xf32, #tpu.memory_space<vmem>> -> memref<128x3xf32, #tpu.memory_space<vmem>>
      %dma_start3A_128 = arith.constant 0 : i32
      %dma_start3A_129 = tpu.memref_slice %arg6[%dma_start3A_124, %dma_start3A_128] : memref<16x128xi32, #tpu.memory_space<vmem>> -> memref<1x128xi32, #tpu.memory_space<vmem>>
      %dma_start3A_130 = tpu.memref_squeeze %dma_start3A_129 : memref<1x128xi32, #tpu.memory_space<vmem>> -> memref<128xi32, #tpu.memory_space<vmem>>
      %dma_start3A_131 = arith.constant 0 : i32
      %dma_start3A_132 = arith.constant 0 : i32
      %dma_start3A_133 = tpu.memref_slice %arg2[%dma_start3A_131, %dma_start3A_132] : memref<100000x3xf32, #tpu.memory_space<hbm>> -> memref<100000x3xf32, #tpu.memory_space<hbm>>
      tpu.enqueue_indirect_dma source(%dma_start3A_133 : memref<100000x3xf32, #tpu.memory_space<hbm>>) target(%dma_start3A_127 : memref<128x3xf32, #tpu.memory_space<vmem>>) offsets(%dma_start3A_130 : memref<128xi32, #tpu.memory_space<vmem>>) semaphore(%arg11 : memref<!tpu.dma_semaphore, #tpu.memory_space<semaphore_mem>>)
      %dma_start3A_134 = arith.constant 4 : i32
      %dma_start3A_135 = arith.constant 512 : i32
      %dma_start3A_136 = arith.constant 0 : i32
      %dma_start3A_137 = tpu.memref_slice %arg9[%dma_start3A_135, %dma_start3A_136] : memref<2048x3xf32, #tpu.memory_space<vmem>> -> memref<128x3xf32, #tpu.memory_space<vmem>>
      %dma_start3A_138 = arith.constant 0 : i32
      %dma_start3A_139 = tpu.memref_slice %arg7[%dma_start3A_134, %dma_start3A_138] : memref<16x128xi32, #tpu.memory_space<vmem>> -> memref<1x128xi32, #tpu.memory_space<vmem>>
      %dma_start3A_140 = tpu.memref_squeeze %dma_start3A_139 : memref<1x128xi32, #tpu.memory_space<vmem>> -> memref<128xi32, #tpu.memory_space<vmem>>
      %dma_start3A_141 = arith.constant 0 : i32
      %dma_start3A_142 = arith.constant 0 : i32
      %dma_start3A_143 = tpu.memref_slice %arg2[%dma_start3A_141, %dma_start3A_142] : memref<100000x3xf32, #tpu.memory_space<hbm>> -> memref<100000x3xf32, #tpu.memory_space<hbm>>
      tpu.enqueue_indirect_dma source(%dma_start3A_143 : memref<100000x3xf32, #tpu.memory_space<hbm>>) target(%dma_start3A_137 : memref<128x3xf32, #tpu.memory_space<vmem>>) offsets(%dma_start3A_140 : memref<128xi32, #tpu.memory_space<vmem>>) semaphore(%arg11 : memref<!tpu.dma_semaphore, #tpu.memory_space<semaphore_mem>>)
      %dma_start3A_144 = arith.constant 5 : i32
      %dma_start3A_145 = arith.constant 640 : i32
      %dma_start3A_146 = arith.constant 0 : i32
      %dma_start3A_147 = tpu.memref_slice %arg8[%dma_start3A_145, %dma_start3A_146] : memref<2048x3xf32, #tpu.memory_space<vmem>> -> memref<128x3xf32, #tpu.memory_space<vmem>>
      %dma_start3A_148 = arith.constant 0 : i32
      %dma_start3A_149 = tpu.memref_slice %arg6[%dma_start3A_144, %dma_start3A_148] : memref<16x128xi32, #tpu.memory_space<vmem>> -> memref<1x128xi32, #tpu.memory_space<vmem>>
      %dma_start3A_150 = tpu.memref_squeeze %dma_start3A_149 : memref<1x128xi32, #tpu.memory_space<vmem>> -> memref<128xi32, #tpu.memory_space<vmem>>
      %dma_start3A_151 = arith.constant 0 : i32
      %dma_start3A_152 = arith.constant 0 : i32
      %dma_start3A_153 = tpu.memref_slice %arg2[%dma_start3A_151, %dma_start3A_152] : memref<100000x3xf32, #tpu.memory_space<hbm>> -> memref<100000x3xf32, #tpu.memory_space<hbm>>
      tpu.enqueue_indirect_dma source(%dma_start3A_153 : memref<100000x3xf32, #tpu.memory_space<hbm>>) target(%dma_start3A_147 : memref<128x3xf32, #tpu.memory_space<vmem>>) offsets(%dma_start3A_150 : memref<128xi32, #tpu.memory_space<vmem>>) semaphore(%arg11 : memref<!tpu.dma_semaphore, #tpu.memory_space<semaphore_mem>>)
      %dma_start3A_154 = arith.constant 5 : i32
      %dma_start3A_155 = arith.constant 640 : i32
      %dma_start3A_156 = arith.constant 0 : i32
      %dma_start3A_157 = tpu.memref_slice %arg9[%dma_start3A_155, %dma_start3A_156] : memref<2048x3xf32, #tpu.memory_space<vmem>> -> memref<128x3xf32, #tpu.memory_space<vmem>>
      %dma_start3A_158 = arith.constant 0 : i32
      %dma_start3A_159 = tpu.memref_slice %arg7[%dma_start3A_154, %dma_start3A_158] : memref<16x128xi32, #tpu.memory_space<vmem>> -> memref<1x128xi32, #tpu.memory_space<vmem>>
      %dma_start3A_160 = tpu.memref_squeeze %dma_start3A_159 : memref<1x128xi32, #tpu.memory_space<vmem>> -> memref<128xi32, #tpu.memory_space<vmem>>
      %dma_start3A_161 = arith.constant 0 : i32
      %dma_start3A_162 = arith.constant 0 : i32
      %dma_start3A_163 = tpu.memref_slice %arg2[%dma_start3A_161, %dma_start3A_162] : memref<100000x3xf32, #tpu.memory_space<hbm>> -> memref<100000x3xf32, #tpu.memory_space<hbm>>
      tpu.enqueue_indirect_dma source(%dma_start3A_163 : memref<100000x3xf32, #tpu.memory_space<hbm>>) target(%dma_start3A_157 : memref<128x3xf32, #tpu.memory_space<vmem>>) offsets(%dma_start3A_160 : memref<128xi32, #tpu.memory_space<vmem>>) semaphore(%arg11 : memref<!tpu.dma_semaphore, #tpu.memory_space<semaphore_mem>>)
      %dma_start3A_164 = arith.constant 6 : i32
      %dma_start3A_165 = arith.constant 768 : i32
      %dma_start3A_166 = arith.constant 0 : i32
      %dma_start3A_167 = tpu.memref_slice %arg8[%dma_start3A_165, %dma_start3A_166] : memref<2048x3xf32, #tpu.memory_space<vmem>> -> memref<128x3xf32, #tpu.memory_space<vmem>>
      %dma_start3A_168 = arith.constant 0 : i32
      %dma_start3A_169 = tpu.memref_slice %arg6[%dma_start3A_164, %dma_start3A_168] : memref<16x128xi32, #tpu.memory_space<vmem>> -> memref<1x128xi32, #tpu.memory_space<vmem>>
      %dma_start3A_170 = tpu.memref_squeeze %dma_start3A_169 : memref<1x128xi32, #tpu.memory_space<vmem>> -> memref<128xi32, #tpu.memory_space<vmem>>
      %dma_start3A_171 = arith.constant 0 : i32
      %dma_start3A_172 = arith.constant 0 : i32
      %dma_start3A_173 = tpu.memref_slice %arg2[%dma_start3A_171, %dma_start3A_172] : memref<100000x3xf32, #tpu.memory_space<hbm>> -> memref<100000x3xf32, #tpu.memory_space<hbm>>
      tpu.enqueue_indirect_dma source(%dma_start3A_173 : memref<100000x3xf32, #tpu.memory_space<hbm>>) target(%dma_start3A_167 : memref<128x3xf32, #tpu.memory_space<vmem>>) offsets(%dma_start3A_170 : memref<128xi32, #tpu.memory_space<vmem>>) semaphore(%arg11 : memref<!tpu.dma_semaphore, #tpu.memory_space<semaphore_mem>>)
      %dma_start3A_174 = arith.constant 6 : i32
      %dma_start3A_175 = arith.constant 768 : i32
      %dma_start3A_176 = arith.constant 0 : i32
      %dma_start3A_177 = tpu.memref_slice %arg9[%dma_start3A_175, %dma_start3A_176] : memref<2048x3xf32, #tpu.memory_space<vmem>> -> memref<128x3xf32, #tpu.memory_space<vmem>>
      %dma_start3A_178 = arith.constant 0 : i32
      %dma_start3A_179 = tpu.memref_slice %arg7[%dma_start3A_174, %dma_start3A_178] : memref<16x128xi32, #tpu.memory_space<vmem>> -> memref<1x128xi32, #tpu.memory_space<vmem>>
      %dma_start3A_180 = tpu.memref_squeeze %dma_start3A_179 : memref<1x128xi32, #tpu.memory_space<vmem>> -> memref<128xi32, #tpu.memory_space<vmem>>
      %dma_start3A_181 = arith.constant 0 : i32
      %dma_start3A_182 = arith.constant 0 : i32
      %dma_start3A_183 = tpu.memref_slice %arg2[%dma_start3A_181, %dma_start3A_182] : memref<100000x3xf32, #tpu.memory_space<hbm>> -> memref<100000x3xf32, #tpu.memory_space<hbm>>
      tpu.enqueue_indirect_dma source(%dma_start3A_183 : memref<100000x3xf32, #tpu.memory_space<hbm>>) target(%dma_start3A_177 : memref<128x3xf32, #tpu.memory_space<vmem>>) offsets(%dma_start3A_180 : memref<128xi32, #tpu.memory_space<vmem>>) semaphore(%arg11 : memref<!tpu.dma_semaphore, #tpu.memory_space<semaphore_mem>>)
      %dma_start3A_184 = arith.constant 7 : i32
      %dma_start3A_185 = arith.constant 896 : i32
      %dma_start3A_186 = arith.constant 0 : i32
      %dma_start3A_187 = tpu.memref_slice %arg8[%dma_start3A_185, %dma_start3A_186] : memref<2048x3xf32, #tpu.memory_space<vmem>> -> memref<128x3xf32, #tpu.memory_space<vmem>>
      %dma_start3A_188 = arith.constant 0 : i32
      %dma_start3A_189 = tpu.memref_slice %arg6[%dma_start3A_184, %dma_start3A_188] : memref<16x128xi32, #tpu.memory_space<vmem>> -> memref<1x128xi32, #tpu.memory_space<vmem>>
      %dma_start3A_190 = tpu.memref_squeeze %dma_start3A_189 : memref<1x128xi32, #tpu.memory_space<vmem>> -> memref<128xi32, #tpu.memory_space<vmem>>
      %dma_start3A_191 = arith.constant 0 : i32
      %dma_start3A_192 = arith.constant 0 : i32
      %dma_start3A_193 = tpu.memref_slice %arg2[%dma_start3A_191, %dma_start3A_192] : memref<100000x3xf32, #tpu.memory_space<hbm>> -> memref<100000x3xf32, #tpu.memory_space<hbm>>
      tpu.enqueue_indirect_dma source(%dma_start3A_193 : memref<100000x3xf32, #tpu.memory_space<hbm>>) target(%dma_start3A_187 : memref<128x3xf32, #tpu.memory_space<vmem>>) offsets(%dma_start3A_190 : memref<128xi32, #tpu.memory_space<vmem>>) semaphore(%arg11 : memref<!tpu.dma_semaphore, #tpu.memory_space<semaphore_mem>>)
      %dma_start3A_194 = arith.constant 7 : i32
      %dma_start3A_195 = arith.constant 896 : i32
      %dma_start3A_196 = arith.constant 0 : i32
      %dma_start3A_197 = tpu.memref_slice %arg9[%dma_start3A_195, %dma_start3A_196] : memref<2048x3xf32, #tpu.memory_space<vmem>> -> memref<128x3xf32, #tpu.memory_space<vmem>>
      %dma_start3A_198 = arith.constant 0 : i32
      %dma_start3A_199 = tpu.memref_slice %arg7[%dma_start3A_194, %dma_start3A_198] : memref<16x128xi32, #tpu.memory_space<vmem>> -> memref<1x128xi32, #tpu.memory_space<vmem>>
      %dma_start3A_200 = tpu.memref_squeeze %dma_start3A_199 : memref<1x128xi32, #tpu.memory_space<vmem>> -> memref<128xi32, #tpu.memory_space<vmem>>
      %dma_start3A_201 = arith.constant 0 : i32
      %dma_start3A_202 = arith.constant 0 : i32
      %dma_start3A_203 = tpu.memref_slice %arg2[%dma_start3A_201, %dma_start3A_202] : memref<100000x3xf32, #tpu.memory_space<hbm>> -> memref<100000x3xf32, #tpu.memory_space<hbm>>
      tpu.enqueue_indirect_dma source(%dma_start3A_203 : memref<100000x3xf32, #tpu.memory_space<hbm>>) target(%dma_start3A_197 : memref<128x3xf32, #tpu.memory_space<vmem>>) offsets(%dma_start3A_200 : memref<128xi32, #tpu.memory_space<vmem>>) semaphore(%arg11 : memref<!tpu.dma_semaphore, #tpu.memory_space<semaphore_mem>>)
      %dma_start3A_204 = arith.constant 8 : i32
      %dma_start3A_205 = arith.constant 1024 : i32
      %dma_start3A_206 = arith.constant 0 : i32
      %dma_start3A_207 = tpu.memref_slice %arg8[%dma_start3A_205, %dma_start3A_206] : memref<2048x3xf32, #tpu.memory_space<vmem>> -> memref<128x3xf32, #tpu.memory_space<vmem>>
      %dma_start3A_208 = arith.constant 0 : i32
      %dma_start3A_209 = tpu.memref_slice %arg6[%dma_start3A_204, %dma_start3A_208] : memref<16x128xi32, #tpu.memory_space<vmem>> -> memref<1x128xi32, #tpu.memory_space<vmem>>
      %dma_start3A_210 = tpu.memref_squeeze %dma_start3A_209 : memref<1x128xi32, #tpu.memory_space<vmem>> -> memref<128xi32, #tpu.memory_space<vmem>>
      %dma_start3A_211 = arith.constant 0 : i32
      %dma_start3A_212 = arith.constant 0 : i32
      %dma_start3A_213 = tpu.memref_slice %arg2[%dma_start3A_211, %dma_start3A_212] : memref<100000x3xf32, #tpu.memory_space<hbm>> -> memref<100000x3xf32, #tpu.memory_space<hbm>>
      tpu.enqueue_indirect_dma source(%dma_start3A_213 : memref<100000x3xf32, #tpu.memory_space<hbm>>) target(%dma_start3A_207 : memref<128x3xf32, #tpu.memory_space<vmem>>) offsets(%dma_start3A_210 : memref<128xi32, #tpu.memory_space<vmem>>) semaphore(%arg11 : memref<!tpu.dma_semaphore, #tpu.memory_space<semaphore_mem>>)
      %dma_start3A_214 = arith.constant 8 : i32
      %dma_start3A_215 = arith.constant 1024 : i32
      %dma_start3A_216 = arith.constant 0 : i32
      %dma_start3A_217 = tpu.memref_slice %arg9[%dma_start3A_215, %dma_start3A_216] : memref<2048x3xf32, #tpu.memory_space<vmem>> -> memref<128x3xf32, #tpu.memory_space<vmem>>
      %dma_start3A_218 = arith.constant 0 : i32
      %dma_start3A_219 = tpu.memref_slice %arg7[%dma_start3A_214, %dma_start3A_218] : memref<16x128xi32, #tpu.memory_space<vmem>> -> memref<1x128xi32, #tpu.memory_space<vmem>>
      %dma_start3A_220 = tpu.memref_squeeze %dma_start3A_219 : memref<1x128xi32, #tpu.memory_space<vmem>> -> memref<128xi32, #tpu.memory_space<vmem>>
      %dma_start3A_221 = arith.constant 0 : i32
      %dma_start3A_222 = arith.constant 0 : i32
      %dma_start3A_223 = tpu.memref_slice %arg2[%dma_start3A_221, %dma_start3A_222] : memref<100000x3xf32, #tpu.memory_space<hbm>> -> memref<100000x3xf32, #tpu.memory_space<hbm>>
      tpu.enqueue_indirect_dma source(%dma_start3A_223 : memref<100000x3xf32, #tpu.memory_space<hbm>>) target(%dma_start3A_217 : memref<128x3xf32, #tpu.memory_space<vmem>>) offsets(%dma_start3A_220 : memref<128xi32, #tpu.memory_space<vmem>>) semaphore(%arg11 : memref<!tpu.dma_semaphore, #tpu.memory_space<semaphore_mem>>)
      %dma_start3A_224 = arith.constant 9 : i32
      %dma_start3A_225 = arith.constant 1152 : i32
      %dma_start3A_226 = arith.constant 0 : i32
      %dma_start3A_227 = tpu.memref_slice %arg8[%dma_start3A_225, %dma_start3A_226] : memref<2048x3xf32, #tpu.memory_space<vmem>> -> memref<128x3xf32, #tpu.memory_space<vmem>>
      %dma_start3A_228 = arith.constant 0 : i32
      %dma_start3A_229 = tpu.memref_slice %arg6[%dma_start3A_224, %dma_start3A_228] : memref<16x128xi32, #tpu.memory_space<vmem>> -> memref<1x128xi32, #tpu.memory_space<vmem>>
      %dma_start3A_230 = tpu.memref_squeeze %dma_start3A_229 : memref<1x128xi32, #tpu.memory_space<vmem>> -> memref<128xi32, #tpu.memory_space<vmem>>
      %dma_start3A_231 = arith.constant 0 : i32
      %dma_start3A_232 = arith.constant 0 : i32
      %dma_start3A_233 = tpu.memref_slice %arg2[%dma_start3A_231, %dma_start3A_232] : memref<100000x3xf32, #tpu.memory_space<hbm>> -> memref<100000x3xf32, #tpu.memory_space<hbm>>
      tpu.enqueue_indirect_dma source(%dma_start3A_233 : memref<100000x3xf32, #tpu.memory_space<hbm>>) target(%dma_start3A_227 : memref<128x3xf32, #tpu.memory_space<vmem>>) offsets(%dma_start3A_230 : memref<128xi32, #tpu.memory_space<vmem>>) semaphore(%arg11 : memref<!tpu.dma_semaphore, #tpu.memory_space<semaphore_mem>>)
      %dma_start3A_234 = arith.constant 9 : i32
      %dma_start3A_235 = arith.constant 1152 : i32
      %dma_start3A_236 = arith.constant 0 : i32
      %dma_start3A_237 = tpu.memref_slice %arg9[%dma_start3A_235, %dma_start3A_236] : memref<2048x3xf32, #tpu.memory_space<vmem>> -> memref<128x3xf32, #tpu.memory_space<vmem>>
      %dma_start3A_238 = arith.constant 0 : i32
      %dma_start3A_239 = tpu.memref_slice %arg7[%dma_start3A_234, %dma_start3A_238] : memref<16x128xi32, #tpu.memory_space<vmem>> -> memref<1x128xi32, #tpu.memory_space<vmem>>
      %dma_start3A_240 = tpu.memref_squeeze %dma_start3A_239 : memref<1x128xi32, #tpu.memory_space<vmem>> -> memref<128xi32, #tpu.memory_space<vmem>>
      %dma_start3A_241 = arith.constant 0 : i32
      %dma_start3A_242 = arith.constant 0 : i32
      %dma_start3A_243 = tpu.memref_slice %arg2[%dma_start3A_241, %dma_start3A_242] : memref<100000x3xf32, #tpu.memory_space<hbm>> -> memref<100000x3xf32, #tpu.memory_space<hbm>>
      tpu.enqueue_indirect_dma source(%dma_start3A_243 : memref<100000x3xf32, #tpu.memory_space<hbm>>) target(%dma_start3A_237 : memref<128x3xf32, #tpu.memory_space<vmem>>) offsets(%dma_start3A_240 : memref<128xi32, #tpu.memory_space<vmem>>) semaphore(%arg11 : memref<!tpu.dma_semaphore, #tpu.memory_space<semaphore_mem>>)
      %dma_start3A_244 = arith.constant 10 : i32
      %dma_start3A_245 = arith.constant 1280 : i32
      %dma_start3A_246 = arith.constant 0 : i32
      %dma_start3A_247 = tpu.memref_slice %arg8[%dma_start3A_245, %dma_start3A_246] : memref<2048x3xf32, #tpu.memory_space<vmem>> -> memref<128x3xf32, #tpu.memory_space<vmem>>
      %dma_start3A_248 = arith.constant 0 : i32
      %dma_start3A_249 = tpu.memref_slice %arg6[%dma_start3A_244, %dma_start3A_248] : memref<16x128xi32, #tpu.memory_space<vmem>> -> memref<1x128xi32, #tpu.memory_space<vmem>>
      %dma_start3A_250 = tpu.memref_squeeze %dma_start3A_249 : memref<1x128xi32, #tpu.memory_space<vmem>> -> memref<128xi32, #tpu.memory_space<vmem>>
      %dma_start3A_251 = arith.constant 0 : i32
      %dma_start3A_252 = arith.constant 0 : i32
      %dma_start3A_253 = tpu.memref_slice %arg2[%dma_start3A_251, %dma_start3A_252] : memref<100000x3xf32, #tpu.memory_space<hbm>> -> memref<100000x3xf32, #tpu.memory_space<hbm>>
      tpu.enqueue_indirect_dma source(%dma_start3A_253 : memref<100000x3xf32, #tpu.memory_space<hbm>>) target(%dma_start3A_247 : memref<128x3xf32, #tpu.memory_space<vmem>>) offsets(%dma_start3A_250 : memref<128xi32, #tpu.memory_space<vmem>>) semaphore(%arg11 : memref<!tpu.dma_semaphore, #tpu.memory_space<semaphore_mem>>)
      %dma_start3A_254 = arith.constant 10 : i32
      %dma_start3A_255 = arith.constant 1280 : i32
      %dma_start3A_256 = arith.constant 0 : i32
      %dma_start3A_257 = tpu.memref_slice %arg9[%dma_start3A_255, %dma_start3A_256] : memref<2048x3xf32, #tpu.memory_space<vmem>> -> memref<128x3xf32, #tpu.memory_space<vmem>>
      %dma_start3A_258 = arith.constant 0 : i32
      %dma_start3A_259 = tpu.memref_slice %arg7[%dma_start3A_254, %dma_start3A_258] : memref<16x128xi32, #tpu.memory_space<vmem>> -> memref<1x128xi32, #tpu.memory_space<vmem>>
      %dma_start3A_260 = tpu.memref_squeeze %dma_start3A_259 : memref<1x128xi32, #tpu.memory_space<vmem>> -> memref<128xi32, #tpu.memory_space<vmem>>
      %dma_start3A_261 = arith.constant 0 : i32
      %dma_start3A_262 = arith.constant 0 : i32
      %dma_start3A_263 = tpu.memref_slice %arg2[%dma_start3A_261, %dma_start3A_262] : memref<100000x3xf32, #tpu.memory_space<hbm>> -> memref<100000x3xf32, #tpu.memory_space<hbm>>
      tpu.enqueue_indirect_dma source(%dma_start3A_263 : memref<100000x3xf32, #tpu.memory_space<hbm>>) target(%dma_start3A_257 : memref<128x3xf32, #tpu.memory_space<vmem>>) offsets(%dma_start3A_260 : memref<128xi32, #tpu.memory_space<vmem>>) semaphore(%arg11 : memref<!tpu.dma_semaphore, #tpu.memory_space<semaphore_mem>>)
      %dma_start3A_264 = arith.constant 11 : i32
      %dma_start3A_265 = arith.constant 1408 : i32
      %dma_start3A_266 = arith.constant 0 : i32
      %dma_start3A_267 = tpu.memref_slice %arg8[%dma_start3A_265, %dma_start3A_266] : memref<2048x3xf32, #tpu.memory_space<vmem>> -> memref<128x3xf32, #tpu.memory_space<vmem>>
      %dma_start3A_268 = arith.constant 0 : i32
      %dma_start3A_269 = tpu.memref_slice %arg6[%dma_start3A_264, %dma_start3A_268] : memref<16x128xi32, #tpu.memory_space<vmem>> -> memref<1x128xi32, #tpu.memory_space<vmem>>
      %dma_start3A_270 = tpu.memref_squeeze %dma_start3A_269 : memref<1x128xi32, #tpu.memory_space<vmem>> -> memref<128xi32, #tpu.memory_space<vmem>>
      %dma_start3A_271 = arith.constant 0 : i32
      %dma_start3A_272 = arith.constant 0 : i32
      %dma_start3A_273 = tpu.memref_slice %arg2[%dma_start3A_271, %dma_start3A_272] : memref<100000x3xf32, #tpu.memory_space<hbm>> -> memref<100000x3xf32, #tpu.memory_space<hbm>>
      tpu.enqueue_indirect_dma source(%dma_start3A_273 : memref<100000x3xf32, #tpu.memory_space<hbm>>) target(%dma_start3A_267 : memref<128x3xf32, #tpu.memory_space<vmem>>) offsets(%dma_start3A_270 : memref<128xi32, #tpu.memory_space<vmem>>) semaphore(%arg11 : memref<!tpu.dma_semaphore, #tpu.memory_space<semaphore_mem>>)
      %dma_start3A_274 = arith.constant 11 : i32
      %dma_start3A_275 = arith.constant 1408 : i32
      %dma_start3A_276 = arith.constant 0 : i32
      %dma_start3A_277 = tpu.memref_slice %arg9[%dma_start3A_275, %dma_start3A_276] : memref<2048x3xf32, #tpu.memory_space<vmem>> -> memref<128x3xf32, #tpu.memory_space<vmem>>
      %dma_start3A_278 = arith.constant 0 : i32
      %dma_start3A_279 = tpu.memref_slice %arg7[%dma_start3A_274, %dma_start3A_278] : memref<16x128xi32, #tpu.memory_space<vmem>> -> memref<1x128xi32, #tpu.memory_space<vmem>>
      %dma_start3A_280 = tpu.memref_squeeze %dma_start3A_279 : memref<1x128xi32, #tpu.memory_space<vmem>> -> memref<128xi32, #tpu.memory_space<vmem>>
      %dma_start3A_281 = arith.constant 0 : i32
      %dma_start3A_282 = arith.constant 0 : i32
      %dma_start3A_283 = tpu.memref_slice %arg2[%dma_start3A_281, %dma_start3A_282] : memref<100000x3xf32, #tpu.memory_space<hbm>> -> memref<100000x3xf32, #tpu.memory_space<hbm>>
      tpu.enqueue_indirect_dma source(%dma_start3A_283 : memref<100000x3xf32, #tpu.memory_space<hbm>>) target(%dma_start3A_277 : memref<128x3xf32, #tpu.memory_space<vmem>>) offsets(%dma_start3A_280 : memref<128xi32, #tpu.memory_space<vmem>>) semaphore(%arg11 : memref<!tpu.dma_semaphore, #tpu.memory_space<semaphore_mem>>)
      %dma_start3A_284 = arith.constant 12 : i32
      %dma_start3A_285 = arith.constant 1536 : i32
      %dma_start3A_286 = arith.constant 0 : i32
      %dma_start3A_287 = tpu.memref_slice %arg8[%dma_start3A_285, %dma_start3A_286] : memref<2048x3xf32, #tpu.memory_space<vmem>> -> memref<128x3xf32, #tpu.memory_space<vmem>>
      %dma_start3A_288 = arith.constant 0 : i32
      %dma_start3A_289 = tpu.memref_slice %arg6[%dma_start3A_284, %dma_start3A_288] : memref<16x128xi32, #tpu.memory_space<vmem>> -> memref<1x128xi32, #tpu.memory_space<vmem>>
      %dma_start3A_290 = tpu.memref_squeeze %dma_start3A_289 : memref<1x128xi32, #tpu.memory_space<vmem>> -> memref<128xi32, #tpu.memory_space<vmem>>
      %dma_start3A_291 = arith.constant 0 : i32
      %dma_start3A_292 = arith.constant 0 : i32
      %dma_start3A_293 = tpu.memref_slice %arg2[%dma_start3A_291, %dma_start3A_292] : memref<100000x3xf32, #tpu.memory_space<hbm>> -> memref<100000x3xf32, #tpu.memory_space<hbm>>
      tpu.enqueue_indirect_dma source(%dma_start3A_293 : memref<100000x3xf32, #tpu.memory_space<hbm>>) target(%dma_start3A_287 : memref<128x3xf32, #tpu.memory_space<vmem>>) offsets(%dma_start3A_290 : memref<128xi32, #tpu.memory_space<vmem>>) semaphore(%arg11 : memref<!tpu.dma_semaphore, #tpu.memory_space<semaphore_mem>>)
      %dma_start3A_294 = arith.constant 12 : i32
      %dma_start3A_295 = arith.constant 1536 : i32
      %dma_start3A_296 = arith.constant 0 : i32
      %dma_start3A_297 = tpu.memref_slice %arg9[%dma_start3A_295, %dma_start3A_296] : memref<2048x3xf32, #tpu.memory_space<vmem>> -> memref<128x3xf32, #tpu.memory_space<vmem>>
      %dma_start3A_298 = arith.constant 0 : i32
      %dma_start3A_299 = tpu.memref_slice %arg7[%dma_start3A_294, %dma_start3A_298] : memref<16x128xi32, #tpu.memory_space<vmem>> -> memref<1x128xi32, #tpu.memory_space<vmem>>
      %dma_start3A_300 = tpu.memref_squeeze %dma_start3A_299 : memref<1x128xi32, #tpu.memory_space<vmem>> -> memref<128xi32, #tpu.memory_space<vmem>>
      %dma_start3A_301 = arith.constant 0 : i32
      %dma_start3A_302 = arith.constant 0 : i32
      %dma_start3A_303 = tpu.memref_slice %arg2[%dma_start3A_301, %dma_start3A_302] : memref<100000x3xf32, #tpu.memory_space<hbm>> -> memref<100000x3xf32, #tpu.memory_space<hbm>>
      tpu.enqueue_indirect_dma source(%dma_start3A_303 : memref<100000x3xf32, #tpu.memory_space<hbm>>) target(%dma_start3A_297 : memref<128x3xf32, #tpu.memory_space<vmem>>) offsets(%dma_start3A_300 : memref<128xi32, #tpu.memory_space<vmem>>) semaphore(%arg11 : memref<!tpu.dma_semaphore, #tpu.memory_space<semaphore_mem>>)
      %dma_start3A_304 = arith.constant 13 : i32
      %dma_start3A_305 = arith.constant 1664 : i32
      %dma_start3A_306 = arith.constant 0 : i32
      %dma_start3A_307 = tpu.memref_slice %arg8[%dma_start3A_305, %dma_start3A_306] : memref<2048x3xf32, #tpu.memory_space<vmem>> -> memref<128x3xf32, #tpu.memory_space<vmem>>
      %dma_start3A_308 = arith.constant 0 : i32
      %dma_start3A_309 = tpu.memref_slice %arg6[%dma_start3A_304, %dma_start3A_308] : memref<16x128xi32, #tpu.memory_space<vmem>> -> memref<1x128xi32, #tpu.memory_space<vmem>>
      %dma_start3A_310 = tpu.memref_squeeze %dma_start3A_309 : memref<1x128xi32, #tpu.memory_space<vmem>> -> memref<128xi32, #tpu.memory_space<vmem>>
      %dma_start3A_311 = arith.constant 0 : i32
      %dma_start3A_312 = arith.constant 0 : i32
      %dma_start3A_313 = tpu.memref_slice %arg2[%dma_start3A_311, %dma_start3A_312] : memref<100000x3xf32, #tpu.memory_space<hbm>> -> memref<100000x3xf32, #tpu.memory_space<hbm>>
      tpu.enqueue_indirect_dma source(%dma_start3A_313 : memref<100000x3xf32, #tpu.memory_space<hbm>>) target(%dma_start3A_307 : memref<128x3xf32, #tpu.memory_space<vmem>>) offsets(%dma_start3A_310 : memref<128xi32, #tpu.memory_space<vmem>>) semaphore(%arg11 : memref<!tpu.dma_semaphore, #tpu.memory_space<semaphore_mem>>)
      %dma_start3A_314 = arith.constant 13 : i32
      %dma_start3A_315 = arith.constant 1664 : i32
      %dma_start3A_316 = arith.constant 0 : i32
      %dma_start3A_317 = tpu.memref_slice %arg9[%dma_start3A_315, %dma_start3A_316] : memref<2048x3xf32, #tpu.memory_space<vmem>> -> memref<128x3xf32, #tpu.memory_space<vmem>>
      %dma_start3A_318 = arith.constant 0 : i32
      %dma_start3A_319 = tpu.memref_slice %arg7[%dma_start3A_314, %dma_start3A_318] : memref<16x128xi32, #tpu.memory_space<vmem>> -> memref<1x128xi32, #tpu.memory_space<vmem>>
      %dma_start3A_320 = tpu.memref_squeeze %dma_start3A_319 : memref<1x128xi32, #tpu.memory_space<vmem>> -> memref<128xi32, #tpu.memory_space<vmem>>
      %dma_start3A_321 = arith.constant 0 : i32
      %dma_start3A_322 = arith.constant 0 : i32
      %dma_start3A_323 = tpu.memref_slice %arg2[%dma_start3A_321, %dma_start3A_322] : memref<100000x3xf32, #tpu.memory_space<hbm>> -> memref<100000x3xf32, #tpu.memory_space<hbm>>
      tpu.enqueue_indirect_dma source(%dma_start3A_323 : memref<100000x3xf32, #tpu.memory_space<hbm>>) target(%dma_start3A_317 : memref<128x3xf32, #tpu.memory_space<vmem>>) offsets(%dma_start3A_320 : memref<128xi32, #tpu.memory_space<vmem>>) semaphore(%arg11 : memref<!tpu.dma_semaphore, #tpu.memory_space<semaphore_mem>>)
      %dma_start3A_324 = arith.constant 14 : i32
      %dma_start3A_325 = arith.constant 1792 : i32
      %dma_start3A_326 = arith.constant 0 : i32
      %dma_start3A_327 = tpu.memref_slice %arg8[%dma_start3A_325, %dma_start3A_326] : memref<2048x3xf32, #tpu.memory_space<vmem>> -> memref<128x3xf32, #tpu.memory_space<vmem>>
      %dma_start3A_328 = arith.constant 0 : i32
      %dma_start3A_329 = tpu.memref_slice %arg6[%dma_start3A_324, %dma_start3A_328] : memref<16x128xi32, #tpu.memory_space<vmem>> -> memref<1x128xi32, #tpu.memory_space<vmem>>
      %dma_start3A_330 = tpu.memref_squeeze %dma_start3A_329 : memref<1x128xi32, #tpu.memory_space<vmem>> -> memref<128xi32, #tpu.memory_space<vmem>>
      %dma_start3A_331 = arith.constant 0 : i32
      %dma_start3A_332 = arith.constant 0 : i32
      %dma_start3A_333 = tpu.memref_slice %arg2[%dma_start3A_331, %dma_start3A_332] : memref<100000x3xf32, #tpu.memory_space<hbm>> -> memref<100000x3xf32, #tpu.memory_space<hbm>>
      tpu.enqueue_indirect_dma source(%dma_start3A_333 : memref<100000x3xf32, #tpu.memory_space<hbm>>) target(%dma_start3A_327 : memref<128x3xf32, #tpu.memory_space<vmem>>) offsets(%dma_start3A_330 : memref<128xi32, #tpu.memory_space<vmem>>) semaphore(%arg11 : memref<!tpu.dma_semaphore, #tpu.memory_space<semaphore_mem>>)
      %dma_start3A_334 = arith.constant 14 : i32
      %dma_start3A_335 = arith.constant 1792 : i32
      %dma_start3A_336 = arith.constant 0 : i32
      %dma_start3A_337 = tpu.memref_slice %arg9[%dma_start3A_335, %dma_start3A_336] : memref<2048x3xf32, #tpu.memory_space<vmem>> -> memref<128x3xf32, #tpu.memory_space<vmem>>
      %dma_start3A_338 = arith.constant 0 : i32
      %dma_start3A_339 = tpu.memref_slice %arg7[%dma_start3A_334, %dma_start3A_338] : memref<16x128xi32, #tpu.memory_space<vmem>> -> memref<1x128xi32, #tpu.memory_space<vmem>>
      %dma_start3A_340 = tpu.memref_squeeze %dma_start3A_339 : memref<1x128xi32, #tpu.memory_space<vmem>> -> memref<128xi32, #tpu.memory_space<vmem>>
      %dma_start3A_341 = arith.constant 0 : i32
      %dma_start3A_342 = arith.constant 0 : i32
      %dma_start3A_343 = tpu.memref_slice %arg2[%dma_start3A_341, %dma_start3A_342] : memref<100000x3xf32, #tpu.memory_space<hbm>> -> memref<100000x3xf32, #tpu.memory_space<hbm>>
      tpu.enqueue_indirect_dma source(%dma_start3A_343 : memref<100000x3xf32, #tpu.memory_space<hbm>>) target(%dma_start3A_337 : memref<128x3xf32, #tpu.memory_space<vmem>>) offsets(%dma_start3A_340 : memref<128xi32, #tpu.memory_space<vmem>>) semaphore(%arg11 : memref<!tpu.dma_semaphore, #tpu.memory_space<semaphore_mem>>)
      %dma_start3A_344 = arith.constant 15 : i32
      %dma_start3A_345 = arith.constant 1920 : i32
      %dma_start3A_346 = arith.constant 0 : i32
      %dma_start3A_347 = tpu.memref_slice %arg8[%dma_start3A_345, %dma_start3A_346] : memref<2048x3xf32, #tpu.memory_space<vmem>> -> memref<128x3xf32, #tpu.memory_space<vmem>>
      %dma_start3A_348 = arith.constant 0 : i32
      %dma_start3A_349 = tpu.memref_slice %arg6[%dma_start3A_344, %dma_start3A_348] : memref<16x128xi32, #tpu.memory_space<vmem>> -> memref<1x128xi32, #tpu.memory_space<vmem>>
      %dma_start3A_350 = tpu.memref_squeeze %dma_start3A_349 : memref<1x128xi32, #tpu.memory_space<vmem>> -> memref<128xi32, #tpu.memory_space<vmem>>
      %dma_start3A_351 = arith.constant 0 : i32
      %dma_start3A_352 = arith.constant 0 : i32
      %dma_start3A_353 = tpu.memref_slice %arg2[%dma_start3A_351, %dma_start3A_352] : memref<100000x3xf32, #tpu.memory_space<hbm>> -> memref<100000x3xf32, #tpu.memory_space<hbm>>
      tpu.enqueue_indirect_dma source(%dma_start3A_353 : memref<100000x3xf32, #tpu.memory_space<hbm>>) target(%dma_start3A_347 : memref<128x3xf32, #tpu.memory_space<vmem>>) offsets(%dma_start3A_350 : memref<128xi32, #tpu.memory_space<vmem>>) semaphore(%arg11 : memref<!tpu.dma_semaphore, #tpu.memory_space<semaphore_mem>>)
      %dma_start3A_354 = arith.constant 15 : i32
      %dma_start3A_355 = arith.constant 1920 : i32
      %dma_start3A_356 = arith.constant 0 : i32
      %dma_start3A_357 = tpu.memref_slice %arg9[%dma_start3A_355, %dma_start3A_356] : memref<2048x3xf32, #tpu.memory_space<vmem>> -> memref<128x3xf32, #tpu.memory_space<vmem>>
      %dma_start3A_358 = arith.constant 0 : i32
      %dma_start3A_359 = tpu.memref_slice %arg7[%dma_start3A_354, %dma_start3A_358] : memref<16x128xi32, #tpu.memory_space<vmem>> -> memref<1x128xi32, #tpu.memory_space<vmem>>
      %dma_start3A_360 = tpu.memref_squeeze %dma_start3A_359 : memref<1x128xi32, #tpu.memory_space<vmem>> -> memref<128xi32, #tpu.memory_space<vmem>>
      %dma_start3A_361 = arith.constant 0 : i32
      %dma_start3A_362 = arith.constant 0 : i32
      %dma_start3A_363 = tpu.memref_slice %arg2[%dma_start3A_361, %dma_start3A_362] : memref<100000x3xf32, #tpu.memory_space<hbm>> -> memref<100000x3xf32, #tpu.memory_space<hbm>>
      tpu.enqueue_indirect_dma source(%dma_start3A_363 : memref<100000x3xf32, #tpu.memory_space<hbm>>) target(%dma_start3A_357 : memref<128x3xf32, #tpu.memory_space<vmem>>) offsets(%dma_start3A_360 : memref<128xi32, #tpu.memory_space<vmem>>) semaphore(%arg11 : memref<!tpu.dma_semaphore, #tpu.memory_space<semaphore_mem>>)
      %dma_wait3A = arith.constant 0 : i32
      %dma_wait3A_364 = arith.constant 0 : i32
      %dma_wait3A_365 = arith.constant 0 : i32
      %dma_wait3A_366 = tpu.memref_slice %arg8[%dma_wait3A_364, %dma_wait3A_365] : memref<2048x3xf32, #tpu.memory_space<vmem>> -> memref<128x3xf32, #tpu.memory_space<vmem>>
      %dma_wait3A_367 = arith.constant 0 : i32
      %dma_wait3A_368 = tpu.memref_slice %arg6[%dma_wait3A, %dma_wait3A_367] : memref<16x128xi32, #tpu.memory_space<vmem>> -> memref<1x128xi32, #tpu.memory_space<vmem>>
      %dma_wait3A_369 = tpu.memref_squeeze %dma_wait3A_368 : memref<1x128xi32, #tpu.memory_space<vmem>> -> memref<128xi32, #tpu.memory_space<vmem>>
      %dma_wait3A_370 = arith.constant 0 : i32
      %dma_wait3A_371 = arith.constant 0 : i32
      %dma_wait3A_372 = tpu.memref_slice %arg2[%dma_wait3A_370, %dma_wait3A_371] : memref<100000x3xf32, #tpu.memory_space<hbm>> -> memref<100000x3xf32, #tpu.memory_space<hbm>>
      tpu.wait_indirect_dma semaphore(%arg11 : memref<!tpu.dma_semaphore, #tpu.memory_space<semaphore_mem>>) src(%dma_wait3A_372 : memref<100000x3xf32, #tpu.memory_space<hbm>>) dst(%dma_wait3A_366 : memref<128x3xf32, #tpu.memory_space<vmem>>)
      %dma_wait3A_373 = arith.constant 0 : i32
      %dma_wait3A_374 = arith.constant 0 : i32
      %dma_wait3A_375 = arith.constant 0 : i32
      %dma_wait3A_376 = tpu.memref_slice %arg9[%dma_wait3A_374, %dma_wait3A_375] : memref<2048x3xf32, #tpu.memory_space<vmem>> -> memref<128x3xf32, #tpu.memory_space<vmem>>
      %dma_wait3A_377 = arith.constant 0 : i32
      %dma_wait3A_378 = tpu.memref_slice %arg7[%dma_wait3A_373, %dma_wait3A_377] : memref<16x128xi32, #tpu.memory_space<vmem>> -> memref<1x128xi32, #tpu.memory_space<vmem>>
      %dma_wait3A_379 = tpu.memref_squeeze %dma_wait3A_378 : memref<1x128xi32, #tpu.memory_space<vmem>> -> memref<128xi32, #tpu.memory_space<vmem>>
      %dma_wait3A_380 = arith.constant 0 : i32
      %dma_wait3A_381 = arith.constant 0 : i32
      %dma_wait3A_382 = tpu.memref_slice %arg2[%dma_wait3A_380, %dma_wait3A_381] : memref<100000x3xf32, #tpu.memory_space<hbm>> -> memref<100000x3xf32, #tpu.memory_space<hbm>>
      tpu.wait_indirect_dma semaphore(%arg11 : memref<!tpu.dma_semaphore, #tpu.memory_space<semaphore_mem>>) src(%dma_wait3A_382 : memref<100000x3xf32, #tpu.memory_space<hbm>>) dst(%dma_wait3A_376 : memref<128x3xf32, #tpu.memory_space<vmem>>)
      %dma_wait3A_383 = arith.constant 1 : i32
      %dma_wait3A_384 = arith.constant 128 : i32
      %dma_wait3A_385 = arith.constant 0 : i32
      %dma_wait3A_386 = tpu.memref_slice %arg8[%dma_wait3A_384, %dma_wait3A_385] : memref<2048x3xf32, #tpu.memory_space<vmem>> -> memref<128x3xf32, #tpu.memory_space<vmem>>
      %dma_wait3A_387 = arith.constant 0 : i32
      %dma_wait3A_388 = tpu.memref_slice %arg6[%dma_wait3A_383, %dma_wait3A_387] : memref<16x128xi32, #tpu.memory_space<vmem>> -> memref<1x128xi32, #tpu.memory_space<vmem>>
      %dma_wait3A_389 = tpu.memref_squeeze %dma_wait3A_388 : memref<1x128xi32, #tpu.memory_space<vmem>> -> memref<128xi32, #tpu.memory_space<vmem>>
      %dma_wait3A_390 = arith.constant 0 : i32
      %dma_wait3A_391 = arith.constant 0 : i32
      %dma_wait3A_392 = tpu.memref_slice %arg2[%dma_wait3A_390, %dma_wait3A_391] : memref<100000x3xf32, #tpu.memory_space<hbm>> -> memref<100000x3xf32, #tpu.memory_space<hbm>>
      tpu.wait_indirect_dma semaphore(%arg11 : memref<!tpu.dma_semaphore, #tpu.memory_space<semaphore_mem>>) src(%dma_wait3A_392 : memref<100000x3xf32, #tpu.memory_space<hbm>>) dst(%dma_wait3A_386 : memref<128x3xf32, #tpu.memory_space<vmem>>)
      %dma_wait3A_393 = arith.constant 1 : i32
      %dma_wait3A_394 = arith.constant 128 : i32
      %dma_wait3A_395 = arith.constant 0 : i32
      %dma_wait3A_396 = tpu.memref_slice %arg9[%dma_wait3A_394, %dma_wait3A_395] : memref<2048x3xf32, #tpu.memory_space<vmem>> -> memref<128x3xf32, #tpu.memory_space<vmem>>
      %dma_wait3A_397 = arith.constant 0 : i32
      %dma_wait3A_398 = tpu.memref_slice %arg7[%dma_wait3A_393, %dma_wait3A_397] : memref<16x128xi32, #tpu.memory_space<vmem>> -> memref<1x128xi32, #tpu.memory_space<vmem>>
      %dma_wait3A_399 = tpu.memref_squeeze %dma_wait3A_398 : memref<1x128xi32, #tpu.memory_space<vmem>> -> memref<128xi32, #tpu.memory_space<vmem>>
      %dma_wait3A_400 = arith.constant 0 : i32
      %dma_wait3A_401 = arith.constant 0 : i32
      %dma_wait3A_402 = tpu.memref_slice %arg2[%dma_wait3A_400, %dma_wait3A_401] : memref<100000x3xf32, #tpu.memory_space<hbm>> -> memref<100000x3xf32, #tpu.memory_space<hbm>>
      tpu.wait_indirect_dma semaphore(%arg11 : memref<!tpu.dma_semaphore, #tpu.memory_space<semaphore_mem>>) src(%dma_wait3A_402 : memref<100000x3xf32, #tpu.memory_space<hbm>>) dst(%dma_wait3A_396 : memref<128x3xf32, #tpu.memory_space<vmem>>)
      %dma_wait3A_403 = arith.constant 2 : i32
      %dma_wait3A_404 = arith.constant 256 : i32
      %dma_wait3A_405 = arith.constant 0 : i32
      %dma_wait3A_406 = tpu.memref_slice %arg8[%dma_wait3A_404, %dma_wait3A_405] : memref<2048x3xf32, #tpu.memory_space<vmem>> -> memref<128x3xf32, #tpu.memory_space<vmem>>
      %dma_wait3A_407 = arith.constant 0 : i32
      %dma_wait3A_408 = tpu.memref_slice %arg6[%dma_wait3A_403, %dma_wait3A_407] : memref<16x128xi32, #tpu.memory_space<vmem>> -> memref<1x128xi32, #tpu.memory_space<vmem>>
      %dma_wait3A_409 = tpu.memref_squeeze %dma_wait3A_408 : memref<1x128xi32, #tpu.memory_space<vmem>> -> memref<128xi32, #tpu.memory_space<vmem>>
      %dma_wait3A_410 = arith.constant 0 : i32
      %dma_wait3A_411 = arith.constant 0 : i32
      %dma_wait3A_412 = tpu.memref_slice %arg2[%dma_wait3A_410, %dma_wait3A_411] : memref<100000x3xf32, #tpu.memory_space<hbm>> -> memref<100000x3xf32, #tpu.memory_space<hbm>>
      tpu.wait_indirect_dma semaphore(%arg11 : memref<!tpu.dma_semaphore, #tpu.memory_space<semaphore_mem>>) src(%dma_wait3A_412 : memref<100000x3xf32, #tpu.memory_space<hbm>>) dst(%dma_wait3A_406 : memref<128x3xf32, #tpu.memory_space<vmem>>)
      %dma_wait3A_413 = arith.constant 2 : i32
      %dma_wait3A_414 = arith.constant 256 : i32
      %dma_wait3A_415 = arith.constant 0 : i32
      %dma_wait3A_416 = tpu.memref_slice %arg9[%dma_wait3A_414, %dma_wait3A_415] : memref<2048x3xf32, #tpu.memory_space<vmem>> -> memref<128x3xf32, #tpu.memory_space<vmem>>
      %dma_wait3A_417 = arith.constant 0 : i32
      %dma_wait3A_418 = tpu.memref_slice %arg7[%dma_wait3A_413, %dma_wait3A_417] : memref<16x128xi32, #tpu.memory_space<vmem>> -> memref<1x128xi32, #tpu.memory_space<vmem>>
      %dma_wait3A_419 = tpu.memref_squeeze %dma_wait3A_418 : memref<1x128xi32, #tpu.memory_space<vmem>> -> memref<128xi32, #tpu.memory_space<vmem>>
      %dma_wait3A_420 = arith.constant 0 : i32
      %dma_wait3A_421 = arith.constant 0 : i32
      %dma_wait3A_422 = tpu.memref_slice %arg2[%dma_wait3A_420, %dma_wait3A_421] : memref<100000x3xf32, #tpu.memory_space<hbm>> -> memref<100000x3xf32, #tpu.memory_space<hbm>>
      tpu.wait_indirect_dma semaphore(%arg11 : memref<!tpu.dma_semaphore, #tpu.memory_space<semaphore_mem>>) src(%dma_wait3A_422 : memref<100000x3xf32, #tpu.memory_space<hbm>>) dst(%dma_wait3A_416 : memref<128x3xf32, #tpu.memory_space<vmem>>)
      %dma_wait3A_423 = arith.constant 3 : i32
      %dma_wait3A_424 = arith.constant 384 : i32
      %dma_wait3A_425 = arith.constant 0 : i32
      %dma_wait3A_426 = tpu.memref_slice %arg8[%dma_wait3A_424, %dma_wait3A_425] : memref<2048x3xf32, #tpu.memory_space<vmem>> -> memref<128x3xf32, #tpu.memory_space<vmem>>
      %dma_wait3A_427 = arith.constant 0 : i32
      %dma_wait3A_428 = tpu.memref_slice %arg6[%dma_wait3A_423, %dma_wait3A_427] : memref<16x128xi32, #tpu.memory_space<vmem>> -> memref<1x128xi32, #tpu.memory_space<vmem>>
      %dma_wait3A_429 = tpu.memref_squeeze %dma_wait3A_428 : memref<1x128xi32, #tpu.memory_space<vmem>> -> memref<128xi32, #tpu.memory_space<vmem>>
      %dma_wait3A_430 = arith.constant 0 : i32
      %dma_wait3A_431 = arith.constant 0 : i32
      %dma_wait3A_432 = tpu.memref_slice %arg2[%dma_wait3A_430, %dma_wait3A_431] : memref<100000x3xf32, #tpu.memory_space<hbm>> -> memref<100000x3xf32, #tpu.memory_space<hbm>>
      tpu.wait_indirect_dma semaphore(%arg11 : memref<!tpu.dma_semaphore, #tpu.memory_space<semaphore_mem>>) src(%dma_wait3A_432 : memref<100000x3xf32, #tpu.memory_space<hbm>>) dst(%dma_wait3A_426 : memref<128x3xf32, #tpu.memory_space<vmem>>)
      %dma_wait3A_433 = arith.constant 3 : i32
      %dma_wait3A_434 = arith.constant 384 : i32
      %dma_wait3A_435 = arith.constant 0 : i32
      %dma_wait3A_436 = tpu.memref_slice %arg9[%dma_wait3A_434, %dma_wait3A_435] : memref<2048x3xf32, #tpu.memory_space<vmem>> -> memref<128x3xf32, #tpu.memory_space<vmem>>
      %dma_wait3A_437 = arith.constant 0 : i32
      %dma_wait3A_438 = tpu.memref_slice %arg7[%dma_wait3A_433, %dma_wait3A_437] : memref<16x128xi32, #tpu.memory_space<vmem>> -> memref<1x128xi32, #tpu.memory_space<vmem>>
      %dma_wait3A_439 = tpu.memref_squeeze %dma_wait3A_438 : memref<1x128xi32, #tpu.memory_space<vmem>> -> memref<128xi32, #tpu.memory_space<vmem>>
      %dma_wait3A_440 = arith.constant 0 : i32
      %dma_wait3A_441 = arith.constant 0 : i32
      %dma_wait3A_442 = tpu.memref_slice %arg2[%dma_wait3A_440, %dma_wait3A_441] : memref<100000x3xf32, #tpu.memory_space<hbm>> -> memref<100000x3xf32, #tpu.memory_space<hbm>>
      tpu.wait_indirect_dma semaphore(%arg11 : memref<!tpu.dma_semaphore, #tpu.memory_space<semaphore_mem>>) src(%dma_wait3A_442 : memref<100000x3xf32, #tpu.memory_space<hbm>>) dst(%dma_wait3A_436 : memref<128x3xf32, #tpu.memory_space<vmem>>)
      %dma_wait3A_443 = arith.constant 4 : i32
      %dma_wait3A_444 = arith.constant 512 : i32
      %dma_wait3A_445 = arith.constant 0 : i32
      %dma_wait3A_446 = tpu.memref_slice %arg8[%dma_wait3A_444, %dma_wait3A_445] : memref<2048x3xf32, #tpu.memory_space<vmem>> -> memref<128x3xf32, #tpu.memory_space<vmem>>
      %dma_wait3A_447 = arith.constant 0 : i32
      %dma_wait3A_448 = tpu.memref_slice %arg6[%dma_wait3A_443, %dma_wait3A_447] : memref<16x128xi32, #tpu.memory_space<vmem>> -> memref<1x128xi32, #tpu.memory_space<vmem>>
      %dma_wait3A_449 = tpu.memref_squeeze %dma_wait3A_448 : memref<1x128xi32, #tpu.memory_space<vmem>> -> memref<128xi32, #tpu.memory_space<vmem>>
      %dma_wait3A_450 = arith.constant 0 : i32
      %dma_wait3A_451 = arith.constant 0 : i32
      %dma_wait3A_452 = tpu.memref_slice %arg2[%dma_wait3A_450, %dma_wait3A_451] : memref<100000x3xf32, #tpu.memory_space<hbm>> -> memref<100000x3xf32, #tpu.memory_space<hbm>>
      tpu.wait_indirect_dma semaphore(%arg11 : memref<!tpu.dma_semaphore, #tpu.memory_space<semaphore_mem>>) src(%dma_wait3A_452 : memref<100000x3xf32, #tpu.memory_space<hbm>>) dst(%dma_wait3A_446 : memref<128x3xf32, #tpu.memory_space<vmem>>)
      %dma_wait3A_453 = arith.constant 4 : i32
      %dma_wait3A_454 = arith.constant 512 : i32
      %dma_wait3A_455 = arith.constant 0 : i32
      %dma_wait3A_456 = tpu.memref_slice %arg9[%dma_wait3A_454, %dma_wait3A_455] : memref<2048x3xf32, #tpu.memory_space<vmem>> -> memref<128x3xf32, #tpu.memory_space<vmem>>
      %dma_wait3A_457 = arith.constant 0 : i32
      %dma_wait3A_458 = tpu.memref_slice %arg7[%dma_wait3A_453, %dma_wait3A_457] : memref<16x128xi32, #tpu.memory_space<vmem>> -> memref<1x128xi32, #tpu.memory_space<vmem>>
      %dma_wait3A_459 = tpu.memref_squeeze %dma_wait3A_458 : memref<1x128xi32, #tpu.memory_space<vmem>> -> memref<128xi32, #tpu.memory_space<vmem>>
      %dma_wait3A_460 = arith.constant 0 : i32
      %dma_wait3A_461 = arith.constant 0 : i32
      %dma_wait3A_462 = tpu.memref_slice %arg2[%dma_wait3A_460, %dma_wait3A_461] : memref<100000x3xf32, #tpu.memory_space<hbm>> -> memref<100000x3xf32, #tpu.memory_space<hbm>>
      tpu.wait_indirect_dma semaphore(%arg11 : memref<!tpu.dma_semaphore, #tpu.memory_space<semaphore_mem>>) src(%dma_wait3A_462 : memref<100000x3xf32, #tpu.memory_space<hbm>>) dst(%dma_wait3A_456 : memref<128x3xf32, #tpu.memory_space<vmem>>)
      %dma_wait3A_463 = arith.constant 5 : i32
      %dma_wait3A_464 = arith.constant 640 : i32
      %dma_wait3A_465 = arith.constant 0 : i32
      %dma_wait3A_466 = tpu.memref_slice %arg8[%dma_wait3A_464, %dma_wait3A_465] : memref<2048x3xf32, #tpu.memory_space<vmem>> -> memref<128x3xf32, #tpu.memory_space<vmem>>
      %dma_wait3A_467 = arith.constant 0 : i32
      %dma_wait3A_468 = tpu.memref_slice %arg6[%dma_wait3A_463, %dma_wait3A_467] : memref<16x128xi32, #tpu.memory_space<vmem>> -> memref<1x128xi32, #tpu.memory_space<vmem>>
      %dma_wait3A_469 = tpu.memref_squeeze %dma_wait3A_468 : memref<1x128xi32, #tpu.memory_space<vmem>> -> memref<128xi32, #tpu.memory_space<vmem>>
      %dma_wait3A_470 = arith.constant 0 : i32
      %dma_wait3A_471 = arith.constant 0 : i32
      %dma_wait3A_472 = tpu.memref_slice %arg2[%dma_wait3A_470, %dma_wait3A_471] : memref<100000x3xf32, #tpu.memory_space<hbm>> -> memref<100000x3xf32, #tpu.memory_space<hbm>>
      tpu.wait_indirect_dma semaphore(%arg11 : memref<!tpu.dma_semaphore, #tpu.memory_space<semaphore_mem>>) src(%dma_wait3A_472 : memref<100000x3xf32, #tpu.memory_space<hbm>>) dst(%dma_wait3A_466 : memref<128x3xf32, #tpu.memory_space<vmem>>)
      %dma_wait3A_473 = arith.constant 5 : i32
      %dma_wait3A_474 = arith.constant 640 : i32
      %dma_wait3A_475 = arith.constant 0 : i32
      %dma_wait3A_476 = tpu.memref_slice %arg9[%dma_wait3A_474, %dma_wait3A_475] : memref<2048x3xf32, #tpu.memory_space<vmem>> -> memref<128x3xf32, #tpu.memory_space<vmem>>
      %dma_wait3A_477 = arith.constant 0 : i32
      %dma_wait3A_478 = tpu.memref_slice %arg7[%dma_wait3A_473, %dma_wait3A_477] : memref<16x128xi32, #tpu.memory_space<vmem>> -> memref<1x128xi32, #tpu.memory_space<vmem>>
      %dma_wait3A_479 = tpu.memref_squeeze %dma_wait3A_478 : memref<1x128xi32, #tpu.memory_space<vmem>> -> memref<128xi32, #tpu.memory_space<vmem>>
      %dma_wait3A_480 = arith.constant 0 : i32
      %dma_wait3A_481 = arith.constant 0 : i32
      %dma_wait3A_482 = tpu.memref_slice %arg2[%dma_wait3A_480, %dma_wait3A_481] : memref<100000x3xf32, #tpu.memory_space<hbm>> -> memref<100000x3xf32, #tpu.memory_space<hbm>>
      tpu.wait_indirect_dma semaphore(%arg11 : memref<!tpu.dma_semaphore, #tpu.memory_space<semaphore_mem>>) src(%dma_wait3A_482 : memref<100000x3xf32, #tpu.memory_space<hbm>>) dst(%dma_wait3A_476 : memref<128x3xf32, #tpu.memory_space<vmem>>)
      %dma_wait3A_483 = arith.constant 6 : i32
      %dma_wait3A_484 = arith.constant 768 : i32
      %dma_wait3A_485 = arith.constant 0 : i32
      %dma_wait3A_486 = tpu.memref_slice %arg8[%dma_wait3A_484, %dma_wait3A_485] : memref<2048x3xf32, #tpu.memory_space<vmem>> -> memref<128x3xf32, #tpu.memory_space<vmem>>
      %dma_wait3A_487 = arith.constant 0 : i32
      %dma_wait3A_488 = tpu.memref_slice %arg6[%dma_wait3A_483, %dma_wait3A_487] : memref<16x128xi32, #tpu.memory_space<vmem>> -> memref<1x128xi32, #tpu.memory_space<vmem>>
      %dma_wait3A_489 = tpu.memref_squeeze %dma_wait3A_488 : memref<1x128xi32, #tpu.memory_space<vmem>> -> memref<128xi32, #tpu.memory_space<vmem>>
      %dma_wait3A_490 = arith.constant 0 : i32
      %dma_wait3A_491 = arith.constant 0 : i32
      %dma_wait3A_492 = tpu.memref_slice %arg2[%dma_wait3A_490, %dma_wait3A_491] : memref<100000x3xf32, #tpu.memory_space<hbm>> -> memref<100000x3xf32, #tpu.memory_space<hbm>>
      tpu.wait_indirect_dma semaphore(%arg11 : memref<!tpu.dma_semaphore, #tpu.memory_space<semaphore_mem>>) src(%dma_wait3A_492 : memref<100000x3xf32, #tpu.memory_space<hbm>>) dst(%dma_wait3A_486 : memref<128x3xf32, #tpu.memory_space<vmem>>)
      %dma_wait3A_493 = arith.constant 6 : i32
      %dma_wait3A_494 = arith.constant 768 : i32
      %dma_wait3A_495 = arith.constant 0 : i32
      %dma_wait3A_496 = tpu.memref_slice %arg9[%dma_wait3A_494, %dma_wait3A_495] : memref<2048x3xf32, #tpu.memory_space<vmem>> -> memref<128x3xf32, #tpu.memory_space<vmem>>
      %dma_wait3A_497 = arith.constant 0 : i32
      %dma_wait3A_498 = tpu.memref_slice %arg7[%dma_wait3A_493, %dma_wait3A_497] : memref<16x128xi32, #tpu.memory_space<vmem>> -> memref<1x128xi32, #tpu.memory_space<vmem>>
      %dma_wait3A_499 = tpu.memref_squeeze %dma_wait3A_498 : memref<1x128xi32, #tpu.memory_space<vmem>> -> memref<128xi32, #tpu.memory_space<vmem>>
      %dma_wait3A_500 = arith.constant 0 : i32
      %dma_wait3A_501 = arith.constant 0 : i32
      %dma_wait3A_502 = tpu.memref_slice %arg2[%dma_wait3A_500, %dma_wait3A_501] : memref<100000x3xf32, #tpu.memory_space<hbm>> -> memref<100000x3xf32, #tpu.memory_space<hbm>>
      tpu.wait_indirect_dma semaphore(%arg11 : memref<!tpu.dma_semaphore, #tpu.memory_space<semaphore_mem>>) src(%dma_wait3A_502 : memref<100000x3xf32, #tpu.memory_space<hbm>>) dst(%dma_wait3A_496 : memref<128x3xf32, #tpu.memory_space<vmem>>)
      %dma_wait3A_503 = arith.constant 7 : i32
      %dma_wait3A_504 = arith.constant 896 : i32
      %dma_wait3A_505 = arith.constant 0 : i32
      %dma_wait3A_506 = tpu.memref_slice %arg8[%dma_wait3A_504, %dma_wait3A_505] : memref<2048x3xf32, #tpu.memory_space<vmem>> -> memref<128x3xf32, #tpu.memory_space<vmem>>
      %dma_wait3A_507 = arith.constant 0 : i32
      %dma_wait3A_508 = tpu.memref_slice %arg6[%dma_wait3A_503, %dma_wait3A_507] : memref<16x128xi32, #tpu.memory_space<vmem>> -> memref<1x128xi32, #tpu.memory_space<vmem>>
      %dma_wait3A_509 = tpu.memref_squeeze %dma_wait3A_508 : memref<1x128xi32, #tpu.memory_space<vmem>> -> memref<128xi32, #tpu.memory_space<vmem>>
      %dma_wait3A_510 = arith.constant 0 : i32
      %dma_wait3A_511 = arith.constant 0 : i32
      %dma_wait3A_512 = tpu.memref_slice %arg2[%dma_wait3A_510, %dma_wait3A_511] : memref<100000x3xf32, #tpu.memory_space<hbm>> -> memref<100000x3xf32, #tpu.memory_space<hbm>>
      tpu.wait_indirect_dma semaphore(%arg11 : memref<!tpu.dma_semaphore, #tpu.memory_space<semaphore_mem>>) src(%dma_wait3A_512 : memref<100000x3xf32, #tpu.memory_space<hbm>>) dst(%dma_wait3A_506 : memref<128x3xf32, #tpu.memory_space<vmem>>)
      %dma_wait3A_513 = arith.constant 7 : i32
      %dma_wait3A_514 = arith.constant 896 : i32
      %dma_wait3A_515 = arith.constant 0 : i32
      %dma_wait3A_516 = tpu.memref_slice %arg9[%dma_wait3A_514, %dma_wait3A_515] : memref<2048x3xf32, #tpu.memory_space<vmem>> -> memref<128x3xf32, #tpu.memory_space<vmem>>
      %dma_wait3A_517 = arith.constant 0 : i32
      %dma_wait3A_518 = tpu.memref_slice %arg7[%dma_wait3A_513, %dma_wait3A_517] : memref<16x128xi32, #tpu.memory_space<vmem>> -> memref<1x128xi32, #tpu.memory_space<vmem>>
      %dma_wait3A_519 = tpu.memref_squeeze %dma_wait3A_518 : memref<1x128xi32, #tpu.memory_space<vmem>> -> memref<128xi32, #tpu.memory_space<vmem>>
      %dma_wait3A_520 = arith.constant 0 : i32
      %dma_wait3A_521 = arith.constant 0 : i32
      %dma_wait3A_522 = tpu.memref_slice %arg2[%dma_wait3A_520, %dma_wait3A_521] : memref<100000x3xf32, #tpu.memory_space<hbm>> -> memref<100000x3xf32, #tpu.memory_space<hbm>>
      tpu.wait_indirect_dma semaphore(%arg11 : memref<!tpu.dma_semaphore, #tpu.memory_space<semaphore_mem>>) src(%dma_wait3A_522 : memref<100000x3xf32, #tpu.memory_space<hbm>>) dst(%dma_wait3A_516 : memref<128x3xf32, #tpu.memory_space<vmem>>)
      %dma_wait3A_523 = arith.constant 8 : i32
      %dma_wait3A_524 = arith.constant 1024 : i32
      %dma_wait3A_525 = arith.constant 0 : i32
      %dma_wait3A_526 = tpu.memref_slice %arg8[%dma_wait3A_524, %dma_wait3A_525] : memref<2048x3xf32, #tpu.memory_space<vmem>> -> memref<128x3xf32, #tpu.memory_space<vmem>>
      %dma_wait3A_527 = arith.constant 0 : i32
      %dma_wait3A_528 = tpu.memref_slice %arg6[%dma_wait3A_523, %dma_wait3A_527] : memref<16x128xi32, #tpu.memory_space<vmem>> -> memref<1x128xi32, #tpu.memory_space<vmem>>
      %dma_wait3A_529 = tpu.memref_squeeze %dma_wait3A_528 : memref<1x128xi32, #tpu.memory_space<vmem>> -> memref<128xi32, #tpu.memory_space<vmem>>
      %dma_wait3A_530 = arith.constant 0 : i32
      %dma_wait3A_531 = arith.constant 0 : i32
      %dma_wait3A_532 = tpu.memref_slice %arg2[%dma_wait3A_530, %dma_wait3A_531] : memref<100000x3xf32, #tpu.memory_space<hbm>> -> memref<100000x3xf32, #tpu.memory_space<hbm>>
      tpu.wait_indirect_dma semaphore(%arg11 : memref<!tpu.dma_semaphore, #tpu.memory_space<semaphore_mem>>) src(%dma_wait3A_532 : memref<100000x3xf32, #tpu.memory_space<hbm>>) dst(%dma_wait3A_526 : memref<128x3xf32, #tpu.memory_space<vmem>>)
      %dma_wait3A_533 = arith.constant 8 : i32
      %dma_wait3A_534 = arith.constant 1024 : i32
      %dma_wait3A_535 = arith.constant 0 : i32
      %dma_wait3A_536 = tpu.memref_slice %arg9[%dma_wait3A_534, %dma_wait3A_535] : memref<2048x3xf32, #tpu.memory_space<vmem>> -> memref<128x3xf32, #tpu.memory_space<vmem>>
      %dma_wait3A_537 = arith.constant 0 : i32
      %dma_wait3A_538 = tpu.memref_slice %arg7[%dma_wait3A_533, %dma_wait3A_537] : memref<16x128xi32, #tpu.memory_space<vmem>> -> memref<1x128xi32, #tpu.memory_space<vmem>>
      %dma_wait3A_539 = tpu.memref_squeeze %dma_wait3A_538 : memref<1x128xi32, #tpu.memory_space<vmem>> -> memref<128xi32, #tpu.memory_space<vmem>>
      %dma_wait3A_540 = arith.constant 0 : i32
      %dma_wait3A_541 = arith.constant 0 : i32
      %dma_wait3A_542 = tpu.memref_slice %arg2[%dma_wait3A_540, %dma_wait3A_541] : memref<100000x3xf32, #tpu.memory_space<hbm>> -> memref<100000x3xf32, #tpu.memory_space<hbm>>
      tpu.wait_indirect_dma semaphore(%arg11 : memref<!tpu.dma_semaphore, #tpu.memory_space<semaphore_mem>>) src(%dma_wait3A_542 : memref<100000x3xf32, #tpu.memory_space<hbm>>) dst(%dma_wait3A_536 : memref<128x3xf32, #tpu.memory_space<vmem>>)
      %dma_wait3A_543 = arith.constant 9 : i32
      %dma_wait3A_544 = arith.constant 1152 : i32
      %dma_wait3A_545 = arith.constant 0 : i32
      %dma_wait3A_546 = tpu.memref_slice %arg8[%dma_wait3A_544, %dma_wait3A_545] : memref<2048x3xf32, #tpu.memory_space<vmem>> -> memref<128x3xf32, #tpu.memory_space<vmem>>
      %dma_wait3A_547 = arith.constant 0 : i32
      %dma_wait3A_548 = tpu.memref_slice %arg6[%dma_wait3A_543, %dma_wait3A_547] : memref<16x128xi32, #tpu.memory_space<vmem>> -> memref<1x128xi32, #tpu.memory_space<vmem>>
      %dma_wait3A_549 = tpu.memref_squeeze %dma_wait3A_548 : memref<1x128xi32, #tpu.memory_space<vmem>> -> memref<128xi32, #tpu.memory_space<vmem>>
      %dma_wait3A_550 = arith.constant 0 : i32
      %dma_wait3A_551 = arith.constant 0 : i32
      %dma_wait3A_552 = tpu.memref_slice %arg2[%dma_wait3A_550, %dma_wait3A_551] : memref<100000x3xf32, #tpu.memory_space<hbm>> -> memref<100000x3xf32, #tpu.memory_space<hbm>>
      tpu.wait_indirect_dma semaphore(%arg11 : memref<!tpu.dma_semaphore, #tpu.memory_space<semaphore_mem>>) src(%dma_wait3A_552 : memref<100000x3xf32, #tpu.memory_space<hbm>>) dst(%dma_wait3A_546 : memref<128x3xf32, #tpu.memory_space<vmem>>)
      %dma_wait3A_553 = arith.constant 9 : i32
      %dma_wait3A_554 = arith.constant 1152 : i32
      %dma_wait3A_555 = arith.constant 0 : i32
      %dma_wait3A_556 = tpu.memref_slice %arg9[%dma_wait3A_554, %dma_wait3A_555] : memref<2048x3xf32, #tpu.memory_space<vmem>> -> memref<128x3xf32, #tpu.memory_space<vmem>>
      %dma_wait3A_557 = arith.constant 0 : i32
      %dma_wait3A_558 = tpu.memref_slice %arg7[%dma_wait3A_553, %dma_wait3A_557] : memref<16x128xi32, #tpu.memory_space<vmem>> -> memref<1x128xi32, #tpu.memory_space<vmem>>
      %dma_wait3A_559 = tpu.memref_squeeze %dma_wait3A_558 : memref<1x128xi32, #tpu.memory_space<vmem>> -> memref<128xi32, #tpu.memory_space<vmem>>
      %dma_wait3A_560 = arith.constant 0 : i32
      %dma_wait3A_561 = arith.constant 0 : i32
      %dma_wait3A_562 = tpu.memref_slice %arg2[%dma_wait3A_560, %dma_wait3A_561] : memref<100000x3xf32, #tpu.memory_space<hbm>> -> memref<100000x3xf32, #tpu.memory_space<hbm>>
      tpu.wait_indirect_dma semaphore(%arg11 : memref<!tpu.dma_semaphore, #tpu.memory_space<semaphore_mem>>) src(%dma_wait3A_562 : memref<100000x3xf32, #tpu.memory_space<hbm>>) dst(%dma_wait3A_556 : memref<128x3xf32, #tpu.memory_space<vmem>>)
      %dma_wait3A_563 = arith.constant 10 : i32
      %dma_wait3A_564 = arith.constant 1280 : i32
      %dma_wait3A_565 = arith.constant 0 : i32
      %dma_wait3A_566 = tpu.memref_slice %arg8[%dma_wait3A_564, %dma_wait3A_565] : memref<2048x3xf32, #tpu.memory_space<vmem>> -> memref<128x3xf32, #tpu.memory_space<vmem>>
      %dma_wait3A_567 = arith.constant 0 : i32
      %dma_wait3A_568 = tpu.memref_slice %arg6[%dma_wait3A_563, %dma_wait3A_567] : memref<16x128xi32, #tpu.memory_space<vmem>> -> memref<1x128xi32, #tpu.memory_space<vmem>>
      %dma_wait3A_569 = tpu.memref_squeeze %dma_wait3A_568 : memref<1x128xi32, #tpu.memory_space<vmem>> -> memref<128xi32, #tpu.memory_space<vmem>>
      %dma_wait3A_570 = arith.constant 0 : i32
      %dma_wait3A_571 = arith.constant 0 : i32
      %dma_wait3A_572 = tpu.memref_slice %arg2[%dma_wait3A_570, %dma_wait3A_571] : memref<100000x3xf32, #tpu.memory_space<hbm>> -> memref<100000x3xf32, #tpu.memory_space<hbm>>
      tpu.wait_indirect_dma semaphore(%arg11 : memref<!tpu.dma_semaphore, #tpu.memory_space<semaphore_mem>>) src(%dma_wait3A_572 : memref<100000x3xf32, #tpu.memory_space<hbm>>) dst(%dma_wait3A_566 : memref<128x3xf32, #tpu.memory_space<vmem>>)
      %dma_wait3A_573 = arith.constant 10 : i32
      %dma_wait3A_574 = arith.constant 1280 : i32
      %dma_wait3A_575 = arith.constant 0 : i32
      %dma_wait3A_576 = tpu.memref_slice %arg9[%dma_wait3A_574, %dma_wait3A_575] : memref<2048x3xf32, #tpu.memory_space<vmem>> -> memref<128x3xf32, #tpu.memory_space<vmem>>
      %dma_wait3A_577 = arith.constant 0 : i32
      %dma_wait3A_578 = tpu.memref_slice %arg7[%dma_wait3A_573, %dma_wait3A_577] : memref<16x128xi32, #tpu.memory_space<vmem>> -> memref<1x128xi32, #tpu.memory_space<vmem>>
      %dma_wait3A_579 = tpu.memref_squeeze %dma_wait3A_578 : memref<1x128xi32, #tpu.memory_space<vmem>> -> memref<128xi32, #tpu.memory_space<vmem>>
      %dma_wait3A_580 = arith.constant 0 : i32
      %dma_wait3A_581 = arith.constant 0 : i32
      %dma_wait3A_582 = tpu.memref_slice %arg2[%dma_wait3A_580, %dma_wait3A_581] : memref<100000x3xf32, #tpu.memory_space<hbm>> -> memref<100000x3xf32, #tpu.memory_space<hbm>>
      tpu.wait_indirect_dma semaphore(%arg11 : memref<!tpu.dma_semaphore, #tpu.memory_space<semaphore_mem>>) src(%dma_wait3A_582 : memref<100000x3xf32, #tpu.memory_space<hbm>>) dst(%dma_wait3A_576 : memref<128x3xf32, #tpu.memory_space<vmem>>)
      %dma_wait3A_583 = arith.constant 11 : i32
      %dma_wait3A_584 = arith.constant 1408 : i32
      %dma_wait3A_585 = arith.constant 0 : i32
      %dma_wait3A_586 = tpu.memref_slice %arg8[%dma_wait3A_584, %dma_wait3A_585] : memref<2048x3xf32, #tpu.memory_space<vmem>> -> memref<128x3xf32, #tpu.memory_space<vmem>>
      %dma_wait3A_587 = arith.constant 0 : i32
      %dma_wait3A_588 = tpu.memref_slice %arg6[%dma_wait3A_583, %dma_wait3A_587] : memref<16x128xi32, #tpu.memory_space<vmem>> -> memref<1x128xi32, #tpu.memory_space<vmem>>
      %dma_wait3A_589 = tpu.memref_squeeze %dma_wait3A_588 : memref<1x128xi32, #tpu.memory_space<vmem>> -> memref<128xi32, #tpu.memory_space<vmem>>
      %dma_wait3A_590 = arith.constant 0 : i32
      %dma_wait3A_591 = arith.constant 0 : i32
      %dma_wait3A_592 = tpu.memref_slice %arg2[%dma_wait3A_590, %dma_wait3A_591] : memref<100000x3xf32, #tpu.memory_space<hbm>> -> memref<100000x3xf32, #tpu.memory_space<hbm>>
      tpu.wait_indirect_dma semaphore(%arg11 : memref<!tpu.dma_semaphore, #tpu.memory_space<semaphore_mem>>) src(%dma_wait3A_592 : memref<100000x3xf32, #tpu.memory_space<hbm>>) dst(%dma_wait3A_586 : memref<128x3xf32, #tpu.memory_space<vmem>>)
      %dma_wait3A_593 = arith.constant 11 : i32
      %dma_wait3A_594 = arith.constant 1408 : i32
      %dma_wait3A_595 = arith.constant 0 : i32
      %dma_wait3A_596 = tpu.memref_slice %arg9[%dma_wait3A_594, %dma_wait3A_595] : memref<2048x3xf32, #tpu.memory_space<vmem>> -> memref<128x3xf32, #tpu.memory_space<vmem>>
      %dma_wait3A_597 = arith.constant 0 : i32
      %dma_wait3A_598 = tpu.memref_slice %arg7[%dma_wait3A_593, %dma_wait3A_597] : memref<16x128xi32, #tpu.memory_space<vmem>> -> memref<1x128xi32, #tpu.memory_space<vmem>>
      %dma_wait3A_599 = tpu.memref_squeeze %dma_wait3A_598 : memref<1x128xi32, #tpu.memory_space<vmem>> -> memref<128xi32, #tpu.memory_space<vmem>>
      %dma_wait3A_600 = arith.constant 0 : i32
      %dma_wait3A_601 = arith.constant 0 : i32
      %dma_wait3A_602 = tpu.memref_slice %arg2[%dma_wait3A_600, %dma_wait3A_601] : memref<100000x3xf32, #tpu.memory_space<hbm>> -> memref<100000x3xf32, #tpu.memory_space<hbm>>
      tpu.wait_indirect_dma semaphore(%arg11 : memref<!tpu.dma_semaphore, #tpu.memory_space<semaphore_mem>>) src(%dma_wait3A_602 : memref<100000x3xf32, #tpu.memory_space<hbm>>) dst(%dma_wait3A_596 : memref<128x3xf32, #tpu.memory_space<vmem>>)
      %dma_wait3A_603 = arith.constant 12 : i32
      %dma_wait3A_604 = arith.constant 1536 : i32
      %dma_wait3A_605 = arith.constant 0 : i32
      %dma_wait3A_606 = tpu.memref_slice %arg8[%dma_wait3A_604, %dma_wait3A_605] : memref<2048x3xf32, #tpu.memory_space<vmem>> -> memref<128x3xf32, #tpu.memory_space<vmem>>
      %dma_wait3A_607 = arith.constant 0 : i32
      %dma_wait3A_608 = tpu.memref_slice %arg6[%dma_wait3A_603, %dma_wait3A_607] : memref<16x128xi32, #tpu.memory_space<vmem>> -> memref<1x128xi32, #tpu.memory_space<vmem>>
      %dma_wait3A_609 = tpu.memref_squeeze %dma_wait3A_608 : memref<1x128xi32, #tpu.memory_space<vmem>> -> memref<128xi32, #tpu.memory_space<vmem>>
      %dma_wait3A_610 = arith.constant 0 : i32
      %dma_wait3A_611 = arith.constant 0 : i32
      %dma_wait3A_612 = tpu.memref_slice %arg2[%dma_wait3A_610, %dma_wait3A_611] : memref<100000x3xf32, #tpu.memory_space<hbm>> -> memref<100000x3xf32, #tpu.memory_space<hbm>>
      tpu.wait_indirect_dma semaphore(%arg11 : memref<!tpu.dma_semaphore, #tpu.memory_space<semaphore_mem>>) src(%dma_wait3A_612 : memref<100000x3xf32, #tpu.memory_space<hbm>>) dst(%dma_wait3A_606 : memref<128x3xf32, #tpu.memory_space<vmem>>)
      %dma_wait3A_613 = arith.constant 12 : i32
      %dma_wait3A_614 = arith.constant 1536 : i32
      %dma_wait3A_615 = arith.constant 0 : i32
      %dma_wait3A_616 = tpu.memref_slice %arg9[%dma_wait3A_614, %dma_wait3A_615] : memref<2048x3xf32, #tpu.memory_space<vmem>> -> memref<128x3xf32, #tpu.memory_space<vmem>>
      %dma_wait3A_617 = arith.constant 0 : i32
      %dma_wait3A_618 = tpu.memref_slice %arg7[%dma_wait3A_613, %dma_wait3A_617] : memref<16x128xi32, #tpu.memory_space<vmem>> -> memref<1x128xi32, #tpu.memory_space<vmem>>
      %dma_wait3A_619 = tpu.memref_squeeze %dma_wait3A_618 : memref<1x128xi32, #tpu.memory_space<vmem>> -> memref<128xi32, #tpu.memory_space<vmem>>
      %dma_wait3A_620 = arith.constant 0 : i32
      %dma_wait3A_621 = arith.constant 0 : i32
      %dma_wait3A_622 = tpu.memref_slice %arg2[%dma_wait3A_620, %dma_wait3A_621] : memref<100000x3xf32, #tpu.memory_space<hbm>> -> memref<100000x3xf32, #tpu.memory_space<hbm>>
      tpu.wait_indirect_dma semaphore(%arg11 : memref<!tpu.dma_semaphore, #tpu.memory_space<semaphore_mem>>) src(%dma_wait3A_622 : memref<100000x3xf32, #tpu.memory_space<hbm>>) dst(%dma_wait3A_616 : memref<128x3xf32, #tpu.memory_space<vmem>>)
      %dma_wait3A_623 = arith.constant 13 : i32
      %dma_wait3A_624 = arith.constant 1664 : i32
      %dma_wait3A_625 = arith.constant 0 : i32
      %dma_wait3A_626 = tpu.memref_slice %arg8[%dma_wait3A_624, %dma_wait3A_625] : memref<2048x3xf32, #tpu.memory_space<vmem>> -> memref<128x3xf32, #tpu.memory_space<vmem>>
      %dma_wait3A_627 = arith.constant 0 : i32
      %dma_wait3A_628 = tpu.memref_slice %arg6[%dma_wait3A_623, %dma_wait3A_627] : memref<16x128xi32, #tpu.memory_space<vmem>> -> memref<1x128xi32, #tpu.memory_space<vmem>>
      %dma_wait3A_629 = tpu.memref_squeeze %dma_wait3A_628 : memref<1x128xi32, #tpu.memory_space<vmem>> -> memref<128xi32, #tpu.memory_space<vmem>>
      %dma_wait3A_630 = arith.constant 0 : i32
      %dma_wait3A_631 = arith.constant 0 : i32
      %dma_wait3A_632 = tpu.memref_slice %arg2[%dma_wait3A_630, %dma_wait3A_631] : memref<100000x3xf32, #tpu.memory_space<hbm>> -> memref<100000x3xf32, #tpu.memory_space<hbm>>
      tpu.wait_indirect_dma semaphore(%arg11 : memref<!tpu.dma_semaphore, #tpu.memory_space<semaphore_mem>>) src(%dma_wait3A_632 : memref<100000x3xf32, #tpu.memory_space<hbm>>) dst(%dma_wait3A_626 : memref<128x3xf32, #tpu.memory_space<vmem>>)
      %dma_wait3A_633 = arith.constant 13 : i32
      %dma_wait3A_634 = arith.constant 1664 : i32
      %dma_wait3A_635 = arith.constant 0 : i32
      %dma_wait3A_636 = tpu.memref_slice %arg9[%dma_wait3A_634, %dma_wait3A_635] : memref<2048x3xf32, #tpu.memory_space<vmem>> -> memref<128x3xf32, #tpu.memory_space<vmem>>
      %dma_wait3A_637 = arith.constant 0 : i32
      %dma_wait3A_638 = tpu.memref_slice %arg7[%dma_wait3A_633, %dma_wait3A_637] : memref<16x128xi32, #tpu.memory_space<vmem>> -> memref<1x128xi32, #tpu.memory_space<vmem>>
      %dma_wait3A_639 = tpu.memref_squeeze %dma_wait3A_638 : memref<1x128xi32, #tpu.memory_space<vmem>> -> memref<128xi32, #tpu.memory_space<vmem>>
      %dma_wait3A_640 = arith.constant 0 : i32
      %dma_wait3A_641 = arith.constant 0 : i32
      %dma_wait3A_642 = tpu.memref_slice %arg2[%dma_wait3A_640, %dma_wait3A_641] : memref<100000x3xf32, #tpu.memory_space<hbm>> -> memref<100000x3xf32, #tpu.memory_space<hbm>>
      tpu.wait_indirect_dma semaphore(%arg11 : memref<!tpu.dma_semaphore, #tpu.memory_space<semaphore_mem>>) src(%dma_wait3A_642 : memref<100000x3xf32, #tpu.memory_space<hbm>>) dst(%dma_wait3A_636 : memref<128x3xf32, #tpu.memory_space<vmem>>)
      %dma_wait3A_643 = arith.constant 14 : i32
      %dma_wait3A_644 = arith.constant 1792 : i32
      %dma_wait3A_645 = arith.constant 0 : i32
      %dma_wait3A_646 = tpu.memref_slice %arg8[%dma_wait3A_644, %dma_wait3A_645] : memref<2048x3xf32, #tpu.memory_space<vmem>> -> memref<128x3xf32, #tpu.memory_space<vmem>>
      %dma_wait3A_647 = arith.constant 0 : i32
      %dma_wait3A_648 = tpu.memref_slice %arg6[%dma_wait3A_643, %dma_wait3A_647] : memref<16x128xi32, #tpu.memory_space<vmem>> -> memref<1x128xi32, #tpu.memory_space<vmem>>
      %dma_wait3A_649 = tpu.memref_squeeze %dma_wait3A_648 : memref<1x128xi32, #tpu.memory_space<vmem>> -> memref<128xi32, #tpu.memory_space<vmem>>
      %dma_wait3A_650 = arith.constant 0 : i32
      %dma_wait3A_651 = arith.constant 0 : i32
      %dma_wait3A_652 = tpu.memref_slice %arg2[%dma_wait3A_650, %dma_wait3A_651] : memref<100000x3xf32, #tpu.memory_space<hbm>> -> memref<100000x3xf32, #tpu.memory_space<hbm>>
      tpu.wait_indirect_dma semaphore(%arg11 : memref<!tpu.dma_semaphore, #tpu.memory_space<semaphore_mem>>) src(%dma_wait3A_652 : memref<100000x3xf32, #tpu.memory_space<hbm>>) dst(%dma_wait3A_646 : memref<128x3xf32, #tpu.memory_space<vmem>>)
      %dma_wait3A_653 = arith.constant 14 : i32
      %dma_wait3A_654 = arith.constant 1792 : i32
      %dma_wait3A_655 = arith.constant 0 : i32
      %dma_wait3A_656 = tpu.memref_slice %arg9[%dma_wait3A_654, %dma_wait3A_655] : memref<2048x3xf32, #tpu.memory_space<vmem>> -> memref<128x3xf32, #tpu.memory_space<vmem>>
      %dma_wait3A_657 = arith.constant 0 : i32
      %dma_wait3A_658 = tpu.memref_slice %arg7[%dma_wait3A_653, %dma_wait3A_657] : memref<16x128xi32, #tpu.memory_space<vmem>> -> memref<1x128xi32, #tpu.memory_space<vmem>>
      %dma_wait3A_659 = tpu.memref_squeeze %dma_wait3A_658 : memref<1x128xi32, #tpu.memory_space<vmem>> -> memref<128xi32, #tpu.memory_space<vmem>>
      %dma_wait3A_660 = arith.constant 0 : i32
      %dma_wait3A_661 = arith.constant 0 : i32
      %dma_wait3A_662 = tpu.memref_slice %arg2[%dma_wait3A_660, %dma_wait3A_661] : memref<100000x3xf32, #tpu.memory_space<hbm>> -> memref<100000x3xf32, #tpu.memory_space<hbm>>
      tpu.wait_indirect_dma semaphore(%arg11 : memref<!tpu.dma_semaphore, #tpu.memory_space<semaphore_mem>>) src(%dma_wait3A_662 : memref<100000x3xf32, #tpu.memory_space<hbm>>) dst(%dma_wait3A_656 : memref<128x3xf32, #tpu.memory_space<vmem>>)
      %dma_wait3A_663 = arith.constant 15 : i32
      %dma_wait3A_664 = arith.constant 1920 : i32
      %dma_wait3A_665 = arith.constant 0 : i32
      %dma_wait3A_666 = tpu.memref_slice %arg8[%dma_wait3A_664, %dma_wait3A_665] : memref<2048x3xf32, #tpu.memory_space<vmem>> -> memref<128x3xf32, #tpu.memory_space<vmem>>
      %dma_wait3A_667 = arith.constant 0 : i32
      %dma_wait3A_668 = tpu.memref_slice %arg6[%dma_wait3A_663, %dma_wait3A_667] : memref<16x128xi32, #tpu.memory_space<vmem>> -> memref<1x128xi32, #tpu.memory_space<vmem>>
      %dma_wait3A_669 = tpu.memref_squeeze %dma_wait3A_668 : memref<1x128xi32, #tpu.memory_space<vmem>> -> memref<128xi32, #tpu.memory_space<vmem>>
      %dma_wait3A_670 = arith.constant 0 : i32
      %dma_wait3A_671 = arith.constant 0 : i32
      %dma_wait3A_672 = tpu.memref_slice %arg2[%dma_wait3A_670, %dma_wait3A_671] : memref<100000x3xf32, #tpu.memory_space<hbm>> -> memref<100000x3xf32, #tpu.memory_space<hbm>>
      tpu.wait_indirect_dma semaphore(%arg11 : memref<!tpu.dma_semaphore, #tpu.memory_space<semaphore_mem>>) src(%dma_wait3A_672 : memref<100000x3xf32, #tpu.memory_space<hbm>>) dst(%dma_wait3A_666 : memref<128x3xf32, #tpu.memory_space<vmem>>)
      %dma_wait3A_673 = arith.constant 15 : i32
      %dma_wait3A_674 = arith.constant 1920 : i32
      %dma_wait3A_675 = arith.constant 0 : i32
      %dma_wait3A_676 = tpu.memref_slice %arg9[%dma_wait3A_674, %dma_wait3A_675] : memref<2048x3xf32, #tpu.memory_space<vmem>> -> memref<128x3xf32, #tpu.memory_space<vmem>>
      %dma_wait3A_677 = arith.constant 0 : i32
      %dma_wait3A_678 = tpu.memref_slice %arg7[%dma_wait3A_673, %dma_wait3A_677] : memref<16x128xi32, #tpu.memory_space<vmem>> -> memref<1x128xi32, #tpu.memory_space<vmem>>
      %dma_wait3A_679 = tpu.memref_squeeze %dma_wait3A_678 : memref<1x128xi32, #tpu.memory_space<vmem>> -> memref<128xi32, #tpu.memory_space<vmem>>
      %dma_wait3A_680 = arith.constant 0 : i32
      %dma_wait3A_681 = arith.constant 0 : i32
      %dma_wait3A_682 = tpu.memref_slice %arg2[%dma_wait3A_680, %dma_wait3A_681] : memref<100000x3xf32, #tpu.memory_space<hbm>> -> memref<100000x3xf32, #tpu.memory_space<hbm>>
      tpu.wait_indirect_dma semaphore(%arg11 : memref<!tpu.dma_semaphore, #tpu.memory_space<semaphore_mem>>) src(%dma_wait3A_682 : memref<100000x3xf32, #tpu.memory_space<hbm>>) dst(%dma_wait3A_676 : memref<128x3xf32, #tpu.memory_space<vmem>>)
      %scan3A = arith.constant 0 : i32
      %scan3A_683 = arith.constant 0 : i32
      %scan3A_684 = arith.constant 128 : i32
      %scan3A_685 = arith.addi %scan3A_683, %scan3A_684 : i32
      %scan3A_686 = arith.constant 2 : i32
      scf.for %scan3A_688 = %scan3A_683 to %scan3A_685 step %scan3A_686  : i32 {
        %mul3A_689 = arith.constant 16 : i32
        %mul3A_690 = arith.muli %scan3A_688, %mul3A_689 : i32
        %add3A_691 = vector.broadcast %mul3A_690 : i32 to vector<16xi32>
        %add3A_692 = arith.addi %add3A_691, %iota3A : vector<16xi32>
        %gather3A = tpu.vector_load_idx %arg8[%add3A_692, %broadcast_in_dim3A_1] : memref<2048x3xf32, #tpu.memory_space<vmem>>[vector<16xi32>, vector<16xi32>], vector<16xf32>,
        %gather3A_693 = tpu.vector_load_idx %arg9[%add3A_692, %broadcast_in_dim3A_1] : memref<2048x3xf32, #tpu.memory_space<vmem>>[vector<16xi32>, vector<16xi32>], vector<16xf32>,
        %sub3A_694 = arith.subf %gather3A_693, %gather3A : vector<16xf32>
        %gather3A_695 = tpu.vector_load_idx %arg8[%add3A_692, %broadcast_in_dim3A_3] : memref<2048x3xf32, #tpu.memory_space<vmem>>[vector<16xi32>, vector<16xi32>], vector<16xf32>,
        %gather3A_696 = tpu.vector_load_idx %arg9[%add3A_692, %broadcast_in_dim3A_3] : memref<2048x3xf32, #tpu.memory_space<vmem>>[vector<16xi32>, vector<16xi32>], vector<16xf32>,
        %sub3A_697 = arith.subf %gather3A_696, %gather3A_695 : vector<16xf32>
        %gather3A_698 = tpu.vector_load_idx %arg8[%add3A_692, %broadcast_in_dim3A_5] : memref<2048x3xf32, #tpu.memory_space<vmem>>[vector<16xi32>, vector<16xi32>], vector<16xf32>,
        %gather3A_699 = tpu.vector_load_idx %arg9[%add3A_692, %broadcast_in_dim3A_5] : memref<2048x3xf32, #tpu.memory_space<vmem>>[vector<16xi32>, vector<16xi32>], vector<16xf32>,
        %sub3A_700 = arith.subf %gather3A_699, %gather3A_698 : vector<16xf32>
        %mul3A_701 = arith.mulf %sub3A_694, %sub3A_694 : vector<16xf32>
        %mul3A_702 = arith.mulf %sub3A_697, %sub3A_697 : vector<16xf32>
        %add3A_703 = arith.addf %mul3A_701, %mul3A_702 : vector<16xf32>
        %mul3A_704 = arith.mulf %sub3A_700, %sub3A_700 : vector<16xf32>
        %add3A_705 = arith.addf %add3A_703, %mul3A_704 : vector<16xf32>
        %add3A_706 = arith.constant 9.99999996E-13 : f32
        %add3A_707 = vector.broadcast %add3A_706 : f32 to vector<16xf32>
        %add3A_708 = arith.addf %add3A_705, %add3A_707 : vector<16xf32>
        %bitcast_convert_type3A = tpu.bitcast %add3A_708 : vector<16xf32> -> vector<16xi32>
        %shift_right_logical3A = arith.constant 1 : i32
        %shift_right_logical3A_709 = vector.broadcast %shift_right_logical3A : i32 to vector<16xi32>
        %shift_right_logical3A_710 = arith.shrui %bitcast_convert_type3A, %shift_right_logical3A_709 : vector<16xi32>
        %sub3A_711 = arith.constant 1597463007 : i32
        %sub3A_712 = vector.broadcast %sub3A_711 : i32 to vector<16xi32>
        %sub3A_713 = arith.subi %sub3A_712, %shift_right_logical3A_710 : vector<16xi32>
        %bitcast_convert_type3A_714 = tpu.bitcast %sub3A_713 : vector<16xi32> -> vector<16xf32>
        %mul3A_715 = arith.constant 5.000000e-01 : f32
        %mul3A_716 = vector.broadcast %mul3A_715 : f32 to vector<16xf32>
        %mul3A_717 = arith.mulf %mul3A_716, %add3A_708 : vector<16xf32>
        %mul3A_718 = arith.mulf %mul3A_717, %bitcast_convert_type3A_714 : vector<16xf32>
        %mul3A_719 = arith.mulf %mul3A_718, %bitcast_convert_type3A_714 : vector<16xf32>
        %sub3A_720 = arith.constant 1.500000e+00 : f32
        %sub3A_721 = vector.broadcast %sub3A_720 : f32 to vector<16xf32>
        %sub3A_722 = arith.subf %sub3A_721, %mul3A_719 : vector<16xf32>
        %mul3A_723 = arith.mulf %bitcast_convert_type3A_714, %sub3A_722 : vector<16xf32>
        %mul3A_724 = arith.constant 5.000000e-01 : f32
        %mul3A_725 = vector.broadcast %mul3A_724 : f32 to vector<16xf32>
        %mul3A_726 = arith.mulf %mul3A_725, %add3A_708 : vector<16xf32>
        %mul3A_727 = arith.mulf %mul3A_726, %mul3A_723 : vector<16xf32>
        %mul3A_728 = arith.mulf %mul3A_727, %mul3A_723 : vector<16xf32>
        %sub3A_729 = arith.constant 1.500000e+00 : f32
        %sub3A_730 = vector.broadcast %sub3A_729 : f32 to vector<16xf32>
        %sub3A_731 = arith.subf %sub3A_730, %mul3A_728 : vector<16xf32>
        %mul3A_732 = arith.mulf %mul3A_723, %sub3A_731 : vector<16xf32>
        %mul3A_733 = arith.constant 5.000000e-01 : f32
        %mul3A_734 = vector.broadcast %mul3A_733 : f32 to vector<16xf32>
        %mul3A_735 = arith.mulf %mul3A_734, %add3A_708 : vector<16xf32>
        %mul3A_736 = arith.mulf %mul3A_735, %mul3A_732 : vector<16xf32>
        %mul3A_737 = arith.mulf %mul3A_736, %mul3A_732 : vector<16xf32>
        %sub3A_738 = arith.constant 1.500000e+00 : f32
        %sub3A_739 = vector.broadcast %sub3A_738 : f32 to vector<16xf32>
        %sub3A_740 = arith.subf %sub3A_739, %mul3A_737 : vector<16xf32>
        %mul3A_741 = arith.mulf %mul3A_732, %sub3A_740 : vector<16xf32>
        %mul3A_742 = arith.mulf %add3A_708, %mul3A_741 : vector<16xf32>
        tpu.vector_store_idx %arg10[%add3A_692, %broadcast_in_dim3A_1], %sub3A_694 : memref<2048x4xf32, #tpu.memory_space<vmem>>[vector<16xi32>, vector<16xi32>], vector<16xf32>,
        tpu.vector_store_idx %arg10[%add3A_692, %broadcast_in_dim3A_3], %sub3A_697 : memref<2048x4xf32, #tpu.memory_space<vmem>>[vector<16xi32>, vector<16xi32>], vector<16xf32>,
        tpu.vector_store_idx %arg10[%add3A_692, %broadcast_in_dim3A_5], %sub3A_700 : memref<2048x4xf32, #tpu.memory_space<vmem>>[vector<16xi32>, vector<16xi32>], vector<16xf32>,
        tpu.vector_store_idx %arg10[%add3A_692, %broadcast_in_dim3A_7], %mul3A_742 : memref<2048x4xf32, #tpu.memory_space<vmem>>[vector<16xi32>, vector<16xi32>], vector<16xf32>,
        %scan3A_743 = arith.constant 1 : i32
        %scan3A_744 = arith.addi %scan3A_688, %scan3A_743 : i32
        %mul3A_745 = arith.constant 16 : i32
        %mul3A_746 = arith.muli %scan3A_744, %mul3A_745 : i32
        %add3A_747 = vector.broadcast %mul3A_746 : i32 to vector<16xi32>
        %add3A_748 = arith.addi %add3A_747, %iota3A : vector<16xi32>
        %gather3A_749 = tpu.vector_load_idx %arg8[%add3A_748, %broadcast_in_dim3A_1] : memref<2048x3xf32, #tpu.memory_space<vmem>>[vector<16xi32>, vector<16xi32>], vector<16xf32>,
        %gather3A_750 = tpu.vector_load_idx %arg9[%add3A_748, %broadcast_in_dim3A_1] : memref<2048x3xf32, #tpu.memory_space<vmem>>[vector<16xi32>, vector<16xi32>], vector<16xf32>,
        %sub3A_751 = arith.subf %gather3A_750, %gather3A_749 : vector<16xf32>
        %gather3A_752 = tpu.vector_load_idx %arg8[%add3A_748, %broadcast_in_dim3A_3] : memref<2048x3xf32, #tpu.memory_space<vmem>>[vector<16xi32>, vector<16xi32>], vector<16xf32>,
        %gather3A_753 = tpu.vector_load_idx %arg9[%add3A_748, %broadcast_in_dim3A_3] : memref<2048x3xf32, #tpu.memory_space<vmem>>[vector<16xi32>, vector<16xi32>], vector<16xf32>,
        %sub3A_754 = arith.subf %gather3A_753, %gather3A_752 : vector<16xf32>
        %gather3A_755 = tpu.vector_load_idx %arg8[%add3A_748, %broadcast_in_dim3A_5] : memref<2048x3xf32, #tpu.memory_space<vmem>>[vector<16xi32>, vector<16xi32>], vector<16xf32>,
        %gather3A_756 = tpu.vector_load_idx %arg9[%add3A_748, %broadcast_in_dim3A_5] : memref<2048x3xf32, #tpu.memory_space<vmem>>[vector<16xi32>, vector<16xi32>], vector<16xf32>,
        %sub3A_757 = arith.subf %gather3A_756, %gather3A_755 : vector<16xf32>
        %mul3A_758 = arith.mulf %sub3A_751, %sub3A_751 : vector<16xf32>
        %mul3A_759 = arith.mulf %sub3A_754, %sub3A_754 : vector<16xf32>
        %add3A_760 = arith.addf %mul3A_758, %mul3A_759 : vector<16xf32>
        %mul3A_761 = arith.mulf %sub3A_757, %sub3A_757 : vector<16xf32>
        %add3A_762 = arith.addf %add3A_760, %mul3A_761 : vector<16xf32>
        %add3A_763 = arith.constant 9.99999996E-13 : f32
        %add3A_764 = vector.broadcast %add3A_763 : f32 to vector<16xf32>
        %add3A_765 = arith.addf %add3A_762, %add3A_764 : vector<16xf32>
        %bitcast_convert_type3A_766 = tpu.bitcast %add3A_765 : vector<16xf32> -> vector<16xi32>
        %shift_right_logical3A_767 = arith.constant 1 : i32
        %shift_right_logical3A_768 = vector.broadcast %shift_right_logical3A_767 : i32 to vector<16xi32>
        %shift_right_logical3A_769 = arith.shrui %bitcast_convert_type3A_766, %shift_right_logical3A_768 : vector<16xi32>
        %sub3A_770 = arith.constant 1597463007 : i32
        %sub3A_771 = vector.broadcast %sub3A_770 : i32 to vector<16xi32>
        %sub3A_772 = arith.subi %sub3A_771, %shift_right_logical3A_769 : vector<16xi32>
        %bitcast_convert_type3A_773 = tpu.bitcast %sub3A_772 : vector<16xi32> -> vector<16xf32>
        %mul3A_774 = arith.constant 5.000000e-01 : f32
        %mul3A_775 = vector.broadcast %mul3A_774 : f32 to vector<16xf32>
        %mul3A_776 = arith.mulf %mul3A_775, %add3A_765 : vector<16xf32>
        %mul3A_777 = arith.mulf %mul3A_776, %bitcast_convert_type3A_773 : vector<16xf32>
        %mul3A_778 = arith.mulf %mul3A_777, %bitcast_convert_type3A_773 : vector<16xf32>
        %sub3A_779 = arith.constant 1.500000e+00 : f32
        %sub3A_780 = vector.broadcast %sub3A_779 : f32 to vector<16xf32>
        %sub3A_781 = arith.subf %sub3A_780, %mul3A_778 : vector<16xf32>
        %mul3A_782 = arith.mulf %bitcast_convert_type3A_773, %sub3A_781 : vector<16xf32>
        %mul3A_783 = arith.constant 5.000000e-01 : f32
        %mul3A_784 = vector.broadcast %mul3A_783 : f32 to vector<16xf32>
        %mul3A_785 = arith.mulf %mul3A_784, %add3A_765 : vector<16xf32>
        %mul3A_786 = arith.mulf %mul3A_785, %mul3A_782 : vector<16xf32>
        %mul3A_787 = arith.mulf %mul3A_786, %mul3A_782 : vector<16xf32>
        %sub3A_788 = arith.constant 1.500000e+00 : f32
        %sub3A_789 = vector.broadcast %sub3A_788 : f32 to vector<16xf32>
        %sub3A_790 = arith.subf %sub3A_789, %mul3A_787 : vector<16xf32>
        %mul3A_791 = arith.mulf %mul3A_782, %sub3A_790 : vector<16xf32>
        %mul3A_792 = arith.constant 5.000000e-01 : f32
        %mul3A_793 = vector.broadcast %mul3A_792 : f32 to vector<16xf32>
        %mul3A_794 = arith.mulf %mul3A_793, %add3A_765 : vector<16xf32>
        %mul3A_795 = arith.mulf %mul3A_794, %mul3A_791 : vector<16xf32>
        %mul3A_796 = arith.mulf %mul3A_795, %mul3A_791 : vector<16xf32>
        %sub3A_797 = arith.constant 1.500000e+00 : f32
        %sub3A_798 = vector.broadcast %sub3A_797 : f32 to vector<16xf32>
        %sub3A_799 = arith.subf %sub3A_798, %mul3A_796 : vector<16xf32>
        %mul3A_800 = arith.mulf %mul3A_791, %sub3A_799 : vector<16xf32>
        %mul3A_801 = arith.mulf %add3A_765, %mul3A_800 : vector<16xf32>
        tpu.vector_store_idx %arg10[%add3A_748, %broadcast_in_dim3A_1], %sub3A_751 : memref<2048x4xf32, #tpu.memory_space<vmem>>[vector<16xi32>, vector<16xi32>], vector<16xf32>,
        tpu.vector_store_idx %arg10[%add3A_748, %broadcast_in_dim3A_3], %sub3A_754 : memref<2048x4xf32, #tpu.memory_space<vmem>>[vector<16xi32>, vector<16xi32>], vector<16xf32>,
        tpu.vector_store_idx %arg10[%add3A_748, %broadcast_in_dim3A_5], %sub3A_757 : memref<2048x4xf32, #tpu.memory_space<vmem>>[vector<16xi32>, vector<16xi32>], vector<16xf32>,
        tpu.vector_store_idx %arg10[%add3A_748, %broadcast_in_dim3A_7], %mul3A_801 : memref<2048x4xf32, #tpu.memory_space<vmem>>[vector<16xi32>, vector<16xi32>], vector<16xf32>,
      }
      %scan3A_687 = arith.constant 128 : i32
      "tpu.region"() ({
        %run_scoped3A = tpu.sem_alloc : memref<!tpu.dma_semaphore, #tpu.memory_space<semaphore_mem>>
        %dma_start3A_688 = arith.constant 0 : i32
        %dma_start3A_689 = tpu.memref_slice %arg5[%mul3A_44, %dma_start3A_688] : memref<6400000x4xf32, #tpu.memory_space<hbm>> -> memref<2048x4xf32, #tpu.memory_space<hbm>>
        %dma_start3A_690 = arith.constant 0 : i32
        %dma_start3A_691 = tpu.memref_slice %arg5[%mul3A_44, %dma_start3A_690] : memref<6400000x4xf32, #tpu.memory_space<hbm>> -> memref<2048x4xf32, #tpu.memory_space<hbm>>
        tpu.enqueue_dma source(%arg10 : memref<2048x4xf32, #tpu.memory_space<vmem>>) target(%dma_start3A_691 : memref<2048x4xf32, #tpu.memory_space<hbm>>) target_semaphore(%run_scoped3A : memref<!tpu.dma_semaphore, #tpu.memory_space<semaphore_mem>>)
        %dma_wait3A_692 = arith.constant 0 : i32
        %dma_wait3A_693 = tpu.memref_slice %arg5[%mul3A_44, %dma_wait3A_692] : memref<6400000x4xf32, #tpu.memory_space<hbm>> -> memref<2048x4xf32, #tpu.memory_space<hbm>>
        %dma_wait3A_694 = arith.constant 0 : i32
        %dma_wait3A_695 = tpu.memref_slice %arg5[%mul3A_44, %dma_wait3A_694] : memref<6400000x4xf32, #tpu.memory_space<hbm>> -> memref<2048x4xf32, #tpu.memory_space<hbm>>
        tpu.wait_dma2 semaphore(%run_scoped3A : memref<!tpu.dma_semaphore, #tpu.memory_space<semaphore_mem>>) src(%arg10 : memref<2048x4xf32, #tpu.memory_space<vmem>>) dst(%dma_wait3A_695 : memref<2048x4xf32, #tpu.memory_space<hbm>>)
        tpu.yield
      }) : () -> ()
    }
    %while3A_38 = arith.constant 1 : i32
    scf.for %while3A_39 = %while3A_36 to %while3A_32 step %while3A_38  : i32 {
      %mul3A_40 = arith.constant 32 : i32
      %mul3A_41 = arith.muli %while3A_39, %mul3A_40 : i32
      %add3A_42 = arith.addi %add3A, %mul3A_41 : i32
      %mul3A_43 = arith.constant 2048 : i32
      %mul3A_44 = arith.muli %add3A_42, %mul3A_43 : i32
      "tpu.region"() ({
        %run_scoped3A = tpu.sem_alloc : memref<!tpu.dma_semaphore, #tpu.memory_space<semaphore_mem>>
        %dma_start3A_688 = arith.constant 0 : i32
        %dma_start3A_689 = arith.constant 0 : i32
        %dma_start3A_690 = tpu.memref_slice %arg3[%add3A_42, %dma_start3A_688, %dma_start3A_689] : memref<3125x16x128xi32, #tpu.memory_space<hbm>> -> memref<1x16x128xi32, #tpu.memory_space<hbm>>
        %dma_start3A_691 = tpu.memref_squeeze %dma_start3A_690 : memref<1x16x128xi32, #tpu.memory_space<hbm>> -> memref<16x128xi32, #tpu.memory_space<hbm>>
        %dma_start3A_692 = arith.constant 0 : i32
        %dma_start3A_693 = arith.constant 0 : i32
        %dma_start3A_694 = tpu.memref_slice %arg3[%add3A_42, %dma_start3A_692, %dma_start3A_693] : memref<3125x16x128xi32, #tpu.memory_space<hbm>> -> memref<1x16x128xi32, #tpu.memory_space<hbm>>
        %dma_start3A_695 = tpu.memref_squeeze %dma_start3A_694 : memref<1x16x128xi32, #tpu.memory_space<hbm>> -> memref<16x128xi32, #tpu.memory_space<hbm>>
        tpu.enqueue_dma source(%dma_start3A_695 : memref<16x128xi32, #tpu.memory_space<hbm>>) target(%arg6 : memref<16x128xi32, #tpu.memory_space<vmem>>) target_semaphore(%run_scoped3A : memref<!tpu.dma_semaphore, #tpu.memory_space<semaphore_mem>>)
        %dma_wait3A_696 = arith.constant 0 : i32
        %dma_wait3A_697 = arith.constant 0 : i32
        %dma_wait3A_698 = tpu.memref_slice %arg3[%add3A_42, %dma_wait3A_696, %dma_wait3A_697] : memref<3125x16x128xi32, #tpu.memory_space<hbm>> -> memref<1x16x128xi32, #tpu.memory_space<hbm>>
        %dma_wait3A_699 = tpu.memref_squeeze %dma_wait3A_698 : memref<1x16x128xi32, #tpu.memory_space<hbm>> -> memref<16x128xi32, #tpu.memory_space<hbm>>
        %dma_wait3A_700 = arith.constant 0 : i32
        %dma_wait3A_701 = arith.constant 0 : i32
        %dma_wait3A_702 = tpu.memref_slice %arg3[%add3A_42, %dma_wait3A_700, %dma_wait3A_701] : memref<3125x16x128xi32, #tpu.memory_space<hbm>> -> memref<1x16x128xi32, #tpu.memory_space<hbm>>
        %dma_wait3A_703 = tpu.memref_squeeze %dma_wait3A_702 : memref<1x16x128xi32, #tpu.memory_space<hbm>> -> memref<16x128xi32, #tpu.memory_space<hbm>>
        tpu.wait_dma2 semaphore(%run_scoped3A : memref<!tpu.dma_semaphore, #tpu.memory_space<semaphore_mem>>) src(%dma_wait3A_703 : memref<16x128xi32, #tpu.memory_space<hbm>>) dst(%arg6 : memref<16x128xi32, #tpu.memory_space<vmem>>)
        tpu.yield
      }) : () -> ()
      "tpu.region"() ({
        %run_scoped3A = tpu.sem_alloc : memref<!tpu.dma_semaphore, #tpu.memory_space<semaphore_mem>>
        %dma_start3A_688 = arith.constant 0 : i32
        %dma_start3A_689 = arith.constant 0 : i32
        %dma_start3A_690 = tpu.memref_slice %arg4[%add3A_42, %dma_start3A_688, %dma_start3A_689] : memref<3125x16x128xi32, #tpu.memory_space<hbm>> -> memref<1x16x128xi32, #tpu.memory_space<hbm>>
        %dma_start3A_691 = tpu.memref_squeeze %dma_start3A_690 : memref<1x16x128xi32, #tpu.memory_space<hbm>> -> memref<16x128xi32, #tpu.memory_space<hbm>>
        %dma_start3A_692 = arith.constant 0 : i32
        %dma_start3A_693 = arith.constant 0 : i32
        %dma_start3A_694 = tpu.memref_slice %arg4[%add3A_42, %dma_start3A_692, %dma_start3A_693] : memref<3125x16x128xi32, #tpu.memory_space<hbm>> -> memref<1x16x128xi32, #tpu.memory_space<hbm>>
        %dma_start3A_695 = tpu.memref_squeeze %dma_start3A_694 : memref<1x16x128xi32, #tpu.memory_space<hbm>> -> memref<16x128xi32, #tpu.memory_space<hbm>>
        tpu.enqueue_dma source(%dma_start3A_695 : memref<16x128xi32, #tpu.memory_space<hbm>>) target(%arg7 : memref<16x128xi32, #tpu.memory_space<vmem>>) target_semaphore(%run_scoped3A : memref<!tpu.dma_semaphore, #tpu.memory_space<semaphore_mem>>)
        %dma_wait3A_696 = arith.constant 0 : i32
        %dma_wait3A_697 = arith.constant 0 : i32
        %dma_wait3A_698 = tpu.memref_slice %arg4[%add3A_42, %dma_wait3A_696, %dma_wait3A_697] : memref<3125x16x128xi32, #tpu.memory_space<hbm>> -> memref<1x16x128xi32, #tpu.memory_space<hbm>>
        %dma_wait3A_699 = tpu.memref_squeeze %dma_wait3A_698 : memref<1x16x128xi32, #tpu.memory_space<hbm>> -> memref<16x128xi32, #tpu.memory_space<hbm>>
        %dma_wait3A_700 = arith.constant 0 : i32
        %dma_wait3A_701 = arith.constant 0 : i32
        %dma_wait3A_702 = tpu.memref_slice %arg4[%add3A_42, %dma_wait3A_700, %dma_wait3A_701] : memref<3125x16x128xi32, #tpu.memory_space<hbm>> -> memref<1x16x128xi32, #tpu.memory_space<hbm>>
        %dma_wait3A_703 = tpu.memref_squeeze %dma_wait3A_702 : memref<1x16x128xi32, #tpu.memory_space<hbm>> -> memref<16x128xi32, #tpu.memory_space<hbm>>
        tpu.wait_dma2 semaphore(%run_scoped3A : memref<!tpu.dma_semaphore, #tpu.memory_space<semaphore_mem>>) src(%dma_wait3A_703 : memref<16x128xi32, #tpu.memory_space<hbm>>) dst(%arg7 : memref<16x128xi32, #tpu.memory_space<vmem>>)
        tpu.yield
      }) : () -> ()
      %dma_start3A = arith.constant 0 : i32
      %dma_start3A_45 = arith.constant 0 : i32
      %dma_start3A_46 = arith.constant 0 : i32
      %dma_start3A_47 = tpu.memref_slice %arg8[%dma_start3A_45, %dma_start3A_46] : memref<2048x3xf32, #tpu.memory_space<vmem>> -> memref<128x3xf32, #tpu.memory_space<vmem>>
      %dma_start3A_48 = arith.constant 0 : i32
      %dma_start3A_49 = tpu.memref_slice %arg6[%dma_start3A, %dma_start3A_48] : memref<16x128xi32, #tpu.memory_space<vmem>> -> memref<1x128xi32, #tpu.memory_space<vmem>>
      %dma_start3A_50 = tpu.memref_squeeze %dma_start3A_49 : memref<1x128xi32, #tpu.memory_space<vmem>> -> memref<128xi32, #tpu.memory_space<vmem>>
      %dma_start3A_51 = arith.constant 0 : i32
      %dma_start3A_52 = arith.constant 0 : i32
      %dma_start3A_53 = tpu.memref_slice %arg2[%dma_start3A_51, %dma_start3A_52] : memref<100000x3xf32, #tpu.memory_space<hbm>> -> memref<100000x3xf32, #tpu.memory_space<hbm>>
      tpu.enqueue_indirect_dma source(%dma_start3A_53 : memref<100000x3xf32, #tpu.memory_space<hbm>>) target(%dma_start3A_47 : memref<128x3xf32, #tpu.memory_space<vmem>>) offsets(%dma_start3A_50 : memref<128xi32, #tpu.memory_space<vmem>>) semaphore(%arg11 : memref<!tpu.dma_semaphore, #tpu.memory_space<semaphore_mem>>)
      %dma_start3A_54 = arith.constant 0 : i32
      %dma_start3A_55 = arith.constant 0 : i32
      %dma_start3A_56 = arith.constant 0 : i32
      %dma_start3A_57 = tpu.memref_slice %arg9[%dma_start3A_55, %dma_start3A_56] : memref<2048x3xf32, #tpu.memory_space<vmem>> -> memref<128x3xf32, #tpu.memory_space<vmem>>
      %dma_start3A_58 = arith.constant 0 : i32
      %dma_start3A_59 = tpu.memref_slice %arg7[%dma_start3A_54, %dma_start3A_58] : memref<16x128xi32, #tpu.memory_space<vmem>> -> memref<1x128xi32, #tpu.memory_space<vmem>>
      %dma_start3A_60 = tpu.memref_squeeze %dma_start3A_59 : memref<1x128xi32, #tpu.memory_space<vmem>> -> memref<128xi32, #tpu.memory_space<vmem>>
      %dma_start3A_61 = arith.constant 0 : i32
      %dma_start3A_62 = arith.constant 0 : i32
      %dma_start3A_63 = tpu.memref_slice %arg2[%dma_start3A_61, %dma_start3A_62] : memref<100000x3xf32, #tpu.memory_space<hbm>> -> memref<100000x3xf32, #tpu.memory_space<hbm>>
      tpu.enqueue_indirect_dma source(%dma_start3A_63 : memref<100000x3xf32, #tpu.memory_space<hbm>>) target(%dma_start3A_57 : memref<128x3xf32, #tpu.memory_space<vmem>>) offsets(%dma_start3A_60 : memref<128xi32, #tpu.memory_space<vmem>>) semaphore(%arg11 : memref<!tpu.dma_semaphore, #tpu.memory_space<semaphore_mem>>)
      %dma_start3A_64 = arith.constant 1 : i32
      %dma_start3A_65 = arith.constant 128 : i32
      %dma_start3A_66 = arith.constant 0 : i32
      %dma_start3A_67 = tpu.memref_slice %arg8[%dma_start3A_65, %dma_start3A_66] : memref<2048x3xf32, #tpu.memory_space<vmem>> -> memref<128x3xf32, #tpu.memory_space<vmem>>
      %dma_start3A_68 = arith.constant 0 : i32
      %dma_start3A_69 = tpu.memref_slice %arg6[%dma_start3A_64, %dma_start3A_68] : memref<16x128xi32, #tpu.memory_space<vmem>> -> memref<1x128xi32, #tpu.memory_space<vmem>>
      %dma_start3A_70 = tpu.memref_squeeze %dma_start3A_69 : memref<1x128xi32, #tpu.memory_space<vmem>> -> memref<128xi32, #tpu.memory_space<vmem>>
      %dma_start3A_71 = arith.constant 0 : i32
      %dma_start3A_72 = arith.constant 0 : i32
      %dma_start3A_73 = tpu.memref_slice %arg2[%dma_start3A_71, %dma_start3A_72] : memref<100000x3xf32, #tpu.memory_space<hbm>> -> memref<100000x3xf32, #tpu.memory_space<hbm>>
      tpu.enqueue_indirect_dma source(%dma_start3A_73 : memref<100000x3xf32, #tpu.memory_space<hbm>>) target(%dma_start3A_67 : memref<128x3xf32, #tpu.memory_space<vmem>>) offsets(%dma_start3A_70 : memref<128xi32, #tpu.memory_space<vmem>>) semaphore(%arg11 : memref<!tpu.dma_semaphore, #tpu.memory_space<semaphore_mem>>)
      %dma_start3A_74 = arith.constant 1 : i32
      %dma_start3A_75 = arith.constant 128 : i32
      %dma_start3A_76 = arith.constant 0 : i32
      %dma_start3A_77 = tpu.memref_slice %arg9[%dma_start3A_75, %dma_start3A_76] : memref<2048x3xf32, #tpu.memory_space<vmem>> -> memref<128x3xf32, #tpu.memory_space<vmem>>
      %dma_start3A_78 = arith.constant 0 : i32
      %dma_start3A_79 = tpu.memref_slice %arg7[%dma_start3A_74, %dma_start3A_78] : memref<16x128xi32, #tpu.memory_space<vmem>> -> memref<1x128xi32, #tpu.memory_space<vmem>>
      %dma_start3A_80 = tpu.memref_squeeze %dma_start3A_79 : memref<1x128xi32, #tpu.memory_space<vmem>> -> memref<128xi32, #tpu.memory_space<vmem>>
      %dma_start3A_81 = arith.constant 0 : i32
      %dma_start3A_82 = arith.constant 0 : i32
      %dma_start3A_83 = tpu.memref_slice %arg2[%dma_start3A_81, %dma_start3A_82] : memref<100000x3xf32, #tpu.memory_space<hbm>> -> memref<100000x3xf32, #tpu.memory_space<hbm>>
      tpu.enqueue_indirect_dma source(%dma_start3A_83 : memref<100000x3xf32, #tpu.memory_space<hbm>>) target(%dma_start3A_77 : memref<128x3xf32, #tpu.memory_space<vmem>>) offsets(%dma_start3A_80 : memref<128xi32, #tpu.memory_space<vmem>>) semaphore(%arg11 : memref<!tpu.dma_semaphore, #tpu.memory_space<semaphore_mem>>)
      %dma_start3A_84 = arith.constant 2 : i32
      %dma_start3A_85 = arith.constant 256 : i32
      %dma_start3A_86 = arith.constant 0 : i32
      %dma_start3A_87 = tpu.memref_slice %arg8[%dma_start3A_85, %dma_start3A_86] : memref<2048x3xf32, #tpu.memory_space<vmem>> -> memref<128x3xf32, #tpu.memory_space<vmem>>
      %dma_start3A_88 = arith.constant 0 : i32
      %dma_start3A_89 = tpu.memref_slice %arg6[%dma_start3A_84, %dma_start3A_88] : memref<16x128xi32, #tpu.memory_space<vmem>> -> memref<1x128xi32, #tpu.memory_space<vmem>>
      %dma_start3A_90 = tpu.memref_squeeze %dma_start3A_89 : memref<1x128xi32, #tpu.memory_space<vmem>> -> memref<128xi32, #tpu.memory_space<vmem>>
      %dma_start3A_91 = arith.constant 0 : i32
      %dma_start3A_92 = arith.constant 0 : i32
      %dma_start3A_93 = tpu.memref_slice %arg2[%dma_start3A_91, %dma_start3A_92] : memref<100000x3xf32, #tpu.memory_space<hbm>> -> memref<100000x3xf32, #tpu.memory_space<hbm>>
      tpu.enqueue_indirect_dma source(%dma_start3A_93 : memref<100000x3xf32, #tpu.memory_space<hbm>>) target(%dma_start3A_87 : memref<128x3xf32, #tpu.memory_space<vmem>>) offsets(%dma_start3A_90 : memref<128xi32, #tpu.memory_space<vmem>>) semaphore(%arg11 : memref<!tpu.dma_semaphore, #tpu.memory_space<semaphore_mem>>)
      %dma_start3A_94 = arith.constant 2 : i32
      %dma_start3A_95 = arith.constant 256 : i32
      %dma_start3A_96 = arith.constant 0 : i32
      %dma_start3A_97 = tpu.memref_slice %arg9[%dma_start3A_95, %dma_start3A_96] : memref<2048x3xf32, #tpu.memory_space<vmem>> -> memref<128x3xf32, #tpu.memory_space<vmem>>
      %dma_start3A_98 = arith.constant 0 : i32
      %dma_start3A_99 = tpu.memref_slice %arg7[%dma_start3A_94, %dma_start3A_98] : memref<16x128xi32, #tpu.memory_space<vmem>> -> memref<1x128xi32, #tpu.memory_space<vmem>>
      %dma_start3A_100 = tpu.memref_squeeze %dma_start3A_99 : memref<1x128xi32, #tpu.memory_space<vmem>> -> memref<128xi32, #tpu.memory_space<vmem>>
      %dma_start3A_101 = arith.constant 0 : i32
      %dma_start3A_102 = arith.constant 0 : i32
      %dma_start3A_103 = tpu.memref_slice %arg2[%dma_start3A_101, %dma_start3A_102] : memref<100000x3xf32, #tpu.memory_space<hbm>> -> memref<100000x3xf32, #tpu.memory_space<hbm>>
      tpu.enqueue_indirect_dma source(%dma_start3A_103 : memref<100000x3xf32, #tpu.memory_space<hbm>>) target(%dma_start3A_97 : memref<128x3xf32, #tpu.memory_space<vmem>>) offsets(%dma_start3A_100 : memref<128xi32, #tpu.memory_space<vmem>>) semaphore(%arg11 : memref<!tpu.dma_semaphore, #tpu.memory_space<semaphore_mem>>)
      %dma_start3A_104 = arith.constant 3 : i32
      %dma_start3A_105 = arith.constant 384 : i32
      %dma_start3A_106 = arith.constant 0 : i32
      %dma_start3A_107 = tpu.memref_slice %arg8[%dma_start3A_105, %dma_start3A_106] : memref<2048x3xf32, #tpu.memory_space<vmem>> -> memref<128x3xf32, #tpu.memory_space<vmem>>
      %dma_start3A_108 = arith.constant 0 : i32
      %dma_start3A_109 = tpu.memref_slice %arg6[%dma_start3A_104, %dma_start3A_108] : memref<16x128xi32, #tpu.memory_space<vmem>> -> memref<1x128xi32, #tpu.memory_space<vmem>>
      %dma_start3A_110 = tpu.memref_squeeze %dma_start3A_109 : memref<1x128xi32, #tpu.memory_space<vmem>> -> memref<128xi32, #tpu.memory_space<vmem>>
      %dma_start3A_111 = arith.constant 0 : i32
      %dma_start3A_112 = arith.constant 0 : i32
      %dma_start3A_113 = tpu.memref_slice %arg2[%dma_start3A_111, %dma_start3A_112] : memref<100000x3xf32, #tpu.memory_space<hbm>> -> memref<100000x3xf32, #tpu.memory_space<hbm>>
      tpu.enqueue_indirect_dma source(%dma_start3A_113 : memref<100000x3xf32, #tpu.memory_space<hbm>>) target(%dma_start3A_107 : memref<128x3xf32, #tpu.memory_space<vmem>>) offsets(%dma_start3A_110 : memref<128xi32, #tpu.memory_space<vmem>>) semaphore(%arg11 : memref<!tpu.dma_semaphore, #tpu.memory_space<semaphore_mem>>)
      %dma_start3A_114 = arith.constant 3 : i32
      %dma_start3A_115 = arith.constant 384 : i32
      %dma_start3A_116 = arith.constant 0 : i32
      %dma_start3A_117 = tpu.memref_slice %arg9[%dma_start3A_115, %dma_start3A_116] : memref<2048x3xf32, #tpu.memory_space<vmem>> -> memref<128x3xf32, #tpu.memory_space<vmem>>
      %dma_start3A_118 = arith.constant 0 : i32
      %dma_start3A_119 = tpu.memref_slice %arg7[%dma_start3A_114, %dma_start3A_118] : memref<16x128xi32, #tpu.memory_space<vmem>> -> memref<1x128xi32, #tpu.memory_space<vmem>>
      %dma_start3A_120 = tpu.memref_squeeze %dma_start3A_119 : memref<1x128xi32, #tpu.memory_space<vmem>> -> memref<128xi32, #tpu.memory_space<vmem>>
      %dma_start3A_121 = arith.constant 0 : i32
      %dma_start3A_122 = arith.constant 0 : i32
      %dma_start3A_123 = tpu.memref_slice %arg2[%dma_start3A_121, %dma_start3A_122] : memref<100000x3xf32, #tpu.memory_space<hbm>> -> memref<100000x3xf32, #tpu.memory_space<hbm>>
      tpu.enqueue_indirect_dma source(%dma_start3A_123 : memref<100000x3xf32, #tpu.memory_space<hbm>>) target(%dma_start3A_117 : memref<128x3xf32, #tpu.memory_space<vmem>>) offsets(%dma_start3A_120 : memref<128xi32, #tpu.memory_space<vmem>>) semaphore(%arg11 : memref<!tpu.dma_semaphore, #tpu.memory_space<semaphore_mem>>)
      %dma_start3A_124 = arith.constant 4 : i32
      %dma_start3A_125 = arith.constant 512 : i32
      %dma_start3A_126 = arith.constant 0 : i32
      %dma_start3A_127 = tpu.memref_slice %arg8[%dma_start3A_125, %dma_start3A_126] : memref<2048x3xf32, #tpu.memory_space<vmem>> -> memref<128x3xf32, #tpu.memory_space<vmem>>
      %dma_start3A_128 = arith.constant 0 : i32
      %dma_start3A_129 = tpu.memref_slice %arg6[%dma_start3A_124, %dma_start3A_128] : memref<16x128xi32, #tpu.memory_space<vmem>> -> memref<1x128xi32, #tpu.memory_space<vmem>>
      %dma_start3A_130 = tpu.memref_squeeze %dma_start3A_129 : memref<1x128xi32, #tpu.memory_space<vmem>> -> memref<128xi32, #tpu.memory_space<vmem>>
      %dma_start3A_131 = arith.constant 0 : i32
      %dma_start3A_132 = arith.constant 0 : i32
      %dma_start3A_133 = tpu.memref_slice %arg2[%dma_start3A_131, %dma_start3A_132] : memref<100000x3xf32, #tpu.memory_space<hbm>> -> memref<100000x3xf32, #tpu.memory_space<hbm>>
      tpu.enqueue_indirect_dma source(%dma_start3A_133 : memref<100000x3xf32, #tpu.memory_space<hbm>>) target(%dma_start3A_127 : memref<128x3xf32, #tpu.memory_space<vmem>>) offsets(%dma_start3A_130 : memref<128xi32, #tpu.memory_space<vmem>>) semaphore(%arg11 : memref<!tpu.dma_semaphore, #tpu.memory_space<semaphore_mem>>)
      %dma_start3A_134 = arith.constant 4 : i32
      %dma_start3A_135 = arith.constant 512 : i32
      %dma_start3A_136 = arith.constant 0 : i32
      %dma_start3A_137 = tpu.memref_slice %arg9[%dma_start3A_135, %dma_start3A_136] : memref<2048x3xf32, #tpu.memory_space<vmem>> -> memref<128x3xf32, #tpu.memory_space<vmem>>
      %dma_start3A_138 = arith.constant 0 : i32
      %dma_start3A_139 = tpu.memref_slice %arg7[%dma_start3A_134, %dma_start3A_138] : memref<16x128xi32, #tpu.memory_space<vmem>> -> memref<1x128xi32, #tpu.memory_space<vmem>>
      %dma_start3A_140 = tpu.memref_squeeze %dma_start3A_139 : memref<1x128xi32, #tpu.memory_space<vmem>> -> memref<128xi32, #tpu.memory_space<vmem>>
      %dma_start3A_141 = arith.constant 0 : i32
      %dma_start3A_142 = arith.constant 0 : i32
      %dma_start3A_143 = tpu.memref_slice %arg2[%dma_start3A_141, %dma_start3A_142] : memref<100000x3xf32, #tpu.memory_space<hbm>> -> memref<100000x3xf32, #tpu.memory_space<hbm>>
      tpu.enqueue_indirect_dma source(%dma_start3A_143 : memref<100000x3xf32, #tpu.memory_space<hbm>>) target(%dma_start3A_137 : memref<128x3xf32, #tpu.memory_space<vmem>>) offsets(%dma_start3A_140 : memref<128xi32, #tpu.memory_space<vmem>>) semaphore(%arg11 : memref<!tpu.dma_semaphore, #tpu.memory_space<semaphore_mem>>)
      %dma_start3A_144 = arith.constant 5 : i32
      %dma_start3A_145 = arith.constant 640 : i32
      %dma_start3A_146 = arith.constant 0 : i32
      %dma_start3A_147 = tpu.memref_slice %arg8[%dma_start3A_145, %dma_start3A_146] : memref<2048x3xf32, #tpu.memory_space<vmem>> -> memref<128x3xf32, #tpu.memory_space<vmem>>
      %dma_start3A_148 = arith.constant 0 : i32
      %dma_start3A_149 = tpu.memref_slice %arg6[%dma_start3A_144, %dma_start3A_148] : memref<16x128xi32, #tpu.memory_space<vmem>> -> memref<1x128xi32, #tpu.memory_space<vmem>>
      %dma_start3A_150 = tpu.memref_squeeze %dma_start3A_149 : memref<1x128xi32, #tpu.memory_space<vmem>> -> memref<128xi32, #tpu.memory_space<vmem>>
      %dma_start3A_151 = arith.constant 0 : i32
      %dma_start3A_152 = arith.constant 0 : i32
      %dma_start3A_153 = tpu.memref_slice %arg2[%dma_start3A_151, %dma_start3A_152] : memref<100000x3xf32, #tpu.memory_space<hbm>> -> memref<100000x3xf32, #tpu.memory_space<hbm>>
      tpu.enqueue_indirect_dma source(%dma_start3A_153 : memref<100000x3xf32, #tpu.memory_space<hbm>>) target(%dma_start3A_147 : memref<128x3xf32, #tpu.memory_space<vmem>>) offsets(%dma_start3A_150 : memref<128xi32, #tpu.memory_space<vmem>>) semaphore(%arg11 : memref<!tpu.dma_semaphore, #tpu.memory_space<semaphore_mem>>)
      %dma_start3A_154 = arith.constant 5 : i32
      %dma_start3A_155 = arith.constant 640 : i32
      %dma_start3A_156 = arith.constant 0 : i32
      %dma_start3A_157 = tpu.memref_slice %arg9[%dma_start3A_155, %dma_start3A_156] : memref<2048x3xf32, #tpu.memory_space<vmem>> -> memref<128x3xf32, #tpu.memory_space<vmem>>
      %dma_start3A_158 = arith.constant 0 : i32
      %dma_start3A_159 = tpu.memref_slice %arg7[%dma_start3A_154, %dma_start3A_158] : memref<16x128xi32, #tpu.memory_space<vmem>> -> memref<1x128xi32, #tpu.memory_space<vmem>>
      %dma_start3A_160 = tpu.memref_squeeze %dma_start3A_159 : memref<1x128xi32, #tpu.memory_space<vmem>> -> memref<128xi32, #tpu.memory_space<vmem>>
      %dma_start3A_161 = arith.constant 0 : i32
      %dma_start3A_162 = arith.constant 0 : i32
      %dma_start3A_163 = tpu.memref_slice %arg2[%dma_start3A_161, %dma_start3A_162] : memref<100000x3xf32, #tpu.memory_space<hbm>> -> memref<100000x3xf32, #tpu.memory_space<hbm>>
      tpu.enqueue_indirect_dma source(%dma_start3A_163 : memref<100000x3xf32, #tpu.memory_space<hbm>>) target(%dma_start3A_157 : memref<128x3xf32, #tpu.memory_space<vmem>>) offsets(%dma_start3A_160 : memref<128xi32, #tpu.memory_space<vmem>>) semaphore(%arg11 : memref<!tpu.dma_semaphore, #tpu.memory_space<semaphore_mem>>)
      %dma_start3A_164 = arith.constant 6 : i32
      %dma_start3A_165 = arith.constant 768 : i32
      %dma_start3A_166 = arith.constant 0 : i32
      %dma_start3A_167 = tpu.memref_slice %arg8[%dma_start3A_165, %dma_start3A_166] : memref<2048x3xf32, #tpu.memory_space<vmem>> -> memref<128x3xf32, #tpu.memory_space<vmem>>
      %dma_start3A_168 = arith.constant 0 : i32
      %dma_start3A_169 = tpu.memref_slice %arg6[%dma_start3A_164, %dma_start3A_168] : memref<16x128xi32, #tpu.memory_space<vmem>> -> memref<1x128xi32, #tpu.memory_space<vmem>>
      %dma_start3A_170 = tpu.memref_squeeze %dma_start3A_169 : memref<1x128xi32, #tpu.memory_space<vmem>> -> memref<128xi32, #tpu.memory_space<vmem>>
      %dma_start3A_171 = arith.constant 0 : i32
      %dma_start3A_172 = arith.constant 0 : i32
      %dma_start3A_173 = tpu.memref_slice %arg2[%dma_start3A_171, %dma_start3A_172] : memref<100000x3xf32, #tpu.memory_space<hbm>> -> memref<100000x3xf32, #tpu.memory_space<hbm>>
      tpu.enqueue_indirect_dma source(%dma_start3A_173 : memref<100000x3xf32, #tpu.memory_space<hbm>>) target(%dma_start3A_167 : memref<128x3xf32, #tpu.memory_space<vmem>>) offsets(%dma_start3A_170 : memref<128xi32, #tpu.memory_space<vmem>>) semaphore(%arg11 : memref<!tpu.dma_semaphore, #tpu.memory_space<semaphore_mem>>)
      %dma_start3A_174 = arith.constant 6 : i32
      %dma_start3A_175 = arith.constant 768 : i32
      %dma_start3A_176 = arith.constant 0 : i32
      %dma_start3A_177 = tpu.memref_slice %arg9[%dma_start3A_175, %dma_start3A_176] : memref<2048x3xf32, #tpu.memory_space<vmem>> -> memref<128x3xf32, #tpu.memory_space<vmem>>
      %dma_start3A_178 = arith.constant 0 : i32
      %dma_start3A_179 = tpu.memref_slice %arg7[%dma_start3A_174, %dma_start3A_178] : memref<16x128xi32, #tpu.memory_space<vmem>> -> memref<1x128xi32, #tpu.memory_space<vmem>>
      %dma_start3A_180 = tpu.memref_squeeze %dma_start3A_179 : memref<1x128xi32, #tpu.memory_space<vmem>> -> memref<128xi32, #tpu.memory_space<vmem>>
      %dma_start3A_181 = arith.constant 0 : i32
      %dma_start3A_182 = arith.constant 0 : i32
      %dma_start3A_183 = tpu.memref_slice %arg2[%dma_start3A_181, %dma_start3A_182] : memref<100000x3xf32, #tpu.memory_space<hbm>> -> memref<100000x3xf32, #tpu.memory_space<hbm>>
      tpu.enqueue_indirect_dma source(%dma_start3A_183 : memref<100000x3xf32, #tpu.memory_space<hbm>>) target(%dma_start3A_177 : memref<128x3xf32, #tpu.memory_space<vmem>>) offsets(%dma_start3A_180 : memref<128xi32, #tpu.memory_space<vmem>>) semaphore(%arg11 : memref<!tpu.dma_semaphore, #tpu.memory_space<semaphore_mem>>)
      %dma_start3A_184 = arith.constant 7 : i32
      %dma_start3A_185 = arith.constant 896 : i32
      %dma_start3A_186 = arith.constant 0 : i32
      %dma_start3A_187 = tpu.memref_slice %arg8[%dma_start3A_185, %dma_start3A_186] : memref<2048x3xf32, #tpu.memory_space<vmem>> -> memref<128x3xf32, #tpu.memory_space<vmem>>
      %dma_start3A_188 = arith.constant 0 : i32
      %dma_start3A_189 = tpu.memref_slice %arg6[%dma_start3A_184, %dma_start3A_188] : memref<16x128xi32, #tpu.memory_space<vmem>> -> memref<1x128xi32, #tpu.memory_space<vmem>>
      %dma_start3A_190 = tpu.memref_squeeze %dma_start3A_189 : memref<1x128xi32, #tpu.memory_space<vmem>> -> memref<128xi32, #tpu.memory_space<vmem>>
      %dma_start3A_191 = arith.constant 0 : i32
      %dma_start3A_192 = arith.constant 0 : i32
      %dma_start3A_193 = tpu.memref_slice %arg2[%dma_start3A_191, %dma_start3A_192] : memref<100000x3xf32, #tpu.memory_space<hbm>> -> memref<100000x3xf32, #tpu.memory_space<hbm>>
      tpu.enqueue_indirect_dma source(%dma_start3A_193 : memref<100000x3xf32, #tpu.memory_space<hbm>>) target(%dma_start3A_187 : memref<128x3xf32, #tpu.memory_space<vmem>>) offsets(%dma_start3A_190 : memref<128xi32, #tpu.memory_space<vmem>>) semaphore(%arg11 : memref<!tpu.dma_semaphore, #tpu.memory_space<semaphore_mem>>)
      %dma_start3A_194 = arith.constant 7 : i32
      %dma_start3A_195 = arith.constant 896 : i32
      %dma_start3A_196 = arith.constant 0 : i32
      %dma_start3A_197 = tpu.memref_slice %arg9[%dma_start3A_195, %dma_start3A_196] : memref<2048x3xf32, #tpu.memory_space<vmem>> -> memref<128x3xf32, #tpu.memory_space<vmem>>
      %dma_start3A_198 = arith.constant 0 : i32
      %dma_start3A_199 = tpu.memref_slice %arg7[%dma_start3A_194, %dma_start3A_198] : memref<16x128xi32, #tpu.memory_space<vmem>> -> memref<1x128xi32, #tpu.memory_space<vmem>>
      %dma_start3A_200 = tpu.memref_squeeze %dma_start3A_199 : memref<1x128xi32, #tpu.memory_space<vmem>> -> memref<128xi32, #tpu.memory_space<vmem>>
      %dma_start3A_201 = arith.constant 0 : i32
      %dma_start3A_202 = arith.constant 0 : i32
      %dma_start3A_203 = tpu.memref_slice %arg2[%dma_start3A_201, %dma_start3A_202] : memref<100000x3xf32, #tpu.memory_space<hbm>> -> memref<100000x3xf32, #tpu.memory_space<hbm>>
      tpu.enqueue_indirect_dma source(%dma_start3A_203 : memref<100000x3xf32, #tpu.memory_space<hbm>>) target(%dma_start3A_197 : memref<128x3xf32, #tpu.memory_space<vmem>>) offsets(%dma_start3A_200 : memref<128xi32, #tpu.memory_space<vmem>>) semaphore(%arg11 : memref<!tpu.dma_semaphore, #tpu.memory_space<semaphore_mem>>)
      %dma_start3A_204 = arith.constant 8 : i32
      %dma_start3A_205 = arith.constant 1024 : i32
      %dma_start3A_206 = arith.constant 0 : i32
      %dma_start3A_207 = tpu.memref_slice %arg8[%dma_start3A_205, %dma_start3A_206] : memref<2048x3xf32, #tpu.memory_space<vmem>> -> memref<128x3xf32, #tpu.memory_space<vmem>>
      %dma_start3A_208 = arith.constant 0 : i32
      %dma_start3A_209 = tpu.memref_slice %arg6[%dma_start3A_204, %dma_start3A_208] : memref<16x128xi32, #tpu.memory_space<vmem>> -> memref<1x128xi32, #tpu.memory_space<vmem>>
      %dma_start3A_210 = tpu.memref_squeeze %dma_start3A_209 : memref<1x128xi32, #tpu.memory_space<vmem>> -> memref<128xi32, #tpu.memory_space<vmem>>
      %dma_start3A_211 = arith.constant 0 : i32
      %dma_start3A_212 = arith.constant 0 : i32
      %dma_start3A_213 = tpu.memref_slice %arg2[%dma_start3A_211, %dma_start3A_212] : memref<100000x3xf32, #tpu.memory_space<hbm>> -> memref<100000x3xf32, #tpu.memory_space<hbm>>
      tpu.enqueue_indirect_dma source(%dma_start3A_213 : memref<100000x3xf32, #tpu.memory_space<hbm>>) target(%dma_start3A_207 : memref<128x3xf32, #tpu.memory_space<vmem>>) offsets(%dma_start3A_210 : memref<128xi32, #tpu.memory_space<vmem>>) semaphore(%arg11 : memref<!tpu.dma_semaphore, #tpu.memory_space<semaphore_mem>>)
      %dma_start3A_214 = arith.constant 8 : i32
      %dma_start3A_215 = arith.constant 1024 : i32
      %dma_start3A_216 = arith.constant 0 : i32
      %dma_start3A_217 = tpu.memref_slice %arg9[%dma_start3A_215, %dma_start3A_216] : memref<2048x3xf32, #tpu.memory_space<vmem>> -> memref<128x3xf32, #tpu.memory_space<vmem>>
      %dma_start3A_218 = arith.constant 0 : i32
      %dma_start3A_219 = tpu.memref_slice %arg7[%dma_start3A_214, %dma_start3A_218] : memref<16x128xi32, #tpu.memory_space<vmem>> -> memref<1x128xi32, #tpu.memory_space<vmem>>
      %dma_start3A_220 = tpu.memref_squeeze %dma_start3A_219 : memref<1x128xi32, #tpu.memory_space<vmem>> -> memref<128xi32, #tpu.memory_space<vmem>>
      %dma_start3A_221 = arith.constant 0 : i32
      %dma_start3A_222 = arith.constant 0 : i32
      %dma_start3A_223 = tpu.memref_slice %arg2[%dma_start3A_221, %dma_start3A_222] : memref<100000x3xf32, #tpu.memory_space<hbm>> -> memref<100000x3xf32, #tpu.memory_space<hbm>>
      tpu.enqueue_indirect_dma source(%dma_start3A_223 : memref<100000x3xf32, #tpu.memory_space<hbm>>) target(%dma_start3A_217 : memref<128x3xf32, #tpu.memory_space<vmem>>) offsets(%dma_start3A_220 : memref<128xi32, #tpu.memory_space<vmem>>) semaphore(%arg11 : memref<!tpu.dma_semaphore, #tpu.memory_space<semaphore_mem>>)
      %dma_start3A_224 = arith.constant 9 : i32
      %dma_start3A_225 = arith.constant 1152 : i32
      %dma_start3A_226 = arith.constant 0 : i32
      %dma_start3A_227 = tpu.memref_slice %arg8[%dma_start3A_225, %dma_start3A_226] : memref<2048x3xf32, #tpu.memory_space<vmem>> -> memref<128x3xf32, #tpu.memory_space<vmem>>
      %dma_start3A_228 = arith.constant 0 : i32
      %dma_start3A_229 = tpu.memref_slice %arg6[%dma_start3A_224, %dma_start3A_228] : memref<16x128xi32, #tpu.memory_space<vmem>> -> memref<1x128xi32, #tpu.memory_space<vmem>>
      %dma_start3A_230 = tpu.memref_squeeze %dma_start3A_229 : memref<1x128xi32, #tpu.memory_space<vmem>> -> memref<128xi32, #tpu.memory_space<vmem>>
      %dma_start3A_231 = arith.constant 0 : i32
      %dma_start3A_232 = arith.constant 0 : i32
      %dma_start3A_233 = tpu.memref_slice %arg2[%dma_start3A_231, %dma_start3A_232] : memref<100000x3xf32, #tpu.memory_space<hbm>> -> memref<100000x3xf32, #tpu.memory_space<hbm>>
      tpu.enqueue_indirect_dma source(%dma_start3A_233 : memref<100000x3xf32, #tpu.memory_space<hbm>>) target(%dma_start3A_227 : memref<128x3xf32, #tpu.memory_space<vmem>>) offsets(%dma_start3A_230 : memref<128xi32, #tpu.memory_space<vmem>>) semaphore(%arg11 : memref<!tpu.dma_semaphore, #tpu.memory_space<semaphore_mem>>)
      %dma_start3A_234 = arith.constant 9 : i32
      %dma_start3A_235 = arith.constant 1152 : i32
      %dma_start3A_236 = arith.constant 0 : i32
      %dma_start3A_237 = tpu.memref_slice %arg9[%dma_start3A_235, %dma_start3A_236] : memref<2048x3xf32, #tpu.memory_space<vmem>> -> memref<128x3xf32, #tpu.memory_space<vmem>>
      %dma_start3A_238 = arith.constant 0 : i32
      %dma_start3A_239 = tpu.memref_slice %arg7[%dma_start3A_234, %dma_start3A_238] : memref<16x128xi32, #tpu.memory_space<vmem>> -> memref<1x128xi32, #tpu.memory_space<vmem>>
      %dma_start3A_240 = tpu.memref_squeeze %dma_start3A_239 : memref<1x128xi32, #tpu.memory_space<vmem>> -> memref<128xi32, #tpu.memory_space<vmem>>
      %dma_start3A_241 = arith.constant 0 : i32
      %dma_start3A_242 = arith.constant 0 : i32
      %dma_start3A_243 = tpu.memref_slice %arg2[%dma_start3A_241, %dma_start3A_242] : memref<100000x3xf32, #tpu.memory_space<hbm>> -> memref<100000x3xf32, #tpu.memory_space<hbm>>
      tpu.enqueue_indirect_dma source(%dma_start3A_243 : memref<100000x3xf32, #tpu.memory_space<hbm>>) target(%dma_start3A_237 : memref<128x3xf32, #tpu.memory_space<vmem>>) offsets(%dma_start3A_240 : memref<128xi32, #tpu.memory_space<vmem>>) semaphore(%arg11 : memref<!tpu.dma_semaphore, #tpu.memory_space<semaphore_mem>>)
      %dma_start3A_244 = arith.constant 10 : i32
      %dma_start3A_245 = arith.constant 1280 : i32
      %dma_start3A_246 = arith.constant 0 : i32
      %dma_start3A_247 = tpu.memref_slice %arg8[%dma_start3A_245, %dma_start3A_246] : memref<2048x3xf32, #tpu.memory_space<vmem>> -> memref<128x3xf32, #tpu.memory_space<vmem>>
      %dma_start3A_248 = arith.constant 0 : i32
      %dma_start3A_249 = tpu.memref_slice %arg6[%dma_start3A_244, %dma_start3A_248] : memref<16x128xi32, #tpu.memory_space<vmem>> -> memref<1x128xi32, #tpu.memory_space<vmem>>
      %dma_start3A_250 = tpu.memref_squeeze %dma_start3A_249 : memref<1x128xi32, #tpu.memory_space<vmem>> -> memref<128xi32, #tpu.memory_space<vmem>>
      %dma_start3A_251 = arith.constant 0 : i32
      %dma_start3A_252 = arith.constant 0 : i32
      %dma_start3A_253 = tpu.memref_slice %arg2[%dma_start3A_251, %dma_start3A_252] : memref<100000x3xf32, #tpu.memory_space<hbm>> -> memref<100000x3xf32, #tpu.memory_space<hbm>>
      tpu.enqueue_indirect_dma source(%dma_start3A_253 : memref<100000x3xf32, #tpu.memory_space<hbm>>) target(%dma_start3A_247 : memref<128x3xf32, #tpu.memory_space<vmem>>) offsets(%dma_start3A_250 : memref<128xi32, #tpu.memory_space<vmem>>) semaphore(%arg11 : memref<!tpu.dma_semaphore, #tpu.memory_space<semaphore_mem>>)
      %dma_start3A_254 = arith.constant 10 : i32
      %dma_start3A_255 = arith.constant 1280 : i32
      %dma_start3A_256 = arith.constant 0 : i32
      %dma_start3A_257 = tpu.memref_slice %arg9[%dma_start3A_255, %dma_start3A_256] : memref<2048x3xf32, #tpu.memory_space<vmem>> -> memref<128x3xf32, #tpu.memory_space<vmem>>
      %dma_start3A_258 = arith.constant 0 : i32
      %dma_start3A_259 = tpu.memref_slice %arg7[%dma_start3A_254, %dma_start3A_258] : memref<16x128xi32, #tpu.memory_space<vmem>> -> memref<1x128xi32, #tpu.memory_space<vmem>>
      %dma_start3A_260 = tpu.memref_squeeze %dma_start3A_259 : memref<1x128xi32, #tpu.memory_space<vmem>> -> memref<128xi32, #tpu.memory_space<vmem>>
      %dma_start3A_261 = arith.constant 0 : i32
      %dma_start3A_262 = arith.constant 0 : i32
      %dma_start3A_263 = tpu.memref_slice %arg2[%dma_start3A_261, %dma_start3A_262] : memref<100000x3xf32, #tpu.memory_space<hbm>> -> memref<100000x3xf32, #tpu.memory_space<hbm>>
      tpu.enqueue_indirect_dma source(%dma_start3A_263 : memref<100000x3xf32, #tpu.memory_space<hbm>>) target(%dma_start3A_257 : memref<128x3xf32, #tpu.memory_space<vmem>>) offsets(%dma_start3A_260 : memref<128xi32, #tpu.memory_space<vmem>>) semaphore(%arg11 : memref<!tpu.dma_semaphore, #tpu.memory_space<semaphore_mem>>)
      %dma_start3A_264 = arith.constant 11 : i32
      %dma_start3A_265 = arith.constant 1408 : i32
      %dma_start3A_266 = arith.constant 0 : i32
      %dma_start3A_267 = tpu.memref_slice %arg8[%dma_start3A_265, %dma_start3A_266] : memref<2048x3xf32, #tpu.memory_space<vmem>> -> memref<128x3xf32, #tpu.memory_space<vmem>>
      %dma_start3A_268 = arith.constant 0 : i32
      %dma_start3A_269 = tpu.memref_slice %arg6[%dma_start3A_264, %dma_start3A_268] : memref<16x128xi32, #tpu.memory_space<vmem>> -> memref<1x128xi32, #tpu.memory_space<vmem>>
      %dma_start3A_270 = tpu.memref_squeeze %dma_start3A_269 : memref<1x128xi32, #tpu.memory_space<vmem>> -> memref<128xi32, #tpu.memory_space<vmem>>
      %dma_start3A_271 = arith.constant 0 : i32
      %dma_start3A_272 = arith.constant 0 : i32
      %dma_start3A_273 = tpu.memref_slice %arg2[%dma_start3A_271, %dma_start3A_272] : memref<100000x3xf32, #tpu.memory_space<hbm>> -> memref<100000x3xf32, #tpu.memory_space<hbm>>
      tpu.enqueue_indirect_dma source(%dma_start3A_273 : memref<100000x3xf32, #tpu.memory_space<hbm>>) target(%dma_start3A_267 : memref<128x3xf32, #tpu.memory_space<vmem>>) offsets(%dma_start3A_270 : memref<128xi32, #tpu.memory_space<vmem>>) semaphore(%arg11 : memref<!tpu.dma_semaphore, #tpu.memory_space<semaphore_mem>>)
      %dma_start3A_274 = arith.constant 11 : i32
      %dma_start3A_275 = arith.constant 1408 : i32
      %dma_start3A_276 = arith.constant 0 : i32
      %dma_start3A_277 = tpu.memref_slice %arg9[%dma_start3A_275, %dma_start3A_276] : memref<2048x3xf32, #tpu.memory_space<vmem>> -> memref<128x3xf32, #tpu.memory_space<vmem>>
      %dma_start3A_278 = arith.constant 0 : i32
      %dma_start3A_279 = tpu.memref_slice %arg7[%dma_start3A_274, %dma_start3A_278] : memref<16x128xi32, #tpu.memory_space<vmem>> -> memref<1x128xi32, #tpu.memory_space<vmem>>
      %dma_start3A_280 = tpu.memref_squeeze %dma_start3A_279 : memref<1x128xi32, #tpu.memory_space<vmem>> -> memref<128xi32, #tpu.memory_space<vmem>>
      %dma_start3A_281 = arith.constant 0 : i32
      %dma_start3A_282 = arith.constant 0 : i32
      %dma_start3A_283 = tpu.memref_slice %arg2[%dma_start3A_281, %dma_start3A_282] : memref<100000x3xf32, #tpu.memory_space<hbm>> -> memref<100000x3xf32, #tpu.memory_space<hbm>>
      tpu.enqueue_indirect_dma source(%dma_start3A_283 : memref<100000x3xf32, #tpu.memory_space<hbm>>) target(%dma_start3A_277 : memref<128x3xf32, #tpu.memory_space<vmem>>) offsets(%dma_start3A_280 : memref<128xi32, #tpu.memory_space<vmem>>) semaphore(%arg11 : memref<!tpu.dma_semaphore, #tpu.memory_space<semaphore_mem>>)
      %dma_start3A_284 = arith.constant 12 : i32
      %dma_start3A_285 = arith.constant 1536 : i32
      %dma_start3A_286 = arith.constant 0 : i32
      %dma_start3A_287 = tpu.memref_slice %arg8[%dma_start3A_285, %dma_start3A_286] : memref<2048x3xf32, #tpu.memory_space<vmem>> -> memref<128x3xf32, #tpu.memory_space<vmem>>
      %dma_start3A_288 = arith.constant 0 : i32
      %dma_start3A_289 = tpu.memref_slice %arg6[%dma_start3A_284, %dma_start3A_288] : memref<16x128xi32, #tpu.memory_space<vmem>> -> memref<1x128xi32, #tpu.memory_space<vmem>>
      %dma_start3A_290 = tpu.memref_squeeze %dma_start3A_289 : memref<1x128xi32, #tpu.memory_space<vmem>> -> memref<128xi32, #tpu.memory_space<vmem>>
      %dma_start3A_291 = arith.constant 0 : i32
      %dma_start3A_292 = arith.constant 0 : i32
      %dma_start3A_293 = tpu.memref_slice %arg2[%dma_start3A_291, %dma_start3A_292] : memref<100000x3xf32, #tpu.memory_space<hbm>> -> memref<100000x3xf32, #tpu.memory_space<hbm>>
      tpu.enqueue_indirect_dma source(%dma_start3A_293 : memref<100000x3xf32, #tpu.memory_space<hbm>>) target(%dma_start3A_287 : memref<128x3xf32, #tpu.memory_space<vmem>>) offsets(%dma_start3A_290 : memref<128xi32, #tpu.memory_space<vmem>>) semaphore(%arg11 : memref<!tpu.dma_semaphore, #tpu.memory_space<semaphore_mem>>)
      %dma_start3A_294 = arith.constant 12 : i32
      %dma_start3A_295 = arith.constant 1536 : i32
      %dma_start3A_296 = arith.constant 0 : i32
      %dma_start3A_297 = tpu.memref_slice %arg9[%dma_start3A_295, %dma_start3A_296] : memref<2048x3xf32, #tpu.memory_space<vmem>> -> memref<128x3xf32, #tpu.memory_space<vmem>>
      %dma_start3A_298 = arith.constant 0 : i32
      %dma_start3A_299 = tpu.memref_slice %arg7[%dma_start3A_294, %dma_start3A_298] : memref<16x128xi32, #tpu.memory_space<vmem>> -> memref<1x128xi32, #tpu.memory_space<vmem>>
      %dma_start3A_300 = tpu.memref_squeeze %dma_start3A_299 : memref<1x128xi32, #tpu.memory_space<vmem>> -> memref<128xi32, #tpu.memory_space<vmem>>
      %dma_start3A_301 = arith.constant 0 : i32
      %dma_start3A_302 = arith.constant 0 : i32
      %dma_start3A_303 = tpu.memref_slice %arg2[%dma_start3A_301, %dma_start3A_302] : memref<100000x3xf32, #tpu.memory_space<hbm>> -> memref<100000x3xf32, #tpu.memory_space<hbm>>
      tpu.enqueue_indirect_dma source(%dma_start3A_303 : memref<100000x3xf32, #tpu.memory_space<hbm>>) target(%dma_start3A_297 : memref<128x3xf32, #tpu.memory_space<vmem>>) offsets(%dma_start3A_300 : memref<128xi32, #tpu.memory_space<vmem>>) semaphore(%arg11 : memref<!tpu.dma_semaphore, #tpu.memory_space<semaphore_mem>>)
      %dma_start3A_304 = arith.constant 13 : i32
      %dma_start3A_305 = arith.constant 1664 : i32
      %dma_start3A_306 = arith.constant 0 : i32
      %dma_start3A_307 = tpu.memref_slice %arg8[%dma_start3A_305, %dma_start3A_306] : memref<2048x3xf32, #tpu.memory_space<vmem>> -> memref<128x3xf32, #tpu.memory_space<vmem>>
      %dma_start3A_308 = arith.constant 0 : i32
      %dma_start3A_309 = tpu.memref_slice %arg6[%dma_start3A_304, %dma_start3A_308] : memref<16x128xi32, #tpu.memory_space<vmem>> -> memref<1x128xi32, #tpu.memory_space<vmem>>
      %dma_start3A_310 = tpu.memref_squeeze %dma_start3A_309 : memref<1x128xi32, #tpu.memory_space<vmem>> -> memref<128xi32, #tpu.memory_space<vmem>>
      %dma_start3A_311 = arith.constant 0 : i32
      %dma_start3A_312 = arith.constant 0 : i32
      %dma_start3A_313 = tpu.memref_slice %arg2[%dma_start3A_311, %dma_start3A_312] : memref<100000x3xf32, #tpu.memory_space<hbm>> -> memref<100000x3xf32, #tpu.memory_space<hbm>>
      tpu.enqueue_indirect_dma source(%dma_start3A_313 : memref<100000x3xf32, #tpu.memory_space<hbm>>) target(%dma_start3A_307 : memref<128x3xf32, #tpu.memory_space<vmem>>) offsets(%dma_start3A_310 : memref<128xi32, #tpu.memory_space<vmem>>) semaphore(%arg11 : memref<!tpu.dma_semaphore, #tpu.memory_space<semaphore_mem>>)
      %dma_start3A_314 = arith.constant 13 : i32
      %dma_start3A_315 = arith.constant 1664 : i32
      %dma_start3A_316 = arith.constant 0 : i32
      %dma_start3A_317 = tpu.memref_slice %arg9[%dma_start3A_315, %dma_start3A_316] : memref<2048x3xf32, #tpu.memory_space<vmem>> -> memref<128x3xf32, #tpu.memory_space<vmem>>
      %dma_start3A_318 = arith.constant 0 : i32
      %dma_start3A_319 = tpu.memref_slice %arg7[%dma_start3A_314, %dma_start3A_318] : memref<16x128xi32, #tpu.memory_space<vmem>> -> memref<1x128xi32, #tpu.memory_space<vmem>>
      %dma_start3A_320 = tpu.memref_squeeze %dma_start3A_319 : memref<1x128xi32, #tpu.memory_space<vmem>> -> memref<128xi32, #tpu.memory_space<vmem>>
      %dma_start3A_321 = arith.constant 0 : i32
      %dma_start3A_322 = arith.constant 0 : i32
      %dma_start3A_323 = tpu.memref_slice %arg2[%dma_start3A_321, %dma_start3A_322] : memref<100000x3xf32, #tpu.memory_space<hbm>> -> memref<100000x3xf32, #tpu.memory_space<hbm>>
      tpu.enqueue_indirect_dma source(%dma_start3A_323 : memref<100000x3xf32, #tpu.memory_space<hbm>>) target(%dma_start3A_317 : memref<128x3xf32, #tpu.memory_space<vmem>>) offsets(%dma_start3A_320 : memref<128xi32, #tpu.memory_space<vmem>>) semaphore(%arg11 : memref<!tpu.dma_semaphore, #tpu.memory_space<semaphore_mem>>)
      %dma_start3A_324 = arith.constant 14 : i32
      %dma_start3A_325 = arith.constant 1792 : i32
      %dma_start3A_326 = arith.constant 0 : i32
      %dma_start3A_327 = tpu.memref_slice %arg8[%dma_start3A_325, %dma_start3A_326] : memref<2048x3xf32, #tpu.memory_space<vmem>> -> memref<128x3xf32, #tpu.memory_space<vmem>>
      %dma_start3A_328 = arith.constant 0 : i32
      %dma_start3A_329 = tpu.memref_slice %arg6[%dma_start3A_324, %dma_start3A_328] : memref<16x128xi32, #tpu.memory_space<vmem>> -> memref<1x128xi32, #tpu.memory_space<vmem>>
      %dma_start3A_330 = tpu.memref_squeeze %dma_start3A_329 : memref<1x128xi32, #tpu.memory_space<vmem>> -> memref<128xi32, #tpu.memory_space<vmem>>
      %dma_start3A_331 = arith.constant 0 : i32
      %dma_start3A_332 = arith.constant 0 : i32
      %dma_start3A_333 = tpu.memref_slice %arg2[%dma_start3A_331, %dma_start3A_332] : memref<100000x3xf32, #tpu.memory_space<hbm>> -> memref<100000x3xf32, #tpu.memory_space<hbm>>
      tpu.enqueue_indirect_dma source(%dma_start3A_333 : memref<100000x3xf32, #tpu.memory_space<hbm>>) target(%dma_start3A_327 : memref<128x3xf32, #tpu.memory_space<vmem>>) offsets(%dma_start3A_330 : memref<128xi32, #tpu.memory_space<vmem>>) semaphore(%arg11 : memref<!tpu.dma_semaphore, #tpu.memory_space<semaphore_mem>>)
      %dma_start3A_334 = arith.constant 14 : i32
      %dma_start3A_335 = arith.constant 1792 : i32
      %dma_start3A_336 = arith.constant 0 : i32
      %dma_start3A_337 = tpu.memref_slice %arg9[%dma_start3A_335, %dma_start3A_336] : memref<2048x3xf32, #tpu.memory_space<vmem>> -> memref<128x3xf32, #tpu.memory_space<vmem>>
      %dma_start3A_338 = arith.constant 0 : i32
      %dma_start3A_339 = tpu.memref_slice %arg7[%dma_start3A_334, %dma_start3A_338] : memref<16x128xi32, #tpu.memory_space<vmem>> -> memref<1x128xi32, #tpu.memory_space<vmem>>
      %dma_start3A_340 = tpu.memref_squeeze %dma_start3A_339 : memref<1x128xi32, #tpu.memory_space<vmem>> -> memref<128xi32, #tpu.memory_space<vmem>>
      %dma_start3A_341 = arith.constant 0 : i32
      %dma_start3A_342 = arith.constant 0 : i32
      %dma_start3A_343 = tpu.memref_slice %arg2[%dma_start3A_341, %dma_start3A_342] : memref<100000x3xf32, #tpu.memory_space<hbm>> -> memref<100000x3xf32, #tpu.memory_space<hbm>>
      tpu.enqueue_indirect_dma source(%dma_start3A_343 : memref<100000x3xf32, #tpu.memory_space<hbm>>) target(%dma_start3A_337 : memref<128x3xf32, #tpu.memory_space<vmem>>) offsets(%dma_start3A_340 : memref<128xi32, #tpu.memory_space<vmem>>) semaphore(%arg11 : memref<!tpu.dma_semaphore, #tpu.memory_space<semaphore_mem>>)
      %dma_start3A_344 = arith.constant 15 : i32
      %dma_start3A_345 = arith.constant 1920 : i32
      %dma_start3A_346 = arith.constant 0 : i32
      %dma_start3A_347 = tpu.memref_slice %arg8[%dma_start3A_345, %dma_start3A_346] : memref<2048x3xf32, #tpu.memory_space<vmem>> -> memref<128x3xf32, #tpu.memory_space<vmem>>
      %dma_start3A_348 = arith.constant 0 : i32
      %dma_start3A_349 = tpu.memref_slice %arg6[%dma_start3A_344, %dma_start3A_348] : memref<16x128xi32, #tpu.memory_space<vmem>> -> memref<1x128xi32, #tpu.memory_space<vmem>>
      %dma_start3A_350 = tpu.memref_squeeze %dma_start3A_349 : memref<1x128xi32, #tpu.memory_space<vmem>> -> memref<128xi32, #tpu.memory_space<vmem>>
      %dma_start3A_351 = arith.constant 0 : i32
      %dma_start3A_352 = arith.constant 0 : i32
      %dma_start3A_353 = tpu.memref_slice %arg2[%dma_start3A_351, %dma_start3A_352] : memref<100000x3xf32, #tpu.memory_space<hbm>> -> memref<100000x3xf32, #tpu.memory_space<hbm>>
      tpu.enqueue_indirect_dma source(%dma_start3A_353 : memref<100000x3xf32, #tpu.memory_space<hbm>>) target(%dma_start3A_347 : memref<128x3xf32, #tpu.memory_space<vmem>>) offsets(%dma_start3A_350 : memref<128xi32, #tpu.memory_space<vmem>>) semaphore(%arg11 : memref<!tpu.dma_semaphore, #tpu.memory_space<semaphore_mem>>)
      %dma_start3A_354 = arith.constant 15 : i32
      %dma_start3A_355 = arith.constant 1920 : i32
      %dma_start3A_356 = arith.constant 0 : i32
      %dma_start3A_357 = tpu.memref_slice %arg9[%dma_start3A_355, %dma_start3A_356] : memref<2048x3xf32, #tpu.memory_space<vmem>> -> memref<128x3xf32, #tpu.memory_space<vmem>>
      %dma_start3A_358 = arith.constant 0 : i32
      %dma_start3A_359 = tpu.memref_slice %arg7[%dma_start3A_354, %dma_start3A_358] : memref<16x128xi32, #tpu.memory_space<vmem>> -> memref<1x128xi32, #tpu.memory_space<vmem>>
      %dma_start3A_360 = tpu.memref_squeeze %dma_start3A_359 : memref<1x128xi32, #tpu.memory_space<vmem>> -> memref<128xi32, #tpu.memory_space<vmem>>
      %dma_start3A_361 = arith.constant 0 : i32
      %dma_start3A_362 = arith.constant 0 : i32
      %dma_start3A_363 = tpu.memref_slice %arg2[%dma_start3A_361, %dma_start3A_362] : memref<100000x3xf32, #tpu.memory_space<hbm>> -> memref<100000x3xf32, #tpu.memory_space<hbm>>
      tpu.enqueue_indirect_dma source(%dma_start3A_363 : memref<100000x3xf32, #tpu.memory_space<hbm>>) target(%dma_start3A_357 : memref<128x3xf32, #tpu.memory_space<vmem>>) offsets(%dma_start3A_360 : memref<128xi32, #tpu.memory_space<vmem>>) semaphore(%arg11 : memref<!tpu.dma_semaphore, #tpu.memory_space<semaphore_mem>>)
      %dma_wait3A = arith.constant 0 : i32
      %dma_wait3A_364 = arith.constant 0 : i32
      %dma_wait3A_365 = arith.constant 0 : i32
      %dma_wait3A_366 = tpu.memref_slice %arg8[%dma_wait3A_364, %dma_wait3A_365] : memref<2048x3xf32, #tpu.memory_space<vmem>> -> memref<128x3xf32, #tpu.memory_space<vmem>>
      %dma_wait3A_367 = arith.constant 0 : i32
      %dma_wait3A_368 = tpu.memref_slice %arg6[%dma_wait3A, %dma_wait3A_367] : memref<16x128xi32, #tpu.memory_space<vmem>> -> memref<1x128xi32, #tpu.memory_space<vmem>>
      %dma_wait3A_369 = tpu.memref_squeeze %dma_wait3A_368 : memref<1x128xi32, #tpu.memory_space<vmem>> -> memref<128xi32, #tpu.memory_space<vmem>>
      %dma_wait3A_370 = arith.constant 0 : i32
      %dma_wait3A_371 = arith.constant 0 : i32
      %dma_wait3A_372 = tpu.memref_slice %arg2[%dma_wait3A_370, %dma_wait3A_371] : memref<100000x3xf32, #tpu.memory_space<hbm>> -> memref<100000x3xf32, #tpu.memory_space<hbm>>
      tpu.wait_indirect_dma semaphore(%arg11 : memref<!tpu.dma_semaphore, #tpu.memory_space<semaphore_mem>>) src(%dma_wait3A_372 : memref<100000x3xf32, #tpu.memory_space<hbm>>) dst(%dma_wait3A_366 : memref<128x3xf32, #tpu.memory_space<vmem>>)
      %dma_wait3A_373 = arith.constant 0 : i32
      %dma_wait3A_374 = arith.constant 0 : i32
      %dma_wait3A_375 = arith.constant 0 : i32
      %dma_wait3A_376 = tpu.memref_slice %arg9[%dma_wait3A_374, %dma_wait3A_375] : memref<2048x3xf32, #tpu.memory_space<vmem>> -> memref<128x3xf32, #tpu.memory_space<vmem>>
      %dma_wait3A_377 = arith.constant 0 : i32
      %dma_wait3A_378 = tpu.memref_slice %arg7[%dma_wait3A_373, %dma_wait3A_377] : memref<16x128xi32, #tpu.memory_space<vmem>> -> memref<1x128xi32, #tpu.memory_space<vmem>>
      %dma_wait3A_379 = tpu.memref_squeeze %dma_wait3A_378 : memref<1x128xi32, #tpu.memory_space<vmem>> -> memref<128xi32, #tpu.memory_space<vmem>>
      %dma_wait3A_380 = arith.constant 0 : i32
      %dma_wait3A_381 = arith.constant 0 : i32
      %dma_wait3A_382 = tpu.memref_slice %arg2[%dma_wait3A_380, %dma_wait3A_381] : memref<100000x3xf32, #tpu.memory_space<hbm>> -> memref<100000x3xf32, #tpu.memory_space<hbm>>
      tpu.wait_indirect_dma semaphore(%arg11 : memref<!tpu.dma_semaphore, #tpu.memory_space<semaphore_mem>>) src(%dma_wait3A_382 : memref<100000x3xf32, #tpu.memory_space<hbm>>) dst(%dma_wait3A_376 : memref<128x3xf32, #tpu.memory_space<vmem>>)
      %dma_wait3A_383 = arith.constant 1 : i32
      %dma_wait3A_384 = arith.constant 128 : i32
      %dma_wait3A_385 = arith.constant 0 : i32
      %dma_wait3A_386 = tpu.memref_slice %arg8[%dma_wait3A_384, %dma_wait3A_385] : memref<2048x3xf32, #tpu.memory_space<vmem>> -> memref<128x3xf32, #tpu.memory_space<vmem>>
      %dma_wait3A_387 = arith.constant 0 : i32
      %dma_wait3A_388 = tpu.memref_slice %arg6[%dma_wait3A_383, %dma_wait3A_387] : memref<16x128xi32, #tpu.memory_space<vmem>> -> memref<1x128xi32, #tpu.memory_space<vmem>>
      %dma_wait3A_389 = tpu.memref_squeeze %dma_wait3A_388 : memref<1x128xi32, #tpu.memory_space<vmem>> -> memref<128xi32, #tpu.memory_space<vmem>>
      %dma_wait3A_390 = arith.constant 0 : i32
      %dma_wait3A_391 = arith.constant 0 : i32
      %dma_wait3A_392 = tpu.memref_slice %arg2[%dma_wait3A_390, %dma_wait3A_391] : memref<100000x3xf32, #tpu.memory_space<hbm>> -> memref<100000x3xf32, #tpu.memory_space<hbm>>
      tpu.wait_indirect_dma semaphore(%arg11 : memref<!tpu.dma_semaphore, #tpu.memory_space<semaphore_mem>>) src(%dma_wait3A_392 : memref<100000x3xf32, #tpu.memory_space<hbm>>) dst(%dma_wait3A_386 : memref<128x3xf32, #tpu.memory_space<vmem>>)
      %dma_wait3A_393 = arith.constant 1 : i32
      %dma_wait3A_394 = arith.constant 128 : i32
      %dma_wait3A_395 = arith.constant 0 : i32
      %dma_wait3A_396 = tpu.memref_slice %arg9[%dma_wait3A_394, %dma_wait3A_395] : memref<2048x3xf32, #tpu.memory_space<vmem>> -> memref<128x3xf32, #tpu.memory_space<vmem>>
      %dma_wait3A_397 = arith.constant 0 : i32
      %dma_wait3A_398 = tpu.memref_slice %arg7[%dma_wait3A_393, %dma_wait3A_397] : memref<16x128xi32, #tpu.memory_space<vmem>> -> memref<1x128xi32, #tpu.memory_space<vmem>>
      %dma_wait3A_399 = tpu.memref_squeeze %dma_wait3A_398 : memref<1x128xi32, #tpu.memory_space<vmem>> -> memref<128xi32, #tpu.memory_space<vmem>>
      %dma_wait3A_400 = arith.constant 0 : i32
      %dma_wait3A_401 = arith.constant 0 : i32
      %dma_wait3A_402 = tpu.memref_slice %arg2[%dma_wait3A_400, %dma_wait3A_401] : memref<100000x3xf32, #tpu.memory_space<hbm>> -> memref<100000x3xf32, #tpu.memory_space<hbm>>
      tpu.wait_indirect_dma semaphore(%arg11 : memref<!tpu.dma_semaphore, #tpu.memory_space<semaphore_mem>>) src(%dma_wait3A_402 : memref<100000x3xf32, #tpu.memory_space<hbm>>) dst(%dma_wait3A_396 : memref<128x3xf32, #tpu.memory_space<vmem>>)
      %dma_wait3A_403 = arith.constant 2 : i32
      %dma_wait3A_404 = arith.constant 256 : i32
      %dma_wait3A_405 = arith.constant 0 : i32
      %dma_wait3A_406 = tpu.memref_slice %arg8[%dma_wait3A_404, %dma_wait3A_405] : memref<2048x3xf32, #tpu.memory_space<vmem>> -> memref<128x3xf32, #tpu.memory_space<vmem>>
      %dma_wait3A_407 = arith.constant 0 : i32
      %dma_wait3A_408 = tpu.memref_slice %arg6[%dma_wait3A_403, %dma_wait3A_407] : memref<16x128xi32, #tpu.memory_space<vmem>> -> memref<1x128xi32, #tpu.memory_space<vmem>>
      %dma_wait3A_409 = tpu.memref_squeeze %dma_wait3A_408 : memref<1x128xi32, #tpu.memory_space<vmem>> -> memref<128xi32, #tpu.memory_space<vmem>>
      %dma_wait3A_410 = arith.constant 0 : i32
      %dma_wait3A_411 = arith.constant 0 : i32
      %dma_wait3A_412 = tpu.memref_slice %arg2[%dma_wait3A_410, %dma_wait3A_411] : memref<100000x3xf32, #tpu.memory_space<hbm>> -> memref<100000x3xf32, #tpu.memory_space<hbm>>
      tpu.wait_indirect_dma semaphore(%arg11 : memref<!tpu.dma_semaphore, #tpu.memory_space<semaphore_mem>>) src(%dma_wait3A_412 : memref<100000x3xf32, #tpu.memory_space<hbm>>) dst(%dma_wait3A_406 : memref<128x3xf32, #tpu.memory_space<vmem>>)
      %dma_wait3A_413 = arith.constant 2 : i32
      %dma_wait3A_414 = arith.constant 256 : i32
      %dma_wait3A_415 = arith.constant 0 : i32
      %dma_wait3A_416 = tpu.memref_slice %arg9[%dma_wait3A_414, %dma_wait3A_415] : memref<2048x3xf32, #tpu.memory_space<vmem>> -> memref<128x3xf32, #tpu.memory_space<vmem>>
      %dma_wait3A_417 = arith.constant 0 : i32
      %dma_wait3A_418 = tpu.memref_slice %arg7[%dma_wait3A_413, %dma_wait3A_417] : memref<16x128xi32, #tpu.memory_space<vmem>> -> memref<1x128xi32, #tpu.memory_space<vmem>>
      %dma_wait3A_419 = tpu.memref_squeeze %dma_wait3A_418 : memref<1x128xi32, #tpu.memory_space<vmem>> -> memref<128xi32, #tpu.memory_space<vmem>>
      %dma_wait3A_420 = arith.constant 0 : i32
      %dma_wait3A_421 = arith.constant 0 : i32
      %dma_wait3A_422 = tpu.memref_slice %arg2[%dma_wait3A_420, %dma_wait3A_421] : memref<100000x3xf32, #tpu.memory_space<hbm>> -> memref<100000x3xf32, #tpu.memory_space<hbm>>
      tpu.wait_indirect_dma semaphore(%arg11 : memref<!tpu.dma_semaphore, #tpu.memory_space<semaphore_mem>>) src(%dma_wait3A_422 : memref<100000x3xf32, #tpu.memory_space<hbm>>) dst(%dma_wait3A_416 : memref<128x3xf32, #tpu.memory_space<vmem>>)
      %dma_wait3A_423 = arith.constant 3 : i32
      %dma_wait3A_424 = arith.constant 384 : i32
      %dma_wait3A_425 = arith.constant 0 : i32
      %dma_wait3A_426 = tpu.memref_slice %arg8[%dma_wait3A_424, %dma_wait3A_425] : memref<2048x3xf32, #tpu.memory_space<vmem>> -> memref<128x3xf32, #tpu.memory_space<vmem>>
      %dma_wait3A_427 = arith.constant 0 : i32
      %dma_wait3A_428 = tpu.memref_slice %arg6[%dma_wait3A_423, %dma_wait3A_427] : memref<16x128xi32, #tpu.memory_space<vmem>> -> memref<1x128xi32, #tpu.memory_space<vmem>>
      %dma_wait3A_429 = tpu.memref_squeeze %dma_wait3A_428 : memref<1x128xi32, #tpu.memory_space<vmem>> -> memref<128xi32, #tpu.memory_space<vmem>>
      %dma_wait3A_430 = arith.constant 0 : i32
      %dma_wait3A_431 = arith.constant 0 : i32
      %dma_wait3A_432 = tpu.memref_slice %arg2[%dma_wait3A_430, %dma_wait3A_431] : memref<100000x3xf32, #tpu.memory_space<hbm>> -> memref<100000x3xf32, #tpu.memory_space<hbm>>
      tpu.wait_indirect_dma semaphore(%arg11 : memref<!tpu.dma_semaphore, #tpu.memory_space<semaphore_mem>>) src(%dma_wait3A_432 : memref<100000x3xf32, #tpu.memory_space<hbm>>) dst(%dma_wait3A_426 : memref<128x3xf32, #tpu.memory_space<vmem>>)
      %dma_wait3A_433 = arith.constant 3 : i32
      %dma_wait3A_434 = arith.constant 384 : i32
      %dma_wait3A_435 = arith.constant 0 : i32
      %dma_wait3A_436 = tpu.memref_slice %arg9[%dma_wait3A_434, %dma_wait3A_435] : memref<2048x3xf32, #tpu.memory_space<vmem>> -> memref<128x3xf32, #tpu.memory_space<vmem>>
      %dma_wait3A_437 = arith.constant 0 : i32
      %dma_wait3A_438 = tpu.memref_slice %arg7[%dma_wait3A_433, %dma_wait3A_437] : memref<16x128xi32, #tpu.memory_space<vmem>> -> memref<1x128xi32, #tpu.memory_space<vmem>>
      %dma_wait3A_439 = tpu.memref_squeeze %dma_wait3A_438 : memref<1x128xi32, #tpu.memory_space<vmem>> -> memref<128xi32, #tpu.memory_space<vmem>>
      %dma_wait3A_440 = arith.constant 0 : i32
      %dma_wait3A_441 = arith.constant 0 : i32
      %dma_wait3A_442 = tpu.memref_slice %arg2[%dma_wait3A_440, %dma_wait3A_441] : memref<100000x3xf32, #tpu.memory_space<hbm>> -> memref<100000x3xf32, #tpu.memory_space<hbm>>
      tpu.wait_indirect_dma semaphore(%arg11 : memref<!tpu.dma_semaphore, #tpu.memory_space<semaphore_mem>>) src(%dma_wait3A_442 : memref<100000x3xf32, #tpu.memory_space<hbm>>) dst(%dma_wait3A_436 : memref<128x3xf32, #tpu.memory_space<vmem>>)
      %dma_wait3A_443 = arith.constant 4 : i32
      %dma_wait3A_444 = arith.constant 512 : i32
      %dma_wait3A_445 = arith.constant 0 : i32
      %dma_wait3A_446 = tpu.memref_slice %arg8[%dma_wait3A_444, %dma_wait3A_445] : memref<2048x3xf32, #tpu.memory_space<vmem>> -> memref<128x3xf32, #tpu.memory_space<vmem>>
      %dma_wait3A_447 = arith.constant 0 : i32
      %dma_wait3A_448 = tpu.memref_slice %arg6[%dma_wait3A_443, %dma_wait3A_447] : memref<16x128xi32, #tpu.memory_space<vmem>> -> memref<1x128xi32, #tpu.memory_space<vmem>>
      %dma_wait3A_449 = tpu.memref_squeeze %dma_wait3A_448 : memref<1x128xi32, #tpu.memory_space<vmem>> -> memref<128xi32, #tpu.memory_space<vmem>>
      %dma_wait3A_450 = arith.constant 0 : i32
      %dma_wait3A_451 = arith.constant 0 : i32
      %dma_wait3A_452 = tpu.memref_slice %arg2[%dma_wait3A_450, %dma_wait3A_451] : memref<100000x3xf32, #tpu.memory_space<hbm>> -> memref<100000x3xf32, #tpu.memory_space<hbm>>
      tpu.wait_indirect_dma semaphore(%arg11 : memref<!tpu.dma_semaphore, #tpu.memory_space<semaphore_mem>>) src(%dma_wait3A_452 : memref<100000x3xf32, #tpu.memory_space<hbm>>) dst(%dma_wait3A_446 : memref<128x3xf32, #tpu.memory_space<vmem>>)
      %dma_wait3A_453 = arith.constant 4 : i32
      %dma_wait3A_454 = arith.constant 512 : i32
      %dma_wait3A_455 = arith.constant 0 : i32
      %dma_wait3A_456 = tpu.memref_slice %arg9[%dma_wait3A_454, %dma_wait3A_455] : memref<2048x3xf32, #tpu.memory_space<vmem>> -> memref<128x3xf32, #tpu.memory_space<vmem>>
      %dma_wait3A_457 = arith.constant 0 : i32
      %dma_wait3A_458 = tpu.memref_slice %arg7[%dma_wait3A_453, %dma_wait3A_457] : memref<16x128xi32, #tpu.memory_space<vmem>> -> memref<1x128xi32, #tpu.memory_space<vmem>>
      %dma_wait3A_459 = tpu.memref_squeeze %dma_wait3A_458 : memref<1x128xi32, #tpu.memory_space<vmem>> -> memref<128xi32, #tpu.memory_space<vmem>>
      %dma_wait3A_460 = arith.constant 0 : i32
      %dma_wait3A_461 = arith.constant 0 : i32
      %dma_wait3A_462 = tpu.memref_slice %arg2[%dma_wait3A_460, %dma_wait3A_461] : memref<100000x3xf32, #tpu.memory_space<hbm>> -> memref<100000x3xf32, #tpu.memory_space<hbm>>
      tpu.wait_indirect_dma semaphore(%arg11 : memref<!tpu.dma_semaphore, #tpu.memory_space<semaphore_mem>>) src(%dma_wait3A_462 : memref<100000x3xf32, #tpu.memory_space<hbm>>) dst(%dma_wait3A_456 : memref<128x3xf32, #tpu.memory_space<vmem>>)
      %dma_wait3A_463 = arith.constant 5 : i32
      %dma_wait3A_464 = arith.constant 640 : i32
      %dma_wait3A_465 = arith.constant 0 : i32
      %dma_wait3A_466 = tpu.memref_slice %arg8[%dma_wait3A_464, %dma_wait3A_465] : memref<2048x3xf32, #tpu.memory_space<vmem>> -> memref<128x3xf32, #tpu.memory_space<vmem>>
      %dma_wait3A_467 = arith.constant 0 : i32
      %dma_wait3A_468 = tpu.memref_slice %arg6[%dma_wait3A_463, %dma_wait3A_467] : memref<16x128xi32, #tpu.memory_space<vmem>> -> memref<1x128xi32, #tpu.memory_space<vmem>>
      %dma_wait3A_469 = tpu.memref_squeeze %dma_wait3A_468 : memref<1x128xi32, #tpu.memory_space<vmem>> -> memref<128xi32, #tpu.memory_space<vmem>>
      %dma_wait3A_470 = arith.constant 0 : i32
      %dma_wait3A_471 = arith.constant 0 : i32
      %dma_wait3A_472 = tpu.memref_slice %arg2[%dma_wait3A_470, %dma_wait3A_471] : memref<100000x3xf32, #tpu.memory_space<hbm>> -> memref<100000x3xf32, #tpu.memory_space<hbm>>
      tpu.wait_indirect_dma semaphore(%arg11 : memref<!tpu.dma_semaphore, #tpu.memory_space<semaphore_mem>>) src(%dma_wait3A_472 : memref<100000x3xf32, #tpu.memory_space<hbm>>) dst(%dma_wait3A_466 : memref<128x3xf32, #tpu.memory_space<vmem>>)
      %dma_wait3A_473 = arith.constant 5 : i32
      %dma_wait3A_474 = arith.constant 640 : i32
      %dma_wait3A_475 = arith.constant 0 : i32
      %dma_wait3A_476 = tpu.memref_slice %arg9[%dma_wait3A_474, %dma_wait3A_475] : memref<2048x3xf32, #tpu.memory_space<vmem>> -> memref<128x3xf32, #tpu.memory_space<vmem>>
      %dma_wait3A_477 = arith.constant 0 : i32
      %dma_wait3A_478 = tpu.memref_slice %arg7[%dma_wait3A_473, %dma_wait3A_477] : memref<16x128xi32, #tpu.memory_space<vmem>> -> memref<1x128xi32, #tpu.memory_space<vmem>>
      %dma_wait3A_479 = tpu.memref_squeeze %dma_wait3A_478 : memref<1x128xi32, #tpu.memory_space<vmem>> -> memref<128xi32, #tpu.memory_space<vmem>>
      %dma_wait3A_480 = arith.constant 0 : i32
      %dma_wait3A_481 = arith.constant 0 : i32
      %dma_wait3A_482 = tpu.memref_slice %arg2[%dma_wait3A_480, %dma_wait3A_481] : memref<100000x3xf32, #tpu.memory_space<hbm>> -> memref<100000x3xf32, #tpu.memory_space<hbm>>
      tpu.wait_indirect_dma semaphore(%arg11 : memref<!tpu.dma_semaphore, #tpu.memory_space<semaphore_mem>>) src(%dma_wait3A_482 : memref<100000x3xf32, #tpu.memory_space<hbm>>) dst(%dma_wait3A_476 : memref<128x3xf32, #tpu.memory_space<vmem>>)
      %dma_wait3A_483 = arith.constant 6 : i32
      %dma_wait3A_484 = arith.constant 768 : i32
      %dma_wait3A_485 = arith.constant 0 : i32
      %dma_wait3A_486 = tpu.memref_slice %arg8[%dma_wait3A_484, %dma_wait3A_485] : memref<2048x3xf32, #tpu.memory_space<vmem>> -> memref<128x3xf32, #tpu.memory_space<vmem>>
      %dma_wait3A_487 = arith.constant 0 : i32
      %dma_wait3A_488 = tpu.memref_slice %arg6[%dma_wait3A_483, %dma_wait3A_487] : memref<16x128xi32, #tpu.memory_space<vmem>> -> memref<1x128xi32, #tpu.memory_space<vmem>>
      %dma_wait3A_489 = tpu.memref_squeeze %dma_wait3A_488 : memref<1x128xi32, #tpu.memory_space<vmem>> -> memref<128xi32, #tpu.memory_space<vmem>>
      %dma_wait3A_490 = arith.constant 0 : i32
      %dma_wait3A_491 = arith.constant 0 : i32
      %dma_wait3A_492 = tpu.memref_slice %arg2[%dma_wait3A_490, %dma_wait3A_491] : memref<100000x3xf32, #tpu.memory_space<hbm>> -> memref<100000x3xf32, #tpu.memory_space<hbm>>
      tpu.wait_indirect_dma semaphore(%arg11 : memref<!tpu.dma_semaphore, #tpu.memory_space<semaphore_mem>>) src(%dma_wait3A_492 : memref<100000x3xf32, #tpu.memory_space<hbm>>) dst(%dma_wait3A_486 : memref<128x3xf32, #tpu.memory_space<vmem>>)
      %dma_wait3A_493 = arith.constant 6 : i32
      %dma_wait3A_494 = arith.constant 768 : i32
      %dma_wait3A_495 = arith.constant 0 : i32
      %dma_wait3A_496 = tpu.memref_slice %arg9[%dma_wait3A_494, %dma_wait3A_495] : memref<2048x3xf32, #tpu.memory_space<vmem>> -> memref<128x3xf32, #tpu.memory_space<vmem>>
      %dma_wait3A_497 = arith.constant 0 : i32
      %dma_wait3A_498 = tpu.memref_slice %arg7[%dma_wait3A_493, %dma_wait3A_497] : memref<16x128xi32, #tpu.memory_space<vmem>> -> memref<1x128xi32, #tpu.memory_space<vmem>>
      %dma_wait3A_499 = tpu.memref_squeeze %dma_wait3A_498 : memref<1x128xi32, #tpu.memory_space<vmem>> -> memref<128xi32, #tpu.memory_space<vmem>>
      %dma_wait3A_500 = arith.constant 0 : i32
      %dma_wait3A_501 = arith.constant 0 : i32
      %dma_wait3A_502 = tpu.memref_slice %arg2[%dma_wait3A_500, %dma_wait3A_501] : memref<100000x3xf32, #tpu.memory_space<hbm>> -> memref<100000x3xf32, #tpu.memory_space<hbm>>
      tpu.wait_indirect_dma semaphore(%arg11 : memref<!tpu.dma_semaphore, #tpu.memory_space<semaphore_mem>>) src(%dma_wait3A_502 : memref<100000x3xf32, #tpu.memory_space<hbm>>) dst(%dma_wait3A_496 : memref<128x3xf32, #tpu.memory_space<vmem>>)
      %dma_wait3A_503 = arith.constant 7 : i32
      %dma_wait3A_504 = arith.constant 896 : i32
      %dma_wait3A_505 = arith.constant 0 : i32
      %dma_wait3A_506 = tpu.memref_slice %arg8[%dma_wait3A_504, %dma_wait3A_505] : memref<2048x3xf32, #tpu.memory_space<vmem>> -> memref<128x3xf32, #tpu.memory_space<vmem>>
      %dma_wait3A_507 = arith.constant 0 : i32
      %dma_wait3A_508 = tpu.memref_slice %arg6[%dma_wait3A_503, %dma_wait3A_507] : memref<16x128xi32, #tpu.memory_space<vmem>> -> memref<1x128xi32, #tpu.memory_space<vmem>>
      %dma_wait3A_509 = tpu.memref_squeeze %dma_wait3A_508 : memref<1x128xi32, #tpu.memory_space<vmem>> -> memref<128xi32, #tpu.memory_space<vmem>>
      %dma_wait3A_510 = arith.constant 0 : i32
      %dma_wait3A_511 = arith.constant 0 : i32
      %dma_wait3A_512 = tpu.memref_slice %arg2[%dma_wait3A_510, %dma_wait3A_511] : memref<100000x3xf32, #tpu.memory_space<hbm>> -> memref<100000x3xf32, #tpu.memory_space<hbm>>
      tpu.wait_indirect_dma semaphore(%arg11 : memref<!tpu.dma_semaphore, #tpu.memory_space<semaphore_mem>>) src(%dma_wait3A_512 : memref<100000x3xf32, #tpu.memory_space<hbm>>) dst(%dma_wait3A_506 : memref<128x3xf32, #tpu.memory_space<vmem>>)
      %dma_wait3A_513 = arith.constant 7 : i32
      %dma_wait3A_514 = arith.constant 896 : i32
      %dma_wait3A_515 = arith.constant 0 : i32
      %dma_wait3A_516 = tpu.memref_slice %arg9[%dma_wait3A_514, %dma_wait3A_515] : memref<2048x3xf32, #tpu.memory_space<vmem>> -> memref<128x3xf32, #tpu.memory_space<vmem>>
      %dma_wait3A_517 = arith.constant 0 : i32
      %dma_wait3A_518 = tpu.memref_slice %arg7[%dma_wait3A_513, %dma_wait3A_517] : memref<16x128xi32, #tpu.memory_space<vmem>> -> memref<1x128xi32, #tpu.memory_space<vmem>>
      %dma_wait3A_519 = tpu.memref_squeeze %dma_wait3A_518 : memref<1x128xi32, #tpu.memory_space<vmem>> -> memref<128xi32, #tpu.memory_space<vmem>>
      %dma_wait3A_520 = arith.constant 0 : i32
      %dma_wait3A_521 = arith.constant 0 : i32
      %dma_wait3A_522 = tpu.memref_slice %arg2[%dma_wait3A_520, %dma_wait3A_521] : memref<100000x3xf32, #tpu.memory_space<hbm>> -> memref<100000x3xf32, #tpu.memory_space<hbm>>
      tpu.wait_indirect_dma semaphore(%arg11 : memref<!tpu.dma_semaphore, #tpu.memory_space<semaphore_mem>>) src(%dma_wait3A_522 : memref<100000x3xf32, #tpu.memory_space<hbm>>) dst(%dma_wait3A_516 : memref<128x3xf32, #tpu.memory_space<vmem>>)
      %dma_wait3A_523 = arith.constant 8 : i32
      %dma_wait3A_524 = arith.constant 1024 : i32
      %dma_wait3A_525 = arith.constant 0 : i32
      %dma_wait3A_526 = tpu.memref_slice %arg8[%dma_wait3A_524, %dma_wait3A_525] : memref<2048x3xf32, #tpu.memory_space<vmem>> -> memref<128x3xf32, #tpu.memory_space<vmem>>
      %dma_wait3A_527 = arith.constant 0 : i32
      %dma_wait3A_528 = tpu.memref_slice %arg6[%dma_wait3A_523, %dma_wait3A_527] : memref<16x128xi32, #tpu.memory_space<vmem>> -> memref<1x128xi32, #tpu.memory_space<vmem>>
      %dma_wait3A_529 = tpu.memref_squeeze %dma_wait3A_528 : memref<1x128xi32, #tpu.memory_space<vmem>> -> memref<128xi32, #tpu.memory_space<vmem>>
      %dma_wait3A_530 = arith.constant 0 : i32
      %dma_wait3A_531 = arith.constant 0 : i32
      %dma_wait3A_532 = tpu.memref_slice %arg2[%dma_wait3A_530, %dma_wait3A_531] : memref<100000x3xf32, #tpu.memory_space<hbm>> -> memref<100000x3xf32, #tpu.memory_space<hbm>>
      tpu.wait_indirect_dma semaphore(%arg11 : memref<!tpu.dma_semaphore, #tpu.memory_space<semaphore_mem>>) src(%dma_wait3A_532 : memref<100000x3xf32, #tpu.memory_space<hbm>>) dst(%dma_wait3A_526 : memref<128x3xf32, #tpu.memory_space<vmem>>)
      %dma_wait3A_533 = arith.constant 8 : i32
      %dma_wait3A_534 = arith.constant 1024 : i32
      %dma_wait3A_535 = arith.constant 0 : i32
      %dma_wait3A_536 = tpu.memref_slice %arg9[%dma_wait3A_534, %dma_wait3A_535] : memref<2048x3xf32, #tpu.memory_space<vmem>> -> memref<128x3xf32, #tpu.memory_space<vmem>>
      %dma_wait3A_537 = arith.constant 0 : i32
      %dma_wait3A_538 = tpu.memref_slice %arg7[%dma_wait3A_533, %dma_wait3A_537] : memref<16x128xi32, #tpu.memory_space<vmem>> -> memref<1x128xi32, #tpu.memory_space<vmem>>
      %dma_wait3A_539 = tpu.memref_squeeze %dma_wait3A_538 : memref<1x128xi32, #tpu.memory_space<vmem>> -> memref<128xi32, #tpu.memory_space<vmem>>
      %dma_wait3A_540 = arith.constant 0 : i32
      %dma_wait3A_541 = arith.constant 0 : i32
      %dma_wait3A_542 = tpu.memref_slice %arg2[%dma_wait3A_540, %dma_wait3A_541] : memref<100000x3xf32, #tpu.memory_space<hbm>> -> memref<100000x3xf32, #tpu.memory_space<hbm>>
      tpu.wait_indirect_dma semaphore(%arg11 : memref<!tpu.dma_semaphore, #tpu.memory_space<semaphore_mem>>) src(%dma_wait3A_542 : memref<100000x3xf32, #tpu.memory_space<hbm>>) dst(%dma_wait3A_536 : memref<128x3xf32, #tpu.memory_space<vmem>>)
      %dma_wait3A_543 = arith.constant 9 : i32
      %dma_wait3A_544 = arith.constant 1152 : i32
      %dma_wait3A_545 = arith.constant 0 : i32
      %dma_wait3A_546 = tpu.memref_slice %arg8[%dma_wait3A_544, %dma_wait3A_545] : memref<2048x3xf32, #tpu.memory_space<vmem>> -> memref<128x3xf32, #tpu.memory_space<vmem>>
      %dma_wait3A_547 = arith.constant 0 : i32
      %dma_wait3A_548 = tpu.memref_slice %arg6[%dma_wait3A_543, %dma_wait3A_547] : memref<16x128xi32, #tpu.memory_space<vmem>> -> memref<1x128xi32, #tpu.memory_space<vmem>>
      %dma_wait3A_549 = tpu.memref_squeeze %dma_wait3A_548 : memref<1x128xi32, #tpu.memory_space<vmem>> -> memref<128xi32, #tpu.memory_space<vmem>>
      %dma_wait3A_550 = arith.constant 0 : i32
      %dma_wait3A_551 = arith.constant 0 : i32
      %dma_wait3A_552 = tpu.memref_slice %arg2[%dma_wait3A_550, %dma_wait3A_551] : memref<100000x3xf32, #tpu.memory_space<hbm>> -> memref<100000x3xf32, #tpu.memory_space<hbm>>
      tpu.wait_indirect_dma semaphore(%arg11 : memref<!tpu.dma_semaphore, #tpu.memory_space<semaphore_mem>>) src(%dma_wait3A_552 : memref<100000x3xf32, #tpu.memory_space<hbm>>) dst(%dma_wait3A_546 : memref<128x3xf32, #tpu.memory_space<vmem>>)
      %dma_wait3A_553 = arith.constant 9 : i32
      %dma_wait3A_554 = arith.constant 1152 : i32
      %dma_wait3A_555 = arith.constant 0 : i32
      %dma_wait3A_556 = tpu.memref_slice %arg9[%dma_wait3A_554, %dma_wait3A_555] : memref<2048x3xf32, #tpu.memory_space<vmem>> -> memref<128x3xf32, #tpu.memory_space<vmem>>
      %dma_wait3A_557 = arith.constant 0 : i32
      %dma_wait3A_558 = tpu.memref_slice %arg7[%dma_wait3A_553, %dma_wait3A_557] : memref<16x128xi32, #tpu.memory_space<vmem>> -> memref<1x128xi32, #tpu.memory_space<vmem>>
      %dma_wait3A_559 = tpu.memref_squeeze %dma_wait3A_558 : memref<1x128xi32, #tpu.memory_space<vmem>> -> memref<128xi32, #tpu.memory_space<vmem>>
      %dma_wait3A_560 = arith.constant 0 : i32
      %dma_wait3A_561 = arith.constant 0 : i32
      %dma_wait3A_562 = tpu.memref_slice %arg2[%dma_wait3A_560, %dma_wait3A_561] : memref<100000x3xf32, #tpu.memory_space<hbm>> -> memref<100000x3xf32, #tpu.memory_space<hbm>>
      tpu.wait_indirect_dma semaphore(%arg11 : memref<!tpu.dma_semaphore, #tpu.memory_space<semaphore_mem>>) src(%dma_wait3A_562 : memref<100000x3xf32, #tpu.memory_space<hbm>>) dst(%dma_wait3A_556 : memref<128x3xf32, #tpu.memory_space<vmem>>)
      %dma_wait3A_563 = arith.constant 10 : i32
      %dma_wait3A_564 = arith.constant 1280 : i32
      %dma_wait3A_565 = arith.constant 0 : i32
      %dma_wait3A_566 = tpu.memref_slice %arg8[%dma_wait3A_564, %dma_wait3A_565] : memref<2048x3xf32, #tpu.memory_space<vmem>> -> memref<128x3xf32, #tpu.memory_space<vmem>>
      %dma_wait3A_567 = arith.constant 0 : i32
      %dma_wait3A_568 = tpu.memref_slice %arg6[%dma_wait3A_563, %dma_wait3A_567] : memref<16x128xi32, #tpu.memory_space<vmem>> -> memref<1x128xi32, #tpu.memory_space<vmem>>
      %dma_wait3A_569 = tpu.memref_squeeze %dma_wait3A_568 : memref<1x128xi32, #tpu.memory_space<vmem>> -> memref<128xi32, #tpu.memory_space<vmem>>
      %dma_wait3A_570 = arith.constant 0 : i32
      %dma_wait3A_571 = arith.constant 0 : i32
      %dma_wait3A_572 = tpu.memref_slice %arg2[%dma_wait3A_570, %dma_wait3A_571] : memref<100000x3xf32, #tpu.memory_space<hbm>> -> memref<100000x3xf32, #tpu.memory_space<hbm>>
      tpu.wait_indirect_dma semaphore(%arg11 : memref<!tpu.dma_semaphore, #tpu.memory_space<semaphore_mem>>) src(%dma_wait3A_572 : memref<100000x3xf32, #tpu.memory_space<hbm>>) dst(%dma_wait3A_566 : memref<128x3xf32, #tpu.memory_space<vmem>>)
      %dma_wait3A_573 = arith.constant 10 : i32
      %dma_wait3A_574 = arith.constant 1280 : i32
      %dma_wait3A_575 = arith.constant 0 : i32
      %dma_wait3A_576 = tpu.memref_slice %arg9[%dma_wait3A_574, %dma_wait3A_575] : memref<2048x3xf32, #tpu.memory_space<vmem>> -> memref<128x3xf32, #tpu.memory_space<vmem>>
      %dma_wait3A_577 = arith.constant 0 : i32
      %dma_wait3A_578 = tpu.memref_slice %arg7[%dma_wait3A_573, %dma_wait3A_577] : memref<16x128xi32, #tpu.memory_space<vmem>> -> memref<1x128xi32, #tpu.memory_space<vmem>>
      %dma_wait3A_579 = tpu.memref_squeeze %dma_wait3A_578 : memref<1x128xi32, #tpu.memory_space<vmem>> -> memref<128xi32, #tpu.memory_space<vmem>>
      %dma_wait3A_580 = arith.constant 0 : i32
      %dma_wait3A_581 = arith.constant 0 : i32
      %dma_wait3A_582 = tpu.memref_slice %arg2[%dma_wait3A_580, %dma_wait3A_581] : memref<100000x3xf32, #tpu.memory_space<hbm>> -> memref<100000x3xf32, #tpu.memory_space<hbm>>
      tpu.wait_indirect_dma semaphore(%arg11 : memref<!tpu.dma_semaphore, #tpu.memory_space<semaphore_mem>>) src(%dma_wait3A_582 : memref<100000x3xf32, #tpu.memory_space<hbm>>) dst(%dma_wait3A_576 : memref<128x3xf32, #tpu.memory_space<vmem>>)
      %dma_wait3A_583 = arith.constant 11 : i32
      %dma_wait3A_584 = arith.constant 1408 : i32
      %dma_wait3A_585 = arith.constant 0 : i32
      %dma_wait3A_586 = tpu.memref_slice %arg8[%dma_wait3A_584, %dma_wait3A_585] : memref<2048x3xf32, #tpu.memory_space<vmem>> -> memref<128x3xf32, #tpu.memory_space<vmem>>
      %dma_wait3A_587 = arith.constant 0 : i32
      %dma_wait3A_588 = tpu.memref_slice %arg6[%dma_wait3A_583, %dma_wait3A_587] : memref<16x128xi32, #tpu.memory_space<vmem>> -> memref<1x128xi32, #tpu.memory_space<vmem>>
      %dma_wait3A_589 = tpu.memref_squeeze %dma_wait3A_588 : memref<1x128xi32, #tpu.memory_space<vmem>> -> memref<128xi32, #tpu.memory_space<vmem>>
      %dma_wait3A_590 = arith.constant 0 : i32
      %dma_wait3A_591 = arith.constant 0 : i32
      %dma_wait3A_592 = tpu.memref_slice %arg2[%dma_wait3A_590, %dma_wait3A_591] : memref<100000x3xf32, #tpu.memory_space<hbm>> -> memref<100000x3xf32, #tpu.memory_space<hbm>>
      tpu.wait_indirect_dma semaphore(%arg11 : memref<!tpu.dma_semaphore, #tpu.memory_space<semaphore_mem>>) src(%dma_wait3A_592 : memref<100000x3xf32, #tpu.memory_space<hbm>>) dst(%dma_wait3A_586 : memref<128x3xf32, #tpu.memory_space<vmem>>)
      %dma_wait3A_593 = arith.constant 11 : i32
      %dma_wait3A_594 = arith.constant 1408 : i32
      %dma_wait3A_595 = arith.constant 0 : i32
      %dma_wait3A_596 = tpu.memref_slice %arg9[%dma_wait3A_594, %dma_wait3A_595] : memref<2048x3xf32, #tpu.memory_space<vmem>> -> memref<128x3xf32, #tpu.memory_space<vmem>>
      %dma_wait3A_597 = arith.constant 0 : i32
      %dma_wait3A_598 = tpu.memref_slice %arg7[%dma_wait3A_593, %dma_wait3A_597] : memref<16x128xi32, #tpu.memory_space<vmem>> -> memref<1x128xi32, #tpu.memory_space<vmem>>
      %dma_wait3A_599 = tpu.memref_squeeze %dma_wait3A_598 : memref<1x128xi32, #tpu.memory_space<vmem>> -> memref<128xi32, #tpu.memory_space<vmem>>
      %dma_wait3A_600 = arith.constant 0 : i32
      %dma_wait3A_601 = arith.constant 0 : i32
      %dma_wait3A_602 = tpu.memref_slice %arg2[%dma_wait3A_600, %dma_wait3A_601] : memref<100000x3xf32, #tpu.memory_space<hbm>> -> memref<100000x3xf32, #tpu.memory_space<hbm>>
      tpu.wait_indirect_dma semaphore(%arg11 : memref<!tpu.dma_semaphore, #tpu.memory_space<semaphore_mem>>) src(%dma_wait3A_602 : memref<100000x3xf32, #tpu.memory_space<hbm>>) dst(%dma_wait3A_596 : memref<128x3xf32, #tpu.memory_space<vmem>>)
      %dma_wait3A_603 = arith.constant 12 : i32
      %dma_wait3A_604 = arith.constant 1536 : i32
      %dma_wait3A_605 = arith.constant 0 : i32
      %dma_wait3A_606 = tpu.memref_slice %arg8[%dma_wait3A_604, %dma_wait3A_605] : memref<2048x3xf32, #tpu.memory_space<vmem>> -> memref<128x3xf32, #tpu.memory_space<vmem>>
      %dma_wait3A_607 = arith.constant 0 : i32
      %dma_wait3A_608 = tpu.memref_slice %arg6[%dma_wait3A_603, %dma_wait3A_607] : memref<16x128xi32, #tpu.memory_space<vmem>> -> memref<1x128xi32, #tpu.memory_space<vmem>>
      %dma_wait3A_609 = tpu.memref_squeeze %dma_wait3A_608 : memref<1x128xi32, #tpu.memory_space<vmem>> -> memref<128xi32, #tpu.memory_space<vmem>>
      %dma_wait3A_610 = arith.constant 0 : i32
      %dma_wait3A_611 = arith.constant 0 : i32
      %dma_wait3A_612 = tpu.memref_slice %arg2[%dma_wait3A_610, %dma_wait3A_611] : memref<100000x3xf32, #tpu.memory_space<hbm>> -> memref<100000x3xf32, #tpu.memory_space<hbm>>
      tpu.wait_indirect_dma semaphore(%arg11 : memref<!tpu.dma_semaphore, #tpu.memory_space<semaphore_mem>>) src(%dma_wait3A_612 : memref<100000x3xf32, #tpu.memory_space<hbm>>) dst(%dma_wait3A_606 : memref<128x3xf32, #tpu.memory_space<vmem>>)
      %dma_wait3A_613 = arith.constant 12 : i32
      %dma_wait3A_614 = arith.constant 1536 : i32
      %dma_wait3A_615 = arith.constant 0 : i32
      %dma_wait3A_616 = tpu.memref_slice %arg9[%dma_wait3A_614, %dma_wait3A_615] : memref<2048x3xf32, #tpu.memory_space<vmem>> -> memref<128x3xf32, #tpu.memory_space<vmem>>
      %dma_wait3A_617 = arith.constant 0 : i32
      %dma_wait3A_618 = tpu.memref_slice %arg7[%dma_wait3A_613, %dma_wait3A_617] : memref<16x128xi32, #tpu.memory_space<vmem>> -> memref<1x128xi32, #tpu.memory_space<vmem>>
      %dma_wait3A_619 = tpu.memref_squeeze %dma_wait3A_618 : memref<1x128xi32, #tpu.memory_space<vmem>> -> memref<128xi32, #tpu.memory_space<vmem>>
      %dma_wait3A_620 = arith.constant 0 : i32
      %dma_wait3A_621 = arith.constant 0 : i32
      %dma_wait3A_622 = tpu.memref_slice %arg2[%dma_wait3A_620, %dma_wait3A_621] : memref<100000x3xf32, #tpu.memory_space<hbm>> -> memref<100000x3xf32, #tpu.memory_space<hbm>>
      tpu.wait_indirect_dma semaphore(%arg11 : memref<!tpu.dma_semaphore, #tpu.memory_space<semaphore_mem>>) src(%dma_wait3A_622 : memref<100000x3xf32, #tpu.memory_space<hbm>>) dst(%dma_wait3A_616 : memref<128x3xf32, #tpu.memory_space<vmem>>)
      %dma_wait3A_623 = arith.constant 13 : i32
      %dma_wait3A_624 = arith.constant 1664 : i32
      %dma_wait3A_625 = arith.constant 0 : i32
      %dma_wait3A_626 = tpu.memref_slice %arg8[%dma_wait3A_624, %dma_wait3A_625] : memref<2048x3xf32, #tpu.memory_space<vmem>> -> memref<128x3xf32, #tpu.memory_space<vmem>>
      %dma_wait3A_627 = arith.constant 0 : i32
      %dma_wait3A_628 = tpu.memref_slice %arg6[%dma_wait3A_623, %dma_wait3A_627] : memref<16x128xi32, #tpu.memory_space<vmem>> -> memref<1x128xi32, #tpu.memory_space<vmem>>
      %dma_wait3A_629 = tpu.memref_squeeze %dma_wait3A_628 : memref<1x128xi32, #tpu.memory_space<vmem>> -> memref<128xi32, #tpu.memory_space<vmem>>
      %dma_wait3A_630 = arith.constant 0 : i32
      %dma_wait3A_631 = arith.constant 0 : i32
      %dma_wait3A_632 = tpu.memref_slice %arg2[%dma_wait3A_630, %dma_wait3A_631] : memref<100000x3xf32, #tpu.memory_space<hbm>> -> memref<100000x3xf32, #tpu.memory_space<hbm>>
      tpu.wait_indirect_dma semaphore(%arg11 : memref<!tpu.dma_semaphore, #tpu.memory_space<semaphore_mem>>) src(%dma_wait3A_632 : memref<100000x3xf32, #tpu.memory_space<hbm>>) dst(%dma_wait3A_626 : memref<128x3xf32, #tpu.memory_space<vmem>>)
      %dma_wait3A_633 = arith.constant 13 : i32
      %dma_wait3A_634 = arith.constant 1664 : i32
      %dma_wait3A_635 = arith.constant 0 : i32
      %dma_wait3A_636 = tpu.memref_slice %arg9[%dma_wait3A_634, %dma_wait3A_635] : memref<2048x3xf32, #tpu.memory_space<vmem>> -> memref<128x3xf32, #tpu.memory_space<vmem>>
      %dma_wait3A_637 = arith.constant 0 : i32
      %dma_wait3A_638 = tpu.memref_slice %arg7[%dma_wait3A_633, %dma_wait3A_637] : memref<16x128xi32, #tpu.memory_space<vmem>> -> memref<1x128xi32, #tpu.memory_space<vmem>>
      %dma_wait3A_639 = tpu.memref_squeeze %dma_wait3A_638 : memref<1x128xi32, #tpu.memory_space<vmem>> -> memref<128xi32, #tpu.memory_space<vmem>>
      %dma_wait3A_640 = arith.constant 0 : i32
      %dma_wait3A_641 = arith.constant 0 : i32
      %dma_wait3A_642 = tpu.memref_slice %arg2[%dma_wait3A_640, %dma_wait3A_641] : memref<100000x3xf32, #tpu.memory_space<hbm>> -> memref<100000x3xf32, #tpu.memory_space<hbm>>
      tpu.wait_indirect_dma semaphore(%arg11 : memref<!tpu.dma_semaphore, #tpu.memory_space<semaphore_mem>>) src(%dma_wait3A_642 : memref<100000x3xf32, #tpu.memory_space<hbm>>) dst(%dma_wait3A_636 : memref<128x3xf32, #tpu.memory_space<vmem>>)
      %dma_wait3A_643 = arith.constant 14 : i32
      %dma_wait3A_644 = arith.constant 1792 : i32
      %dma_wait3A_645 = arith.constant 0 : i32
      %dma_wait3A_646 = tpu.memref_slice %arg8[%dma_wait3A_644, %dma_wait3A_645] : memref<2048x3xf32, #tpu.memory_space<vmem>> -> memref<128x3xf32, #tpu.memory_space<vmem>>
      %dma_wait3A_647 = arith.constant 0 : i32
      %dma_wait3A_648 = tpu.memref_slice %arg6[%dma_wait3A_643, %dma_wait3A_647] : memref<16x128xi32, #tpu.memory_space<vmem>> -> memref<1x128xi32, #tpu.memory_space<vmem>>
      %dma_wait3A_649 = tpu.memref_squeeze %dma_wait3A_648 : memref<1x128xi32, #tpu.memory_space<vmem>> -> memref<128xi32, #tpu.memory_space<vmem>>
      %dma_wait3A_650 = arith.constant 0 : i32
      %dma_wait3A_651 = arith.constant 0 : i32
      %dma_wait3A_652 = tpu.memref_slice %arg2[%dma_wait3A_650, %dma_wait3A_651] : memref<100000x3xf32, #tpu.memory_space<hbm>> -> memref<100000x3xf32, #tpu.memory_space<hbm>>
      tpu.wait_indirect_dma semaphore(%arg11 : memref<!tpu.dma_semaphore, #tpu.memory_space<semaphore_mem>>) src(%dma_wait3A_652 : memref<100000x3xf32, #tpu.memory_space<hbm>>) dst(%dma_wait3A_646 : memref<128x3xf32, #tpu.memory_space<vmem>>)
      %dma_wait3A_653 = arith.constant 14 : i32
      %dma_wait3A_654 = arith.constant 1792 : i32
      %dma_wait3A_655 = arith.constant 0 : i32
      %dma_wait3A_656 = tpu.memref_slice %arg9[%dma_wait3A_654, %dma_wait3A_655] : memref<2048x3xf32, #tpu.memory_space<vmem>> -> memref<128x3xf32, #tpu.memory_space<vmem>>
      %dma_wait3A_657 = arith.constant 0 : i32
      %dma_wait3A_658 = tpu.memref_slice %arg7[%dma_wait3A_653, %dma_wait3A_657] : memref<16x128xi32, #tpu.memory_space<vmem>> -> memref<1x128xi32, #tpu.memory_space<vmem>>
      %dma_wait3A_659 = tpu.memref_squeeze %dma_wait3A_658 : memref<1x128xi32, #tpu.memory_space<vmem>> -> memref<128xi32, #tpu.memory_space<vmem>>
      %dma_wait3A_660 = arith.constant 0 : i32
      %dma_wait3A_661 = arith.constant 0 : i32
      %dma_wait3A_662 = tpu.memref_slice %arg2[%dma_wait3A_660, %dma_wait3A_661] : memref<100000x3xf32, #tpu.memory_space<hbm>> -> memref<100000x3xf32, #tpu.memory_space<hbm>>
      tpu.wait_indirect_dma semaphore(%arg11 : memref<!tpu.dma_semaphore, #tpu.memory_space<semaphore_mem>>) src(%dma_wait3A_662 : memref<100000x3xf32, #tpu.memory_space<hbm>>) dst(%dma_wait3A_656 : memref<128x3xf32, #tpu.memory_space<vmem>>)
      %dma_wait3A_663 = arith.constant 15 : i32
      %dma_wait3A_664 = arith.constant 1920 : i32
      %dma_wait3A_665 = arith.constant 0 : i32
      %dma_wait3A_666 = tpu.memref_slice %arg8[%dma_wait3A_664, %dma_wait3A_665] : memref<2048x3xf32, #tpu.memory_space<vmem>> -> memref<128x3xf32, #tpu.memory_space<vmem>>
      %dma_wait3A_667 = arith.constant 0 : i32
      %dma_wait3A_668 = tpu.memref_slice %arg6[%dma_wait3A_663, %dma_wait3A_667] : memref<16x128xi32, #tpu.memory_space<vmem>> -> memref<1x128xi32, #tpu.memory_space<vmem>>
      %dma_wait3A_669 = tpu.memref_squeeze %dma_wait3A_668 : memref<1x128xi32, #tpu.memory_space<vmem>> -> memref<128xi32, #tpu.memory_space<vmem>>
      %dma_wait3A_670 = arith.constant 0 : i32
      %dma_wait3A_671 = arith.constant 0 : i32
      %dma_wait3A_672 = tpu.memref_slice %arg2[%dma_wait3A_670, %dma_wait3A_671] : memref<100000x3xf32, #tpu.memory_space<hbm>> -> memref<100000x3xf32, #tpu.memory_space<hbm>>
      tpu.wait_indirect_dma semaphore(%arg11 : memref<!tpu.dma_semaphore, #tpu.memory_space<semaphore_mem>>) src(%dma_wait3A_672 : memref<100000x3xf32, #tpu.memory_space<hbm>>) dst(%dma_wait3A_666 : memref<128x3xf32, #tpu.memory_space<vmem>>)
      %dma_wait3A_673 = arith.constant 15 : i32
      %dma_wait3A_674 = arith.constant 1920 : i32
      %dma_wait3A_675 = arith.constant 0 : i32
      %dma_wait3A_676 = tpu.memref_slice %arg9[%dma_wait3A_674, %dma_wait3A_675] : memref<2048x3xf32, #tpu.memory_space<vmem>> -> memref<128x3xf32, #tpu.memory_space<vmem>>
      %dma_wait3A_677 = arith.constant 0 : i32
      %dma_wait3A_678 = tpu.memref_slice %arg7[%dma_wait3A_673, %dma_wait3A_677] : memref<16x128xi32, #tpu.memory_space<vmem>> -> memref<1x128xi32, #tpu.memory_space<vmem>>
      %dma_wait3A_679 = tpu.memref_squeeze %dma_wait3A_678 : memref<1x128xi32, #tpu.memory_space<vmem>> -> memref<128xi32, #tpu.memory_space<vmem>>
      %dma_wait3A_680 = arith.constant 0 : i32
      %dma_wait3A_681 = arith.constant 0 : i32
      %dma_wait3A_682 = tpu.memref_slice %arg2[%dma_wait3A_680, %dma_wait3A_681] : memref<100000x3xf32, #tpu.memory_space<hbm>> -> memref<100000x3xf32, #tpu.memory_space<hbm>>
      tpu.wait_indirect_dma semaphore(%arg11 : memref<!tpu.dma_semaphore, #tpu.memory_space<semaphore_mem>>) src(%dma_wait3A_682 : memref<100000x3xf32, #tpu.memory_space<hbm>>) dst(%dma_wait3A_676 : memref<128x3xf32, #tpu.memory_space<vmem>>)
      %scan3A = arith.constant 0 : i32
      %scan3A_683 = arith.constant 0 : i32
      %scan3A_684 = arith.constant 128 : i32
      %scan3A_685 = arith.addi %scan3A_683, %scan3A_684 : i32
      %scan3A_686 = arith.constant 2 : i32
      scf.for %scan3A_688 = %scan3A_683 to %scan3A_685 step %scan3A_686  : i32 {
        %mul3A_689 = arith.constant 16 : i32
        %mul3A_690 = arith.muli %scan3A_688, %mul3A_689 : i32
        %add3A_691 = vector.broadcast %mul3A_690 : i32 to vector<16xi32>
        %add3A_692 = arith.addi %add3A_691, %iota3A : vector<16xi32>
        %gather3A = tpu.vector_load_idx %arg8[%add3A_692, %broadcast_in_dim3A_1] : memref<2048x3xf32, #tpu.memory_space<vmem>>[vector<16xi32>, vector<16xi32>], vector<16xf32>,
        %gather3A_693 = tpu.vector_load_idx %arg9[%add3A_692, %broadcast_in_dim3A_1] : memref<2048x3xf32, #tpu.memory_space<vmem>>[vector<16xi32>, vector<16xi32>], vector<16xf32>,
        %sub3A_694 = arith.subf %gather3A_693, %gather3A : vector<16xf32>
        %gather3A_695 = tpu.vector_load_idx %arg8[%add3A_692, %broadcast_in_dim3A_3] : memref<2048x3xf32, #tpu.memory_space<vmem>>[vector<16xi32>, vector<16xi32>], vector<16xf32>,
        %gather3A_696 = tpu.vector_load_idx %arg9[%add3A_692, %broadcast_in_dim3A_3] : memref<2048x3xf32, #tpu.memory_space<vmem>>[vector<16xi32>, vector<16xi32>], vector<16xf32>,
        %sub3A_697 = arith.subf %gather3A_696, %gather3A_695 : vector<16xf32>
        %gather3A_698 = tpu.vector_load_idx %arg8[%add3A_692, %broadcast_in_dim3A_5] : memref<2048x3xf32, #tpu.memory_space<vmem>>[vector<16xi32>, vector<16xi32>], vector<16xf32>,
        %gather3A_699 = tpu.vector_load_idx %arg9[%add3A_692, %broadcast_in_dim3A_5] : memref<2048x3xf32, #tpu.memory_space<vmem>>[vector<16xi32>, vector<16xi32>], vector<16xf32>,
        %sub3A_700 = arith.subf %gather3A_699, %gather3A_698 : vector<16xf32>
        %mul3A_701 = arith.mulf %sub3A_694, %sub3A_694 : vector<16xf32>
        %mul3A_702 = arith.mulf %sub3A_697, %sub3A_697 : vector<16xf32>
        %add3A_703 = arith.addf %mul3A_701, %mul3A_702 : vector<16xf32>
        %mul3A_704 = arith.mulf %sub3A_700, %sub3A_700 : vector<16xf32>
        %add3A_705 = arith.addf %add3A_703, %mul3A_704 : vector<16xf32>
        %add3A_706 = arith.constant 9.99999996E-13 : f32
        %add3A_707 = vector.broadcast %add3A_706 : f32 to vector<16xf32>
        %add3A_708 = arith.addf %add3A_705, %add3A_707 : vector<16xf32>
        %bitcast_convert_type3A = tpu.bitcast %add3A_708 : vector<16xf32> -> vector<16xi32>
        %shift_right_logical3A = arith.constant 1 : i32
        %shift_right_logical3A_709 = vector.broadcast %shift_right_logical3A : i32 to vector<16xi32>
        %shift_right_logical3A_710 = arith.shrui %bitcast_convert_type3A, %shift_right_logical3A_709 : vector<16xi32>
        %sub3A_711 = arith.constant 1597463007 : i32
        %sub3A_712 = vector.broadcast %sub3A_711 : i32 to vector<16xi32>
        %sub3A_713 = arith.subi %sub3A_712, %shift_right_logical3A_710 : vector<16xi32>
        %bitcast_convert_type3A_714 = tpu.bitcast %sub3A_713 : vector<16xi32> -> vector<16xf32>
        %mul3A_715 = arith.constant 5.000000e-01 : f32
        %mul3A_716 = vector.broadcast %mul3A_715 : f32 to vector<16xf32>
        %mul3A_717 = arith.mulf %mul3A_716, %add3A_708 : vector<16xf32>
        %mul3A_718 = arith.mulf %mul3A_717, %bitcast_convert_type3A_714 : vector<16xf32>
        %mul3A_719 = arith.mulf %mul3A_718, %bitcast_convert_type3A_714 : vector<16xf32>
        %sub3A_720 = arith.constant 1.500000e+00 : f32
        %sub3A_721 = vector.broadcast %sub3A_720 : f32 to vector<16xf32>
        %sub3A_722 = arith.subf %sub3A_721, %mul3A_719 : vector<16xf32>
        %mul3A_723 = arith.mulf %bitcast_convert_type3A_714, %sub3A_722 : vector<16xf32>
        %mul3A_724 = arith.constant 5.000000e-01 : f32
        %mul3A_725 = vector.broadcast %mul3A_724 : f32 to vector<16xf32>
        %mul3A_726 = arith.mulf %mul3A_725, %add3A_708 : vector<16xf32>
        %mul3A_727 = arith.mulf %mul3A_726, %mul3A_723 : vector<16xf32>
        %mul3A_728 = arith.mulf %mul3A_727, %mul3A_723 : vector<16xf32>
        %sub3A_729 = arith.constant 1.500000e+00 : f32
        %sub3A_730 = vector.broadcast %sub3A_729 : f32 to vector<16xf32>
        %sub3A_731 = arith.subf %sub3A_730, %mul3A_728 : vector<16xf32>
        %mul3A_732 = arith.mulf %mul3A_723, %sub3A_731 : vector<16xf32>
        %mul3A_733 = arith.constant 5.000000e-01 : f32
        %mul3A_734 = vector.broadcast %mul3A_733 : f32 to vector<16xf32>
        %mul3A_735 = arith.mulf %mul3A_734, %add3A_708 : vector<16xf32>
        %mul3A_736 = arith.mulf %mul3A_735, %mul3A_732 : vector<16xf32>
        %mul3A_737 = arith.mulf %mul3A_736, %mul3A_732 : vector<16xf32>
        %sub3A_738 = arith.constant 1.500000e+00 : f32
        %sub3A_739 = vector.broadcast %sub3A_738 : f32 to vector<16xf32>
        %sub3A_740 = arith.subf %sub3A_739, %mul3A_737 : vector<16xf32>
        %mul3A_741 = arith.mulf %mul3A_732, %sub3A_740 : vector<16xf32>
        %mul3A_742 = arith.mulf %add3A_708, %mul3A_741 : vector<16xf32>
        tpu.vector_store_idx %arg10[%add3A_692, %broadcast_in_dim3A_1], %sub3A_694 : memref<2048x4xf32, #tpu.memory_space<vmem>>[vector<16xi32>, vector<16xi32>], vector<16xf32>,
        tpu.vector_store_idx %arg10[%add3A_692, %broadcast_in_dim3A_3], %sub3A_697 : memref<2048x4xf32, #tpu.memory_space<vmem>>[vector<16xi32>, vector<16xi32>], vector<16xf32>,
        tpu.vector_store_idx %arg10[%add3A_692, %broadcast_in_dim3A_5], %sub3A_700 : memref<2048x4xf32, #tpu.memory_space<vmem>>[vector<16xi32>, vector<16xi32>], vector<16xf32>,
        tpu.vector_store_idx %arg10[%add3A_692, %broadcast_in_dim3A_7], %mul3A_742 : memref<2048x4xf32, #tpu.memory_space<vmem>>[vector<16xi32>, vector<16xi32>], vector<16xf32>,
        %scan3A_743 = arith.constant 1 : i32
        %scan3A_744 = arith.addi %scan3A_688, %scan3A_743 : i32
        %mul3A_745 = arith.constant 16 : i32
        %mul3A_746 = arith.muli %scan3A_744, %mul3A_745 : i32
        %add3A_747 = vector.broadcast %mul3A_746 : i32 to vector<16xi32>
        %add3A_748 = arith.addi %add3A_747, %iota3A : vector<16xi32>
        %gather3A_749 = tpu.vector_load_idx %arg8[%add3A_748, %broadcast_in_dim3A_1] : memref<2048x3xf32, #tpu.memory_space<vmem>>[vector<16xi32>, vector<16xi32>], vector<16xf32>,
        %gather3A_750 = tpu.vector_load_idx %arg9[%add3A_748, %broadcast_in_dim3A_1] : memref<2048x3xf32, #tpu.memory_space<vmem>>[vector<16xi32>, vector<16xi32>], vector<16xf32>,
        %sub3A_751 = arith.subf %gather3A_750, %gather3A_749 : vector<16xf32>
        %gather3A_752 = tpu.vector_load_idx %arg8[%add3A_748, %broadcast_in_dim3A_3] : memref<2048x3xf32, #tpu.memory_space<vmem>>[vector<16xi32>, vector<16xi32>], vector<16xf32>,
        %gather3A_753 = tpu.vector_load_idx %arg9[%add3A_748, %broadcast_in_dim3A_3] : memref<2048x3xf32, #tpu.memory_space<vmem>>[vector<16xi32>, vector<16xi32>], vector<16xf32>,
        %sub3A_754 = arith.subf %gather3A_753, %gather3A_752 : vector<16xf32>
        %gather3A_755 = tpu.vector_load_idx %arg8[%add3A_748, %broadcast_in_dim3A_5] : memref<2048x3xf32, #tpu.memory_space<vmem>>[vector<16xi32>, vector<16xi32>], vector<16xf32>,
        %gather3A_756 = tpu.vector_load_idx %arg9[%add3A_748, %broadcast_in_dim3A_5] : memref<2048x3xf32, #tpu.memory_space<vmem>>[vector<16xi32>, vector<16xi32>], vector<16xf32>,
        %sub3A_757 = arith.subf %gather3A_756, %gather3A_755 : vector<16xf32>
        %mul3A_758 = arith.mulf %sub3A_751, %sub3A_751 : vector<16xf32>
        %mul3A_759 = arith.mulf %sub3A_754, %sub3A_754 : vector<16xf32>
        %add3A_760 = arith.addf %mul3A_758, %mul3A_759 : vector<16xf32>
        %mul3A_761 = arith.mulf %sub3A_757, %sub3A_757 : vector<16xf32>
        %add3A_762 = arith.addf %add3A_760, %mul3A_761 : vector<16xf32>
        %add3A_763 = arith.constant 9.99999996E-13 : f32
        %add3A_764 = vector.broadcast %add3A_763 : f32 to vector<16xf32>
        %add3A_765 = arith.addf %add3A_762, %add3A_764 : vector<16xf32>
        %bitcast_convert_type3A_766 = tpu.bitcast %add3A_765 : vector<16xf32> -> vector<16xi32>
        %shift_right_logical3A_767 = arith.constant 1 : i32
        %shift_right_logical3A_768 = vector.broadcast %shift_right_logical3A_767 : i32 to vector<16xi32>
        %shift_right_logical3A_769 = arith.shrui %bitcast_convert_type3A_766, %shift_right_logical3A_768 : vector<16xi32>
        %sub3A_770 = arith.constant 1597463007 : i32
        %sub3A_771 = vector.broadcast %sub3A_770 : i32 to vector<16xi32>
        %sub3A_772 = arith.subi %sub3A_771, %shift_right_logical3A_769 : vector<16xi32>
        %bitcast_convert_type3A_773 = tpu.bitcast %sub3A_772 : vector<16xi32> -> vector<16xf32>
        %mul3A_774 = arith.constant 5.000000e-01 : f32
        %mul3A_775 = vector.broadcast %mul3A_774 : f32 to vector<16xf32>
        %mul3A_776 = arith.mulf %mul3A_775, %add3A_765 : vector<16xf32>
        %mul3A_777 = arith.mulf %mul3A_776, %bitcast_convert_type3A_773 : vector<16xf32>
        %mul3A_778 = arith.mulf %mul3A_777, %bitcast_convert_type3A_773 : vector<16xf32>
        %sub3A_779 = arith.constant 1.500000e+00 : f32
        %sub3A_780 = vector.broadcast %sub3A_779 : f32 to vector<16xf32>
        %sub3A_781 = arith.subf %sub3A_780, %mul3A_778 : vector<16xf32>
        %mul3A_782 = arith.mulf %bitcast_convert_type3A_773, %sub3A_781 : vector<16xf32>
        %mul3A_783 = arith.constant 5.000000e-01 : f32
        %mul3A_784 = vector.broadcast %mul3A_783 : f32 to vector<16xf32>
        %mul3A_785 = arith.mulf %mul3A_784, %add3A_765 : vector<16xf32>
        %mul3A_786 = arith.mulf %mul3A_785, %mul3A_782 : vector<16xf32>
        %mul3A_787 = arith.mulf %mul3A_786, %mul3A_782 : vector<16xf32>
        %sub3A_788 = arith.constant 1.500000e+00 : f32
        %sub3A_789 = vector.broadcast %sub3A_788 : f32 to vector<16xf32>
        %sub3A_790 = arith.subf %sub3A_789, %mul3A_787 : vector<16xf32>
        %mul3A_791 = arith.mulf %mul3A_782, %sub3A_790 : vector<16xf32>
        %mul3A_792 = arith.constant 5.000000e-01 : f32
        %mul3A_793 = vector.broadcast %mul3A_792 : f32 to vector<16xf32>
        %mul3A_794 = arith.mulf %mul3A_793, %add3A_765 : vector<16xf32>
        %mul3A_795 = arith.mulf %mul3A_794, %mul3A_791 : vector<16xf32>
        %mul3A_796 = arith.mulf %mul3A_795, %mul3A_791 : vector<16xf32>
        %sub3A_797 = arith.constant 1.500000e+00 : f32
        %sub3A_798 = vector.broadcast %sub3A_797 : f32 to vector<16xf32>
        %sub3A_799 = arith.subf %sub3A_798, %mul3A_796 : vector<16xf32>
        %mul3A_800 = arith.mulf %mul3A_791, %sub3A_799 : vector<16xf32>
        %mul3A_801 = arith.mulf %add3A_765, %mul3A_800 : vector<16xf32>
        tpu.vector_store_idx %arg10[%add3A_748, %broadcast_in_dim3A_1], %sub3A_751 : memref<2048x4xf32, #tpu.memory_space<vmem>>[vector<16xi32>, vector<16xi32>], vector<16xf32>,
        tpu.vector_store_idx %arg10[%add3A_748, %broadcast_in_dim3A_3], %sub3A_754 : memref<2048x4xf32, #tpu.memory_space<vmem>>[vector<16xi32>, vector<16xi32>], vector<16xf32>,
        tpu.vector_store_idx %arg10[%add3A_748, %broadcast_in_dim3A_5], %sub3A_757 : memref<2048x4xf32, #tpu.memory_space<vmem>>[vector<16xi32>, vector<16xi32>], vector<16xf32>,
        tpu.vector_store_idx %arg10[%add3A_748, %broadcast_in_dim3A_7], %mul3A_801 : memref<2048x4xf32, #tpu.memory_space<vmem>>[vector<16xi32>, vector<16xi32>], vector<16xf32>,
      }
      %scan3A_687 = arith.constant 128 : i32
      "tpu.region"() ({
        %run_scoped3A = tpu.sem_alloc : memref<!tpu.dma_semaphore, #tpu.memory_space<semaphore_mem>>
        %dma_start3A_688 = arith.constant 0 : i32
        %dma_start3A_689 = tpu.memref_slice %arg5[%mul3A_44, %dma_start3A_688] : memref<6400000x4xf32, #tpu.memory_space<hbm>> -> memref<2048x4xf32, #tpu.memory_space<hbm>>
        %dma_start3A_690 = arith.constant 0 : i32
        %dma_start3A_691 = tpu.memref_slice %arg5[%mul3A_44, %dma_start3A_690] : memref<6400000x4xf32, #tpu.memory_space<hbm>> -> memref<2048x4xf32, #tpu.memory_space<hbm>>
        tpu.enqueue_dma source(%arg10 : memref<2048x4xf32, #tpu.memory_space<vmem>>) target(%dma_start3A_691 : memref<2048x4xf32, #tpu.memory_space<hbm>>) target_semaphore(%run_scoped3A : memref<!tpu.dma_semaphore, #tpu.memory_space<semaphore_mem>>)
        %dma_wait3A_692 = arith.constant 0 : i32
        %dma_wait3A_693 = tpu.memref_slice %arg5[%mul3A_44, %dma_wait3A_692] : memref<6400000x4xf32, #tpu.memory_space<hbm>> -> memref<2048x4xf32, #tpu.memory_space<hbm>>
        %dma_wait3A_694 = arith.constant 0 : i32
        %dma_wait3A_695 = tpu.memref_slice %arg5[%mul3A_44, %dma_wait3A_694] : memref<6400000x4xf32, #tpu.memory_space<hbm>> -> memref<2048x4xf32, #tpu.memory_space<hbm>>
        tpu.wait_dma2 semaphore(%run_scoped3A : memref<!tpu.dma_semaphore, #tpu.memory_space<semaphore_mem>>) src(%arg10 : memref<2048x4xf32, #tpu.memory_space<vmem>>) dst(%dma_wait3A_695 : memref<2048x4xf32, #tpu.memory_space<hbm>>)
        tpu.yield
      }) : () -> ()
    }
    return
  }
}

</mosaic_0001>

<sc_bundles>
// kernel: kernel.3.cloned.1.call-start
scs
__scs_entry_jumppad:
0x0: {  	(pc) =	sbr.rel $0x88, $3  }
0x1: {  	(tag) =	ssettag $0x0;
	lr =	simm.s32 $0x1  }
0x2: {  	[smem:$0x3F9E] =	sst lr;
	_ =	strace $0xD0000000  }
0x3: {  	_ = 	snop  }
0x4: {  	_ = 	snop  }
0x5: {  	_ = 	snop  }
0x6: {  	_ = 	snop  }
0x7: {  	_ = 	snop  }
__scs_overlays_trampoline_lowered:
0x8: {  	[smem:$0x3FAD] =	sst s0  }
0x9: {  	[smem:$0x3FAE] =	sst s1  }
0xa: {  	[smem:$0x3FAF] =	sst s2  }
0xb: {  	[smem:$0x3FB0] =	sst s3  }
0xc: {  	[smem:$0x3FB1] =	sst s4  }
0xd: {  	[smem:$0x3FB2] =	sst s5  }
0xe: {  	[smem:$0x3FB3] =	sst s6  }
0xf: {  	[smem:$0x3FB4] =	sst s7  }
0x10: {  	[smem:$0x3FB5] =	sst s8  }
0x11: {  	[smem:$0x3FB6] =	sst s9;
	s0 =	simm.s32 @!p0 $0x0  }
0x12: {  	s1 =	sld [smem:$0x3F9C];
	s0 =	simm.s32 @p0 $0x1  }
0x13: {  	[smem:$0x3FB7] =	sst s0;
	s0 =	simm.s32 @!p1 $0x0  }
0x14: {  	s2 =	sld [smem:$0x3F9B];
	s0 =	simm.s32 @p1 $0x1  }
0x15: {  	[smem:$0x3FB8] =	sst s0;
	s0 =	simm.s32 @!p2 $0x0  }
0x16: {  	s3 =	sld [smem:$0x3FDB];
	s0 =	simm.s32 @p2 $0x1  }
0x17: {  	s4 =	simm.s32 $0x1BF5;
	[smem:$0x3FBA] =	sst s0  }
0x18: {  	s0 =	sld [smem:$0x3F9D];
	_ =	swait.ge [sflag:s4], $0x0  }
0x19: {  	s7 =	sld [smem:$0x3F9E]  }
0x1a: {  	s8 =	sadd.s32 $0xFFFFE003, lr  }
0x1b: {  	s9 =	sadd.s32 $0xFFFFFEF7, lr;
	s5 =	simm.s32 $0xFFFFFFFF;
	p2 =	slt.u32 s8, $0xFFFFF086  }
0x1c: {  	p1 =	slt.u32 s9, $0xF7A;
	s5 =	simm.s32 @!p2 $0x0  }
0x1d: {  	s5 =	simm.s32 @p1 $0x1;
	p0 =	seq.s32 s7, s2  }
0x1e: {  	s7 =	smul.u32 @!p0 $0xF7A, s2;
	p2 =	seq.s32 @!p0 s5, $0x0  }
0x1f: {  	s9 =	smul.u32 $0xF7A, s1;
	s8 =	simm.s32 @!p0 $0x1BF5;
	p2 =	por !p2, p0  }
0x20: {  	[sflag:s8] =	ssyncset.s32 @!p0 $0xFFFFF086;
	s6 =	sadd.s32 @!p0 s3, s7;
	s7 =	simm.s32 @!p0 $0x108  }
0x21: {  	s3 =	sadd.s32 s3, s9;
	s6 =	sadd.s32 @!p0 $0x88, s6;
	s7 =	simm.s32 @p2 $0x1082  }
0x22: {  	[simem:s7], [sflag:s8] =	dma.local @!p0 [hbm:s6], $0xF7A  }
0x23: {  	s9 =	sor.u32 $0xD0000000, s2;
	s6 =	simm.s32 $0x108;
	_ =	swait.ge @!p0 [sflag:s8], $0x0  }
0x24: {  	s3 =	sadd.s32 $0x88, s3;
	s6 =	simm.s32 @!p1 $0x1082;
	[sflag:s4] =	ssyncset.s32 $0xFFFFF086  }
0x25: {  	[simem:s6], [sflag:s4] =	dma.local [hbm:s3], $0xF7A  }
0x26: {  	[smem:$0x3F9E] =	sst s1;
	(tag) =	ssettag s2;
	_ =	strace s9  }
0x27: {  	s1 =	sld [smem:$0x3FAE]  }
0x28: {  	s2 =	sld [smem:$0x3FAF]  }
0x29: {  	s4 =	sld [smem:$0x3FB1]  }
0x2a: {  	p0 =	seq.s32 s5, $0x0;
	s5 =	sld [smem:$0x3FB2]  }
0x2b: {  	s6 =	sld [smem:$0x3FB3]  }
0x2c: {  	s7 =	sld [smem:$0x3FB4]  }
0x2d: {  	s3 =	simm.s32 $0x108;
	s8 =	sld [smem:$0x3FB5]  }
0x2e: {  	s3 =	simm.s32 @!p0 $0x1082;
	s9 =	sld [smem:$0x3FB6]  }
0x2f: {  	lr =	sadd.s32 s0, s3;
	s0 =	sld [smem:$0x3FAD]  }
0x30: {  	s3 =	sld [smem:$0x3FB0]  }
0x31: {  	[smem:$0x3FB9] =	sst s10  }
0x32: {  	s10 =	sld [smem:$0x3FB7];
	_ =	sdelay $0x3  }
0x33: {  	p0 =	seq.s32 s10, $0x1;
	s10 =	sld [smem:$0x3FB9];
	_ =	sdelay $0x3  }
0x34: {  	[smem:$0x3FB9] =	sst s10  }
0x35: {  	s10 =	sld [smem:$0x3FB8];
	_ =	sdelay $0x3  }
0x36: {  	p1 =	seq.s32 s10, $0x1;
	s10 =	sld [smem:$0x3FB9];
	_ =	sdelay $0x3  }
0x37: {  	[smem:$0x3FB9] =	sst s10  }
0x38: {  	s10 =	sld [smem:$0x3FBA]  }
0x39: {  	_ = 	snop;
	(pc) =	sbr.ind lr, $3  }
0x3a: {  	_ = 	snop  }
0x3b: {  	_ = 	snop  }
0x3c: {  	p2 =	seq.s32 s10, $0x1;
	s10 =	sld [smem:$0x3FB9]  }
0x3d: {  	_ =	shalt  }
0x3e: {  	_ =	shalt  }
0x3f: {  	_ =	shalt  }
0x40: {  	_ =	shalt  }
0x41: {  	_ =	shalt  }
0x42: {  	_ =	shalt  }
0x43: {  	_ =	shalt  }
0x44: {  	_ =	shalt  }
0x45: {  	_ =	shalt  }
0x46: {  	_ =	shalt  }
0x47: {  	_ =	shalt  }
0x48: {  	_ =	shalt  }
0x49: {  	_ =	shalt  }
0x4a: {  	_ =	shalt  }
0x4b: {  	_ =	shalt  }
0x4c: {  	_ =	shalt  }
0x4d: {  	_ =	shalt  }
0x4e: {  	_ =	shalt  }
0x4f: {  	_ =	shalt  }
0x50: {  	_ =	shalt  }
0x51: {  	_ =	shalt  }
0x52: {  	_ =	shalt  }
0x53: {  	_ =	shalt  }
0x54: {  	_ =	shalt  }
0x55: {  	_ =	shalt  }
0x56: {  	_ =	shalt  }
0x57: {  	_ =	shalt  }
0x58: {  	_ =	shalt  }
0x59: {  	_ =	shalt  }
0x5a: {  	_ =	shalt  }
0x5b: {  	_ =	shalt  }
0x5c: {  	_ =	shalt  }
0x5d: {  	_ =	shalt  }
0x5e: {  	_ =	shalt  }
0x5f: {  	_ =	shalt  }
0x60: {  	_ =	shalt  }
0x61: {  	_ =	shalt  }
0x62: {  	_ =	shalt  }
0x63: {  	_ =	shalt  }
0x64: {  	_ =	shalt  }
0x65: {  	_ =	shalt  }
0x66: {  	_ =	shalt  }
0x67: {  	_ =	shalt  }
0x68: {  	_ =	shalt  }
0x69: {  	_ =	shalt  }
0x6a: {  	_ =	shalt  }
0x6b: {  	_ =	shalt  }
0x6c: {  	_ =	shalt  }
0x6d: {  	_ =	shalt  }
0x6e: {  	_ =	shalt  }
0x6f: {  	_ =	shalt  }
0x70: {  	_ =	shalt  }
0x71: {  	_ =	shalt  }
0x72: {  	_ =	shalt  }
0x73: {  	_ =	shalt  }
0x74: {  	_ =	shalt  }
0x75: {  	_ =	shalt  }
0x76: {  	_ =	shalt  }
0x77: {  	_ =	shalt  }
0x78: {  	_ =	shalt  }
0x79: {  	_ =	shalt  }
0x7a: {  	_ =	shalt  }
0x7b: {  	_ =	shalt  }
0x7c: {  	_ =	shalt  }
0x7d: {  	_ =	shalt  }
0x7e: {  	_ =	shalt  }
0x7f: {  	_ =	shalt  }
0x80: {  	_ =	shalt  }
0x81: {  	_ =	shalt  }
0x82: {  	_ =	shalt  }
0x83: {  	_ =	shalt  }
0x84: {  	_ =	shalt  }
0x85: {  	_ =	shalt  }
0x86: {  	_ =	shalt  }
0x87: {  	_ =	shalt  }
.Lfunc_end0:
.L_simem_size_0:
called_computation.1_lowered:
.L_overlay_start_0:
0x88: {  	s2 =	sld [smem:$0x3FD9]  }
0x89: {  	s3 =	sld [smem:$0x3FFE];
	_ =	sdelay $0x1  }
0x8a: {  	s1 =	srdreg.scid  }
0x8b: {  	s0 =	sand.u32 $0x1, s1  }
0x8c: {  	s17 =	sshll.u32 s0, $0xA;
	s2 =	sadd.s32 s3, s2  }
0x8d: {  	s2 =	sadd.s32 s2, s17  }
0x8e: {  	[smem:$0x3FC5] =	sst s2  }
0x8f: {  	_ = 	snop  }
0x90: {  	s2 =	sld [smem:$0x3FC8]  }
0x91: {  	s18 =	sld [smem:$0x3FC7]  }
0x92: {  	s4 =	sld [smem:$0x3FD0];
	(tm) =	ssettm $0x1  }
0x93: {  	s5 =	sld [smem:$0x3FFB];
	_ =	sdelay $0x3  }
0x94: {  	_ =	strace s5  }
0x95: {  	s5 =	sld [smem:$0x3FFC];
	_ =	sdelay $0x3  }
0x96: {  	_ =	strace s5  }
0x97: {  	s5 =	sld [smem:$0x3FFD];
	_ =	sdelay $0x3  }
0x98: {  	_ =	strace s5  }
0x99: {  	_ =	strace $0x8FFFFFFF  }
0x9a: {  	s19 =	sld [smem:$0x3FDB];
	_ =	sdelay $0x1  }
0x9b: {  	s6 =	simm.s32 $_scs_section_size  }
0x9c: {  	s7 =	simm.s32 $_size__tile_overlayer_lowered;
	s8 =	simm.s32 $_tile_overlayer_lowered  }
0x9d: {  	s22 =	simm.s32 $0x1BFF;
	s21 =	sshll.u32 s8, $0x1;
	s5 =	sadd.s32 s6, s19  }
0x9e: {  	s9 =	simm.s32 $0x0;
	s20 =	sshll.u32 s7, $0x1;
	s7 =	sadd.s32 s21, s5  }
0x9f: {  	[timem:s9], [sflag:s22] =	dma.local [hbm:s7], s20  }
0xa0: {  	_ =	swait.ge [sflag:s22], s20  }
0xa1: {  	s6 =	ssub.s32 $0x0, s20;
	[sflag:s22] =	ssyncset.done $0x0  }
0xa2: {  	[sflag:s22] =	ssyncadd.s32 s6;
	_ =	sdelay $0x1  }
0xa3: {  	s23 =	simm.s32 $0x1B8B  }
0xa4: {  	_ =	swait.ge [sflag:s23], $0x1  }
0xa5: {  	[sflag:s23] =	ssyncset.done $0x0  }
0xa6: {  	s25 =	simm.s32 $0x1B8E;
	s24 =	sld [smem:$0x3FFE];
	[sflag:s23] =	ssyncadd.s32 $0xFFFFFFFF  }
0xa7: {  	s26 =	simm.s32 $execute0_lowered;
	[smem:$0x3FD2] =	sst s25  }
0xa8: {  	s7 =	sshll.u32 s26, $0x1;
	_ =	strace $0x80000046;
	[dreg:$0x1] =	wrdreg $0xFFFFFFFF  }
0xa9: {  	s28 =	simm.s32 $_size_execute0_lowered;
	s5 =	sadd.s32 s5, s7;
	[dreg:$0x0] =	wrdreg $0x0  }
0xaa: {  	s7 =	sshll.u32 s28, $0x1;
	[dreg:$0x2] =	wrdreg s5  }
0xab: {  	[dreg:$0x3] =	wrdreg s7  }
0xac: {  	[dreg:$0x4] =	wrdreg $0xC0  }
0xad: {  	_ =	task [dreg:s9], $0x5FFFF  }
0xae: {  	[dreg:$0x1] =	wrdreg $0xFFFFFFFF  }
0xaf: {  	[dreg:$0x0] =	wrdreg $0x60  }
0xb0: {  	[dreg:$0x2] =	wrdreg s4  }
0xb1: {  	[dreg:$0x3] =	wrdreg s2  }
0xb2: {  	[dreg:$0x4] =	wrdreg s18  }
0xb3: {  	[dreg:$0x5] =	wrdreg s24  }
0xb4: {  	[dreg:$0x6] =	wrdreg $0x9  }
0xb5: {  	_ =	task.clear_ibuf [dreg:s9], $0x7FFFF;
	_ =	strace $0x90000046  }
0xb6: {  	s29 =	simm.s32 $0x9;
	_ =	strace $0x80000048  }
0xb7: {  	_ =	swait.ge [sflag:s29], $0x1  }
0xb8: {  	[sflag:s29] =	ssyncadd.s32 $0xFFFFFFFF  }
0xb9: {  	_ =	strace $0x90000048  }
0xba: {  	_ =	sfence  }
0xbb: {  	s30 =	sld [smem:$0x0];
	_ =	sdelay $0x2  }
0xbc: {  	s31 =	sshll.u32 s1, $0xD;
	s1 =	sshrl.u32 s1, $0x2  }
0xbd: {  	s3 =	sand.u32 $0x4000, s31;
	s1 =	sadd.s32 s1, s30  }
0xbe: {  	s0 =	sor.u32 s3, s0;
	s1 =	sshll.u32 s1, $0x11  }
0xbf: {  	s0 =	sor.u32 s1, s0  }
0xc0: {  	s0 =	sadd.s32 $0x8F2B, s0  }
0xc1: {  	[sflag:s0] =	ssyncadd.remote.s32 $0x1  }
0xc2: {  	_ =	sfence.sel $0xFFFF  }
0xc3: {  	[dreg:$0x0] =	wrdreg $0xFFFFFFFF;
	(pc) =	sbr.abs _section_cstart, $3  }
0xc4: {  	[dreg:$0x1] =	wrdreg $0xFFFFFFFF  }
0xc5: {  	_ =	task.clear_ibuf [dreg:s9], $0x2FFFF;
	_ =	strace $0x9FFFFFFF  }
0xc6: {  	(tm) =	ssettm $0x7FFFFFFF  }
0xc7: {  	_ =	shalt  }
tec
execute0_lowered:
.L_overlay_start_1:
0x0: {  	(tag) =	ssettag $0x1  }
0x1: {  	s1 =	rddreg [dreg:$0x0]  }
0x2: {  	s0 =	rddreg [dreg:$0x3]  }
0x3: {  	s5 =	simm.s32 $0x0;
	s2 =	srdreg.scid;
	s4 =	stileid.u32  }
0x4: {  	s10 =	simm.s32 $0x2;
	s11 =	simm.s32 $0x800;
	s12 =	simm.s32 $0x80  }
0x5: {  	s13 =	simm.s32 $0x1000;
	s14 =	simm.s32 $0x5000;
	s18 =	simm.s32 $0xE00  }
0x6: {  	s19 =	simm.s32 $0x8000;
	s20 =	simm.s32 $0x680;
	s21 =	simm.s32 $0x4400  }
0x7: {  	s22 =	simm.s32 $0xE80;
	s23 =	simm.s32 $0x8400;
	s24 =	simm.s32 $0x700  }
0x8: {  	s25 =	simm.s32 $0x4800;
	s28 =	simm.s32 $0x8800;
	s29 =	simm.s32 $0x780  }
0x9: {  	s30 =	simm.s32 $0x4C00;
	s31 =	simm.s32 $0xF80;
	s9 =	simm.s32 $0x9000  }
0xa: {  	[smem:$0x7FF] =	sst s5;
	s2 =	sand.u32 $0x1, s2;
	s4 =	sshll.u32 s4, $0x1  }
0xb: {  	s6 =	sadd.s32 $0x800, s0;
	_ =	strace $0x80000047;
	s3 =	ssub.s32 $0x2, s2  }
0xc: {  	s2 =	sor.u32 s2, s4;
	s4 =	simm.s32 $0x1;
	s26 =	sshrl.u32 s3, $0x1  }
0xd: {  	s7 =	sshll.u32 s2, $0xB;
	s2 =	ssub.s32 $0xC54, s2;
	s0 =	ssub.s32 s3, s26  }
0xe: {  	v0 =	vlaneseq.u32;
	s8 =	sshrl.u32 s2, $0x5;
	s26 =	simm.s32 $0xF00;
	s0 =	smax.u32 s0, $0x1  }
0xf: {  	v0 =	vmul.u32 $0x8, v0;
	s3 =	simm.s32 $0x0;
	[dreg:$0x5] =	wrdreg s0;
	s0 =	simm.s32 $0x8C00  }
.LBB2_1:
0x10: {  	[dreg:$0x6] =	wrdreg s3;
	s2 =	simm.s32 $0x0  }
.LBB2_2:
0x11: {  	s3 =	sshll.u32 s2, $0x10  }
0x12: {  	s3 =	sor.u32 s7, s3  }
0x13: {  	s16 =	rddreg [dreg:$0x1];
	s15 =	sshrl.u32 s3, $0x3  }
0x14: {  	s16 =	sadd.s32 s16, s15  }
0x15: {  	[tilespmem:s5], [sflag:$0x2] =	stream.linear.gather [hbm4b:s16+s5], $0x800, $0x38;
	[tilespmem:$0xD000] =	vst v63  }
0x16: {  	_ =	swait.ge [sflag:s10], $0x800  }
0x17: {  	[sflag:s10] =	ssyncset.done $0x0  }
0x18: {  	[sflag:s10] =	ssyncadd.s32 $0xFFFFF800  }
0x19: {  	s17 =	rddreg [dreg:$0x2]  }
0x1a: {  	s15 =	sadd.s32 s17, s15  }
0x1b: {  	[tilespmem:s11], [sflag:$0x2] =	stream.linear.gather [hbm4b:s15+s5], $0x800, $0x38;
	[tilespmem:$0xD000] =	vst v63  }
0x1c: {  	_ =	swait.ge [sflag:s10], $0x800  }
0x1d: {  	[sflag:s10] =	ssyncset.done $0x0  }
0x1e: {  	[sflag:s10] =	ssyncadd.s32 $0xFFFFF800  }
0x1f: {  	[tilespmem:s13], [sflag:$0x1] =	stream.indirect.gather [hbm4b:s1+s12], $0x3, s5, s12, $0xb8;
	[tilespmem:$0xD000] =	vst v63  }
0x20: {  	_ = 	snop  }
0x21: {  	[tilespmem:s14], [sflag:$0x1] =	stream.indirect.gather [hbm4b:s1+s12], $0x3, s11, s12, $0xb8;
	[tilespmem:$0xD000] =	vst v63  }
0x22: {  	s17 =	simm.s32 $0x1400  }
0x23: {  	[tilespmem:s17], [sflag:$0x1] =	stream.indirect.gather [hbm4b:s1+s12], $0x3, s12, s12, $0xb8;
	[tilespmem:$0xD000] =	vst v63  }
0x24: {  	s16 =	simm.s32 $0x880;
	s17 =	simm.s32 $0x5400  }
0x25: {  	[tilespmem:s17], [sflag:$0x1] =	stream.indirect.gather [hbm4b:s1+s12], $0x3, s16, s12, $0xb8;
	[tilespmem:$0xD000] =	vst v63  }
0x26: {  	s16 =	simm.s32 $0x100;
	s17 =	simm.s32 $0x1800  }
0x27: {  	[tilespmem:s17], [sflag:$0x1] =	stream.indirect.gather [hbm4b:s1+s12], $0x3, s16, s12, $0xb8;
	[tilespmem:$0xD000] =	vst v63  }
0x28: {  	s16 =	simm.s32 $0x900;
	s17 =	simm.s32 $0x5800  }
0x29: {  	[tilespmem:s17], [sflag:$0x1] =	stream.indirect.gather [hbm4b:s1+s12], $0x3, s16, s12, $0xb8;
	[tilespmem:$0xD000] =	vst v63  }
0x2a: {  	s16 =	simm.s32 $0x180;
	s17 =	simm.s32 $0x1C00  }
0x2b: {  	[tilespmem:s17], [sflag:$0x1] =	stream.indirect.gather [hbm4b:s1+s12], $0x3, s16, s12, $0xb8;
	[tilespmem:$0xD000] =	vst v63  }
0x2c: {  	s16 =	simm.s32 $0x980;
	s17 =	simm.s32 $0x5C00  }
0x2d: {  	[tilespmem:s17], [sflag:$0x1] =	stream.indirect.gather [hbm4b:s1+s12], $0x3, s16, s12, $0xb8;
	[tilespmem:$0xD000] =	vst v63  }
0x2e: {  	s16 =	simm.s32 $0x200;
	s17 =	simm.s32 $0x2000  }
0x2f: {  	[tilespmem:s17], [sflag:$0x1] =	stream.indirect.gather [hbm4b:s1+s12], $0x3, s16, s12, $0xb8;
	[tilespmem:$0xD000] =	vst v63  }
0x30: {  	s16 =	simm.s32 $0xA00;
	s17 =	simm.s32 $0x6000  }
0x31: {  	[tilespmem:s17], [sflag:$0x1] =	stream.indirect.gather [hbm4b:s1+s12], $0x3, s16, s12, $0xb8;
	[tilespmem:$0xD000] =	vst v63  }
0x32: {  	s16 =	simm.s32 $0x280;
	s17 =	simm.s32 $0x2400  }
0x33: {  	[tilespmem:s17], [sflag:$0x1] =	stream.indirect.gather [hbm4b:s1+s12], $0x3, s16, s12, $0xb8;
	[tilespmem:$0xD000] =	vst v63  }
0x34: {  	s16 =	simm.s32 $0xA80;
	s17 =	simm.s32 $0x6400  }
0x35: {  	[tilespmem:s17], [sflag:$0x1] =	stream.indirect.gather [hbm4b:s1+s12], $0x3, s16, s12, $0xb8;
	[tilespmem:$0xD000] =	vst v63  }
0x36: {  	s16 =	simm.s32 $0x300;
	s17 =	simm.s32 $0x2800  }
0x37: {  	[tilespmem:s17], [sflag:$0x1] =	stream.indirect.gather [hbm4b:s1+s12], $0x3, s16, s12, $0xb8;
	[tilespmem:$0xD000] =	vst v63  }
0x38: {  	s16 =	simm.s32 $0xB00;
	s17 =	simm.s32 $0x6800  }
0x39: {  	[tilespmem:s17], [sflag:$0x1] =	stream.indirect.gather [hbm4b:s1+s12], $0x3, s16, s12, $0xb8;
	[tilespmem:$0xD000] =	vst v63  }
0x3a: {  	s16 =	simm.s32 $0x380;
	s17 =	simm.s32 $0x2C00  }
0x3b: {  	[tilespmem:s17], [sflag:$0x1] =	stream.indirect.gather [hbm4b:s1+s12], $0x3, s16, s12, $0xb8;
	[tilespmem:$0xD000] =	vst v63  }
0x3c: {  	s16 =	simm.s32 $0xB80;
	s17 =	simm.s32 $0x6C00  }
0x3d: {  	[tilespmem:s17], [sflag:$0x1] =	stream.indirect.gather [hbm4b:s1+s12], $0x3, s16, s12, $0xb8;
	[tilespmem:$0xD000] =	vst v63  }
0x3e: {  	s16 =	simm.s32 $0x400;
	s17 =	simm.s32 $0x3000  }
0x3f: {  	[tilespmem:s17], [sflag:$0x1] =	stream.indirect.gather [hbm4b:s1+s12], $0x3, s16, s12, $0xb8;
	[tilespmem:$0xD000] =	vst v63  }
0x40: {  	s16 =	simm.s32 $0xC00;
	s17 =	simm.s32 $0x7000  }
0x41: {  	[tilespmem:s17], [sflag:$0x1] =	stream.indirect.gather [hbm4b:s1+s12], $0x3, s16, s12, $0xb8;
	[tilespmem:$0xD000] =	vst v63  }
0x42: {  	s16 =	simm.s32 $0x480;
	s17 =	simm.s32 $0x3400  }
0x43: {  	[tilespmem:s17], [sflag:$0x1] =	stream.indirect.gather [hbm4b:s1+s12], $0x3, s16, s12, $0xb8;
	[tilespmem:$0xD000] =	vst v63  }
0x44: {  	s16 =	simm.s32 $0xC80;
	s17 =	simm.s32 $0x7400  }
0x45: {  	[tilespmem:s17], [sflag:$0x1] =	stream.indirect.gather [hbm4b:s1+s12], $0x3, s16, s12, $0xb8;
	[tilespmem:$0xD000] =	vst v63  }
0x46: {  	s16 =	simm.s32 $0x500;
	s17 =	simm.s32 $0x3800  }
0x47: {  	[tilespmem:s17], [sflag:$0x1] =	stream.indirect.gather [hbm4b:s1+s12], $0x3, s16, s12, $0xb8;
	[tilespmem:$0xD000] =	vst v63  }
0x48: {  	s16 =	simm.s32 $0xD00;
	s17 =	simm.s32 $0x7800  }
0x49: {  	[tilespmem:s17], [sflag:$0x1] =	stream.indirect.gather [hbm4b:s1+s12], $0x3, s16, s12, $0xb8;
	[tilespmem:$0xD000] =	vst v63  }
0x4a: {  	s16 =	simm.s32 $0x580;
	s17 =	simm.s32 $0x3C00  }
0x4b: {  	[tilespmem:s17], [sflag:$0x1] =	stream.indirect.gather [hbm4b:s1+s12], $0x3, s16, s12, $0xb8;
	[tilespmem:$0xD000] =	vst v63  }
0x4c: {  	s16 =	simm.s32 $0xD80;
	s17 =	simm.s32 $0x7C00  }
0x4d: {  	[tilespmem:s17], [sflag:$0x1] =	stream.indirect.gather [hbm4b:s1+s12], $0x3, s16, s12, $0xb8;
	[tilespmem:$0xD000] =	vst v63  }
0x4e: {  	s16 =	simm.s32 $0x600;
	s17 =	simm.s32 $0x4000  }
0x4f: {  	[tilespmem:s17], [sflag:$0x1] =	stream.indirect.gather [hbm4b:s1+s12], $0x3, s16, s12, $0xb8;
	[tilespmem:$0xD000] =	vst v63  }
0x50: {  	_ = 	snop  }
0x51: {  	[tilespmem:s19], [sflag:$0x1] =	stream.indirect.gather [hbm4b:s1+s12], $0x3, s18, s12, $0xb8;
	[tilespmem:$0xD000] =	vst v63  }
0x52: {  	_ = 	snop  }
0x53: {  	[tilespmem:s21], [sflag:$0x1] =	stream.indirect.gather [hbm4b:s1+s12], $0x3, s20, s12, $0xb8;
	[tilespmem:$0xD000] =	vst v63  }
0x54: {  	_ = 	snop  }
0x55: {  	[tilespmem:s23], [sflag:$0x1] =	stream.indirect.gather [hbm4b:s1+s12], $0x3, s22, s12, $0xb8;
	[tilespmem:$0xD000] =	vst v63  }
0x56: {  	_ = 	snop  }
0x57: {  	[tilespmem:s25], [sflag:$0x1] =	stream.indirect.gather [hbm4b:s1+s12], $0x3, s24, s12, $0xb8;
	[tilespmem:$0xD000] =	vst v63  }
0x58: {  	_ = 	snop  }
0x59: {  	[tilespmem:s28], [sflag:$0x1] =	stream.indirect.gather [hbm4b:s1+s12], $0x3, s26, s12, $0xb8;
	[tilespmem:$0xD000] =	vst v63  }
0x5a: {  	_ = 	snop  }
0x5b: {  	[tilespmem:s30], [sflag:$0x1] =	stream.indirect.gather [hbm4b:s1+s12], $0x3, s29, s12, $0xb8;
	[tilespmem:$0xD000] =	vst v63  }
0x5c: {  	_ = 	snop  }
0x5d: {  	[tilespmem:s0], [sflag:$0x1] =	stream.indirect.gather [hbm4b:s1+s12], $0x3, s31, s12, $0xb8;
	[tilespmem:$0xD000] =	vst v63  }
0x5e: {  	_ =	swait.ge [sflag:s4], $0x180  }
0x5f: {  	[sflag:s4] =	ssyncset.done $0x0  }
0x60: {  	[sflag:s4] =	ssyncadd.s32 $0xFFFFFE80  }
0x61: {  	_ =	swait.ge [sflag:s4], $0x180  }
0x62: {  	[sflag:s4] =	ssyncset.done $0x0  }
0x63: {  	[sflag:s4] =	ssyncadd.s32 $0xFFFFFE80  }
0x64: {  	_ =	swait.ge [sflag:s4], $0x180  }
0x65: {  	[sflag:s4] =	ssyncset.done $0x0  }
0x66: {  	[sflag:s4] =	ssyncadd.s32 $0xFFFFFE80  }
0x67: {  	_ =	swait.ge [sflag:s4], $0x180  }
0x68: {  	[sflag:s4] =	ssyncset.done $0x0  }
0x69: {  	[sflag:s4] =	ssyncadd.s32 $0xFFFFFE80  }
0x6a: {  	_ =	swait.ge [sflag:s4], $0x180  }
0x6b: {  	[sflag:s4] =	ssyncset.done $0x0  }
0x6c: {  	[sflag:s4] =	ssyncadd.s32 $0xFFFFFE80  }
0x6d: {  	_ =	swait.ge [sflag:s4], $0x180  }
0x6e: {  	[sflag:s4] =	ssyncset.done $0x0  }
0x6f: {  	[sflag:s4] =	ssyncadd.s32 $0xFFFFFE80  }
0x70: {  	_ =	swait.ge [sflag:s4], $0x180  }
0x71: {  	[sflag:s4] =	ssyncset.done $0x0  }
0x72: {  	[sflag:s4] =	ssyncadd.s32 $0xFFFFFE80  }
0x73: {  	_ =	swait.ge [sflag:s4], $0x180  }
0x74: {  	[sflag:s4] =	ssyncset.done $0x0  }
0x75: {  	[sflag:s4] =	ssyncadd.s32 $0xFFFFFE80  }
0x76: {  	_ =	swait.ge [sflag:s4], $0x180  }
0x77: {  	[sflag:s4] =	ssyncset.done $0x0  }
0x78: {  	[sflag:s4] =	ssyncadd.s32 $0xFFFFFE80  }
0x79: {  	_ =	swait.ge [sflag:s4], $0x180  }
0x7a: {  	[sflag:s4] =	ssyncset.done $0x0  }
0x7b: {  	[sflag:s4] =	ssyncadd.s32 $0xFFFFFE80  }
0x7c: {  	_ =	swait.ge [sflag:s4], $0x180  }
0x7d: {  	[sflag:s4] =	ssyncset.done $0x0  }
0x7e: {  	[sflag:s4] =	ssyncadd.s32 $0xFFFFFE80  }
0x7f: {  	_ =	swait.ge [sflag:s4], $0x180  }
0x80: {  	[sflag:s4] =	ssyncset.done $0x0  }
0x81: {  	[sflag:s4] =	ssyncadd.s32 $0xFFFFFE80  }
0x82: {  	_ =	swait.ge [sflag:s4], $0x180  }
0x83: {  	[sflag:s4] =	ssyncset.done $0x0  }
0x84: {  	[sflag:s4] =	ssyncadd.s32 $0xFFFFFE80  }
0x85: {  	_ =	swait.ge [sflag:s4], $0x180  }
0x86: {  	[sflag:s4] =	ssyncset.done $0x0  }
0x87: {  	[sflag:s4] =	ssyncadd.s32 $0xFFFFFE80  }
0x88: {  	_ =	swait.ge [sflag:s4], $0x180  }
0x89: {  	[sflag:s4] =	ssyncset.done $0x0  }
0x8a: {  	[sflag:s4] =	ssyncadd.s32 $0xFFFFFE80  }
0x8b: {  	_ =	swait.ge [sflag:s4], $0x180  }
0x8c: {  	[sflag:s4] =	ssyncset.done $0x0  }
0x8d: {  	[sflag:s4] =	ssyncadd.s32 $0xFFFFFE80  }
0x8e: {  	_ =	swait.ge [sflag:s4], $0x180  }
0x8f: {  	[sflag:s4] =	ssyncset.done $0x0  }
0x90: {  	[sflag:s4] =	ssyncadd.s32 $0xFFFFFE80  }
0x91: {  	_ =	swait.ge [sflag:s4], $0x180  }
0x92: {  	[sflag:s4] =	ssyncset.done $0x0  }
0x93: {  	[sflag:s4] =	ssyncadd.s32 $0xFFFFFE80  }
0x94: {  	_ =	swait.ge [sflag:s4], $0x180  }
0x95: {  	[sflag:s4] =	ssyncset.done $0x0  }
0x96: {  	[sflag:s4] =	ssyncadd.s32 $0xFFFFFE80  }
0x97: {  	_ =	swait.ge [sflag:s4], $0x180  }
0x98: {  	[sflag:s4] =	ssyncset.done $0x0  }
0x99: {  	[sflag:s4] =	ssyncadd.s32 $0xFFFFFE80  }
0x9a: {  	_ =	swait.ge [sflag:s4], $0x180  }
0x9b: {  	[sflag:s4] =	ssyncset.done $0x0  }
0x9c: {  	[sflag:s4] =	ssyncadd.s32 $0xFFFFFE80  }
0x9d: {  	_ =	swait.ge [sflag:s4], $0x180  }
0x9e: {  	[sflag:s4] =	ssyncset.done $0x0  }
0x9f: {  	[sflag:s4] =	ssyncadd.s32 $0xFFFFFE80  }
0xa0: {  	_ =	swait.ge [sflag:s4], $0x180  }
0xa1: {  	[sflag:s4] =	ssyncset.done $0x0  }
0xa2: {  	[sflag:s4] =	ssyncadd.s32 $0xFFFFFE80  }
0xa3: {  	_ =	swait.ge [sflag:s4], $0x180  }
0xa4: {  	[sflag:s4] =	ssyncset.done $0x0  }
0xa5: {  	[sflag:s4] =	ssyncadd.s32 $0xFFFFFE80  }
0xa6: {  	_ =	swait.ge [sflag:s4], $0x180  }
0xa7: {  	[sflag:s4] =	ssyncset.done $0x0  }
0xa8: {  	[sflag:s4] =	ssyncadd.s32 $0xFFFFFE80  }
0xa9: {  	_ =	swait.ge [sflag:s4], $0x180  }
0xaa: {  	[sflag:s4] =	ssyncset.done $0x0  }
0xab: {  	[sflag:s4] =	ssyncadd.s32 $0xFFFFFE80  }
0xac: {  	_ =	swait.ge [sflag:s4], $0x180  }
0xad: {  	[sflag:s4] =	ssyncset.done $0x0  }
0xae: {  	[sflag:s4] =	ssyncadd.s32 $0xFFFFFE80  }
0xaf: {  	_ =	swait.ge [sflag:s4], $0x180  }
0xb0: {  	[sflag:s4] =	ssyncset.done $0x0  }
0xb1: {  	[sflag:s4] =	ssyncadd.s32 $0xFFFFFE80  }
0xb2: {  	_ =	swait.ge [sflag:s4], $0x180  }
0xb3: {  	[sflag:s4] =	ssyncset.done $0x0  }
0xb4: {  	[sflag:s4] =	ssyncadd.s32 $0xFFFFFE80  }
0xb5: {  	_ =	swait.ge [sflag:s4], $0x180  }
0xb6: {  	s17 =	simm.s32 $0x0;
	[sflag:s4] =	ssyncset.done $0x0  }
0xb7: {  	v1 =	vmov s17;
	[sflag:s4] =	ssyncadd.s32 $0xFFFFFE80  }
0xb8: {  	v1 =	vshll.u32 v1, $0x3;
	_ =	swait.ge [sflag:s4], $0x180  }
0xb9: {  	v2 =	vor.u32 v0, v1;
	[sflag:s4] =	ssyncset.done $0x0  }
0xba: {  	[sflag:s4] =	ssyncadd.s32 $0xFFFFFE80  }
0xbb: {  	v3 =	vor.u32 $0x1, v2;
	_ =	swait.ge [sflag:s4], $0x180  }
0xbc: {  	[sflag:s4] =	ssyncset.done $0x0  }
0xbd: {  	v4 =	vor.u32 $0x2, v2;
	[sflag:s4] =	ssyncadd.s32 $0xFFFFFE80  }
0xbe: {  	v1 =	vld.idx.msk [tilespmem:v2+s13+$0x0], $0xffff  }
0xbf: {  	v5 =	vld.idx.msk [tilespmem:v2+s14+$0x0], $0xffff  }
0xc0: {  	v6 =	vld.idx.msk [tilespmem:v3+s13+$0x0], $0xffff  }
0xc1: {  	v7 =	vld.idx.msk [tilespmem:v3+s14+$0x0], $0xffff  }
0xc2: {  	v8 =	vld.idx.msk [tilespmem:v4+s13+$0x0], $0xffff  }
0xc3: {  	v9 =	vld.idx.msk [tilespmem:v4+s14+$0x0], $0xffff;
	_ =	sdelay $0x2  }
0xc4: {  	v5 =	vsub.f32 v5, v1;
	v6 =	vsub.f32 v7, v6;
	_ =	sdelay $0x1  }
0xc5: {  	v7 =	vsub.f32 v9, v8;
	v1 =	vmul.f32 v5, v5;
	v55 =	vmul.f32 v6, v6;
	_ =	sdelay $0x1  }
0xc6: {  	v56 =	vmul.f32 v7, v7;
	v1 =	vadd.f32 v55, v1;
	_ =	sdelay $0x1  }
0xc7: {  	v1 =	vadd.f32 v56, v1;
	_ =	sdelay $0x1  }
0xc8: {  	v8 =	vadd.f32 $9.999999960e-13, v1;
	_ =	sdelay $0x1  }
0xc9: {  	v1 =	vshrl.u32 v8, $0x1;
	v57 =	vmul.f32 $5.000000000e-01, v8  }
0xca: {  	v1 =	vsub.s32 $0x5F3759DF, v1  }
0xcb: {  	v10 =	vmul.f32 v1, v57;
	_ =	sdelay $0x1  }
0xcc: {  	v10 =	vmul.f32 v1, v10;
	_ =	sdelay $0x1  }
0xcd: {  	v10 =	vsub.f32 $1.500000000e+00, v10;
	_ =	sdelay $0x1  }
0xce: {  	v1 =	vmul.f32 v1, v10;
	_ =	sdelay $0x1  }
0xcf: {  	v10 =	vmul.f32 v1, v57;
	_ =	sdelay $0x1  }
0xd0: {  	v10 =	vmul.f32 v10, v1;
	_ =	sdelay $0x1  }
0xd1: {  	v10 =	vsub.f32 $1.500000000e+00, v10;
	_ =	sdelay $0x1  }
0xd2: {  	v1 =	vmul.f32 v10, v1;
	_ =	sdelay $0x1  }
0xd3: {  	v9 =	vmul.f32 v1, v57;
	_ =	sdelay $0x1  }
0xd4: {  	v9 =	vmul.f32 v9, v1  }
0xd5: {  	s16 =	simm.s32 $0x10  }
0xd6: {  	v58 =	vmov s16;
	v9 =	vsub.f32 $1.500000000e+00, v9  }
0xd7: {  	v11 =	vor.u32 $0x3, v2;
	v10 =	vshll.u32 v58, $0x3  }
0xd8: {  	v9 =	vmul.f32 v9, v1;
	v1 =	vor.u32 v0, v10  }
0xd9: {  	[tilespmem:v2+s9+$0x0] =	vst.idx.msk $0xffff, v5  }
0xda: {  	[tilespmem:v3+s9+$0x0] =	vst.idx.msk $0xffff, v6;
	v5 =	vor.u32 $0x1, v1;
	v2 =	vmul.f32 v9, v8  }
0xdb: {  	[tilespmem:v4+s9+$0x0] =	vst.idx.msk $0xffff, v7  }
0xdc: {  	v4 =	vor.u32 $0x2, v1;
	[tilespmem:v11+s9+$0x0] =	vst.idx.msk $0xffff, v2  }
0xdd: {  	v2 =	vld.idx.msk [tilespmem:v1+s13+$0x0], $0xffff  }
0xde: {  	v3 =	vld.idx.msk [tilespmem:v1+s14+$0x0], $0xffff  }
0xdf: {  	v6 =	vld.idx.msk [tilespmem:v5+s14+$0x0], $0xffff  }
0xe0: {  	v7 =	vld.idx.msk [tilespmem:v5+s13+$0x0], $0xffff  }
0xe1: {  	v59 =	vld.idx.msk [tilespmem:v4+s14+$0x0], $0xffff  }
0xe2: {  	v60 =	vld.idx.msk [tilespmem:v4+s13+$0x0], $0xffff;
	_ =	sdelay $0x2  }
0xe3: {  	v61 =	vsub.f32 v3, v2;
	v6 =	vsub.f32 v6, v7;
	_ =	sdelay $0x1  }
0xe4: {  	v7 =	vsub.f32 v59, v60;
	v2 =	vmul.f32 v61, v61;
	v3 =	vmul.f32 v6, v6;
	_ =	sdelay $0x1  }
0xe5: {  	v2 =	vadd.f32 v3, v2;
	v3 =	vmul.f32 v7, v7;
	_ =	sdelay $0x1  }
0xe6: {  	v2 =	vadd.f32 v3, v2;
	_ =	sdelay $0x1  }
0xe7: {  	v2 =	vadd.f32 $9.999999960e-13, v2;
	_ =	sdelay $0x1  }
0xe8: {  	v3 =	vshrl.u32 v2, $0x1;
	v62 =	vmul.f32 $5.000000000e-01, v2  }
0xe9: {  	v3 =	vsub.s32 $0x5F3759DF, v3  }
0xea: {  	v63 =	vmul.f32 v3, v62;
	_ =	sdelay $0x1  }
0xeb: {  	v9 =	vmul.f32 v3, v63;
	_ =	sdelay $0x1  }
0xec: {  	v9 =	vsub.f32 $1.500000000e+00, v9;
	_ =	sdelay $0x1  }
0xed: {  	v3 =	vmul.f32 v3, v9;
	_ =	sdelay $0x1  }
0xee: {  	v9 =	vmul.f32 v3, v62;
	_ =	sdelay $0x1  }
0xef: {  	v9 =	vmul.f32 v9, v3;
	_ =	sdelay $0x1  }
0xf0: {  	v9 =	vsub.f32 $1.500000000e+00, v9;
	_ =	sdelay $0x1  }
0xf1: {  	v3 =	vmul.f32 v9, v3;
	_ =	sdelay $0x1  }
0xf2: {  	v8 =	vmul.f32 v3, v62  }
0xf3: {  	[tilespmem:v1+s9+$0x0] =	vst.idx.msk $0xffff, v61  }
0xf4: {  	s17 =	simm.s32 $0x20;
	[tilespmem:v5+s9+$0x0] =	vst.idx.msk $0xffff, v6;
	v5 =	vmul.f32 v8, v3  }
0xf5: {  	s15 =	simm.s32 $0x30;
	s16 =	simm.s32 $0x2;
	[tilespmem:v4+s9+$0x0] =	vst.idx.msk $0xffff, v7;
	v4 =	vmov s17  }
.LBB2_3:
0xf6: {  	s16 =	sadd.s32 $0x2, s16;
	v4 =	vshll.u32 v4, $0x3;
	v5 =	vsub.f32 $1.500000000e+00, v5  }
0xf7: {  	v1 =	vor.u32 $0x3, v1;
	p0 =	slt.u32 s16, $0x7E;
	v4 =	vor.u32 v0, v4  }
0xf8: {  	v6 =	vor.u32 $0x1, v4;
	v7 =	vor.u32 $0x2, v4;
	v3 =	vmul.f32 v5, v3;
	_ =	sdelay $0x1  }
0xf9: {  	v2 =	vmul.f32 v3, v2;
	_ =	sdelay $0x1  }
0xfa: {  	[tilespmem:v1+s9+$0x0] =	vst.idx.msk $0xffff, v2  }
0xfb: {  	v1 =	vld.idx.msk [tilespmem:v4+s13+$0x0], $0xffff  }
0xfc: {  	v2 =	vld.idx.msk [tilespmem:v4+s14+$0x0], $0xffff  }
0xfd: {  	v3 =	vld.idx.msk [tilespmem:v6+s13+$0x0], $0xffff  }
0xfe: {  	v5 =	vld.idx.msk [tilespmem:v6+s14+$0x0], $0xffff  }
0xff: {  	v8 =	vld.idx.msk [tilespmem:v7+s13+$0x0], $0xffff  }
0x100: {  	v9 =	vld.idx.msk [tilespmem:v7+s14+$0x0], $0xffff;
	_ =	sdelay $0x1  }
0x101: {  	v2 =	vsub.f32 v2, v1;
	_ =	sdelay $0x1  }
0x102: {  	v3 =	vsub.f32 v5, v3;
	_ =	sdelay $0x1  }
0x103: {  	v1 =	vmul.f32 v2, v2;
	v5 =	vsub.f32 v9, v8;
	v8 =	vmul.f32 v3, v3;
	_ =	sdelay $0x1  }
0x104: {  	v1 =	vadd.f32 v8, v1;
	v8 =	vmul.f32 v5, v5;
	_ =	sdelay $0x1  }
0x105: {  	v1 =	vadd.f32 v8, v1;
	_ =	sdelay $0x1  }
0x106: {  	v8 =	vadd.f32 $9.999999960e-13, v1;
	_ =	sdelay $0x1  }
0x107: {  	v1 =	vshrl.u32 v8, $0x1;
	v9 =	vmul.f32 $5.000000000e-01, v8  }
0x108: {  	v1 =	vsub.s32 $0x5F3759DF, v1  }
0x109: {  	v10 =	vmul.f32 v1, v9;
	_ =	sdelay $0x1  }
0x10a: {  	v10 =	vmul.f32 v1, v10;
	_ =	sdelay $0x1  }
0x10b: {  	v10 =	vsub.f32 $1.500000000e+00, v10;
	_ =	sdelay $0x1  }
0x10c: {  	v1 =	vmul.f32 v1, v10;
	_ =	sdelay $0x1  }
0x10d: {  	v10 =	vmul.f32 v1, v9;
	_ =	sdelay $0x1  }
0x10e: {  	v10 =	vmul.f32 v10, v1;
	_ =	sdelay $0x1  }
0x10f: {  	v10 =	vsub.f32 $1.500000000e+00, v10;
	_ =	sdelay $0x1  }
0x110: {  	v1 =	vmul.f32 v10, v1;
	_ =	sdelay $0x1  }
0x111: {  	v9 =	vmul.f32 v1, v9;
	_ =	sdelay $0x1  }
0x112: {  	v9 =	vmul.f32 v9, v1;
	_ =	sdelay $0x1  }
0x113: {  	v10 =	vmov s15;
	v9 =	vsub.f32 $1.500000000e+00, v9  }
0x114: {  	v11 =	vor.u32 $0x3, v4;
	v10 =	vshll.u32 v10, $0x3  }
0x115: {  	v9 =	vmul.f32 v9, v1;
	v1 =	vor.u32 v0, v10  }
0x116: {  	[tilespmem:v4+s9+$0x0] =	vst.idx.msk $0xffff, v2  }
0x117: {  	v2 =	vmul.f32 v9, v8;
	[tilespmem:v6+s9+$0x0] =	vst.idx.msk $0xffff, v3;
	v3 =	vor.u32 $0x1, v1  }
0x118: {  	[tilespmem:v7+s9+$0x0] =	vst.idx.msk $0xffff, v5  }
0x119: {  	[tilespmem:v11+s9+$0x0] =	vst.idx.msk $0xffff, v2;
	v2 =	vor.u32 $0x2, v1  }
0x11a: {  	v4 =	vld.idx.msk [tilespmem:v1+s13+$0x0], $0xffff  }
0x11b: {  	v5 =	vld.idx.msk [tilespmem:v1+s14+$0x0], $0xffff  }
0x11c: {  	v6 =	vld.idx.msk [tilespmem:v3+s14+$0x0], $0xffff  }
0x11d: {  	v7 =	vld.idx.msk [tilespmem:v3+s13+$0x0], $0xffff  }
0x11e: {  	v8 =	vld.idx.msk [tilespmem:v2+s14+$0x0], $0xffff  }
0x11f: {  	v9 =	vld.idx.msk [tilespmem:v2+s13+$0x0], $0xffff;
	_ =	sdelay $0x1  }
0x120: {  	v4 =	vsub.f32 v5, v4;
	_ =	sdelay $0x1  }
0x121: {  	v5 =	vsub.f32 v6, v7;
	[tilespmem:v1+s9+$0x0] =	vst.idx.msk $0xffff, v4;
	_ =	sdelay $0x1  }
0x122: {  	v4 =	vmul.f32 v4, v4;
	v6 =	vsub.f32 v8, v9;
	v7 =	vmul.f32 v5, v5  }
0x123: {  	[tilespmem:v3+s9+$0x0] =	vst.idx.msk $0xffff, v5  }
0x124: {  	v3 =	vadd.f32 v7, v4;
	v4 =	vmul.f32 v6, v6;
	[tilespmem:v2+s9+$0x0] =	vst.idx.msk $0xffff, v6;
	_ =	sdelay $0x1  }
0x125: {  	v2 =	vadd.f32 v4, v3;
	_ =	sdelay $0x1  }
0x126: {  	v2 =	vadd.f32 $9.999999960e-13, v2;
	_ =	sdelay $0x1  }
0x127: {  	v3 =	vshrl.u32 v2, $0x1;
	v4 =	vmul.f32 $5.000000000e-01, v2  }
0x128: {  	v3 =	vsub.s32 $0x5F3759DF, v3  }
0x129: {  	v5 =	vmul.f32 v3, v4;
	_ =	sdelay $0x1  }
0x12a: {  	v5 =	vmul.f32 v3, v5;
	_ =	sdelay $0x1  }
0x12b: {  	v5 =	vsub.f32 $1.500000000e+00, v5;
	_ =	sdelay $0x1  }
0x12c: {  	v3 =	vmul.f32 v3, v5;
	_ =	sdelay $0x1  }
0x12d: {  	v5 =	vmul.f32 v3, v4;
	_ =	sdelay $0x1  }
0x12e: {  	v5 =	vmul.f32 v5, v3;
	_ =	sdelay $0x1  }
0x12f: {  	v5 =	vsub.f32 $1.500000000e+00, v5;
	_ =	sdelay $0x1  }
0x130: {  	v3 =	vmul.f32 v5, v3  }
.Ltmp0:
0x131: {  	(pc) =	sbr.rel @p0 .LBB2_3-.Ltmp0, $4  }
0x132: {  	v4 =	vmul.f32 v3, v4  }
0x133: {  	s15 =	sadd.s32 $0x20, s15  }
0x134: {  	s17 =	sadd.s32 $0xFFFFFFF0, s15;
	v5 =	vmul.f32 v4, v3  }
0x135: {  	v4 =	vmov s17  }
0x136: {  	v5 =	vsub.f32 $1.500000000e+00, v5  }
0x137: {  	v4 =	vshll.u32 v4, $0x3;
	v1 =	vor.u32 $0x3, v1  }
0x138: {  	v4 =	vor.u32 v0, v4;
	v3 =	vmul.f32 v5, v3;
	_ =	sdelay $0x1  }
0x139: {  	v44 =	vor.u32 $0x1, v4;
	v2 =	vmul.f32 v3, v2;
	_ =	sdelay $0x1  }
0x13a: {  	v3 =	vor.u32 $0x2, v4;
	[tilespmem:v1+s9+$0x0] =	vst.idx.msk $0xffff, v2  }
0x13b: {  	v1 =	vld.idx.msk [tilespmem:v4+s13+$0x0], $0xffff  }
0x13c: {  	v2 =	vld.idx.msk [tilespmem:v4+s14+$0x0], $0xffff  }
0x13d: {  	v6 =	vld.idx.msk [tilespmem:v44+s13+$0x0], $0xffff  }
0x13e: {  	v7 =	vld.idx.msk [tilespmem:v44+s14+$0x0], $0xffff  }
0x13f: {  	v8 =	vld.idx.msk [tilespmem:v3+s13+$0x0], $0xffff  }
0x140: {  	v9 =	vld.idx.msk [tilespmem:v3+s14+$0x0], $0xffff;
	_ =	sdelay $0x2  }
0x141: {  	v1 =	vsub.f32 v2, v1;
	v2 =	vsub.f32 v7, v6;
	_ =	sdelay $0x1  }
0x142: {  	v45 =	vsub.f32 v9, v8;
	v46 =	vmul.f32 v1, v1;
	v47 =	vmul.f32 v2, v2;
	_ =	sdelay $0x1  }
0x143: {  	v7 =	vadd.f32 v47, v46;
	v48 =	vmul.f32 v45, v45;
	_ =	sdelay $0x1  }
0x144: {  	v7 =	vadd.f32 v48, v7;
	_ =	sdelay $0x1  }
0x145: {  	v7 =	vadd.f32 $9.999999960e-13, v7;
	_ =	sdelay $0x1  }
0x146: {  	v49 =	vshrl.u32 v7, $0x1;
	v50 =	vmul.f32 $5.000000000e-01, v7  }
0x147: {  	v8 =	vsub.s32 $0x5F3759DF, v49  }
0x148: {  	v10 =	vmul.f32 v8, v50;
	_ =	sdelay $0x1  }
0x149: {  	v10 =	vmul.f32 v8, v10;
	_ =	sdelay $0x1  }
0x14a: {  	v10 =	vsub.f32 $1.500000000e+00, v10;
	_ =	sdelay $0x1  }
0x14b: {  	v8 =	vmul.f32 v8, v10;
	_ =	sdelay $0x1  }
0x14c: {  	v10 =	vmul.f32 v8, v50;
	_ =	sdelay $0x1  }
0x14d: {  	v10 =	vmul.f32 v10, v8;
	_ =	sdelay $0x1  }
0x14e: {  	v10 =	vsub.f32 $1.500000000e+00, v10;
	_ =	sdelay $0x1  }
0x14f: {  	v8 =	vmul.f32 v10, v8;
	_ =	sdelay $0x1  }
0x150: {  	v9 =	vmul.f32 v8, v50;
	_ =	sdelay $0x1  }
0x151: {  	v9 =	vmul.f32 v9, v8;
	_ =	sdelay $0x1  }
0x152: {  	v51 =	vmov s15;
	v9 =	vsub.f32 $1.500000000e+00, v9  }
0x153: {  	v11 =	vor.u32 $0x3, v4;
	v10 =	vshll.u32 v51, $0x3  }
0x154: {  	v52 =	vor.u32 v0, v10;
	v8 =	vmul.f32 v9, v8  }
0x155: {  	[tilespmem:v4+s9+$0x0] =	vst.idx.msk $0xffff, v1  }
0x156: {  	[tilespmem:v44+s9+$0x0] =	vst.idx.msk $0xffff, v2;
	v2 =	vor.u32 $0x1, v52;
	v1 =	vmul.f32 v8, v7  }
0x157: {  	[tilespmem:v3+s9+$0x0] =	vst.idx.msk $0xffff, v45  }
0x158: {  	[tilespmem:v11+s9+$0x0] =	vst.idx.msk $0xffff, v1;
	v1 =	vor.u32 $0x2, v52  }
0x159: {  	v3 =	vld.idx.msk [tilespmem:v52+s13+$0x0], $0xffff  }
0x15a: {  	v4 =	vld.idx.msk [tilespmem:v52+s14+$0x0], $0xffff  }
0x15b: {  	v5 =	vld.idx.msk [tilespmem:v2+s14+$0x0], $0xffff  }
0x15c: {  	v6 =	vld.idx.msk [tilespmem:v2+s13+$0x0], $0xffff  }
0x15d: {  	v53 =	vld.idx.msk [tilespmem:v1+s14+$0x0], $0xffff  }
0x15e: {  	v54 =	vld.idx.msk [tilespmem:v1+s13+$0x0], $0xffff;
	_ =	sdelay $0x2  }
0x15f: {  	v3 =	vsub.f32 v4, v3;
	v55 =	vsub.f32 v5, v6;
	_ =	sdelay $0x1  }
0x160: {  	v57 =	vmul.f32 v3, v3;
	v58 =	vmul.f32 v55, v55;
	v56 =	vsub.f32 v53, v54;
	_ =	sdelay $0x1  }
0x161: {  	v6 =	vadd.f32 v58, v57;
	v59 =	vmul.f32 v56, v56;
	_ =	sdelay $0x1  }
0x162: {  	v6 =	vadd.f32 v59, v6;
	_ =	sdelay $0x1  }
0x163: {  	v6 =	vadd.f32 $9.999999960e-13, v6;
	_ =	sdelay $0x1  }
0x164: {  	v60 =	vshrl.u32 v6, $0x1;
	v61 =	vmul.f32 $5.000000000e-01, v6  }
0x165: {  	v7 =	vsub.s32 $0x5F3759DF, v60  }
0x166: {  	v62 =	vmul.f32 v7, v61;
	_ =	sdelay $0x1  }
0x167: {  	v10 =	vmul.f32 v7, v62;
	_ =	sdelay $0x1  }
0x168: {  	v10 =	vsub.f32 $1.500000000e+00, v10;
	_ =	sdelay $0x1  }
0x169: {  	v7 =	vmul.f32 v7, v10;
	_ =	sdelay $0x1  }
0x16a: {  	v10 =	vmul.f32 v7, v61;
	_ =	sdelay $0x1  }
0x16b: {  	v10 =	vmul.f32 v10, v7;
	_ =	sdelay $0x1  }
0x16c: {  	v10 =	vsub.f32 $1.500000000e+00, v10;
	_ =	sdelay $0x1  }
0x16d: {  	v7 =	vmul.f32 v10, v7;
	_ =	sdelay $0x1  }
0x16e: {  	v8 =	vmul.f32 v7, v61;
	_ =	sdelay $0x1  }
0x16f: {  	v8 =	vmul.f32 v8, v7;
	_ =	sdelay $0x1  }
0x170: {  	v8 =	vsub.f32 $1.500000000e+00, v8  }
0x171: {  	v63 =	vor.u32 $0x3, v52  }
0x172: {  	v7 =	vmul.f32 v8, v7  }
0x173: {  	[tilespmem:v52+s9+$0x0] =	vst.idx.msk $0xffff, v3  }
0x174: {  	s2 =	sadd.s32 $0x1, s2;
	[tilespmem:v2+s9+$0x0] =	vst.idx.msk $0xffff, v55;
	v2 =	vmul.f32 v7, v6  }
0x175: {  	s3 =	sand.u32 $0x1FFFF800, s3;
	p0 =	sne.s32 s2, s8;
	[tilespmem:v1+s9+$0x0] =	vst.idx.msk $0xffff, v56  }
.Ltmp1:
0x176: {  	s3 =	sadd.s32 s6, s3;
	[tilespmem:v63+s9+$0x0] =	vst.idx.msk $0xffff, v2;
	(pc) =	sbr.rel @p0 .LBB2_2-.Ltmp1, $4  }
0x177: {  	[hbm4b:s3+s5] =	stream.linear.scatter [tilespmem:s9], [sflag:$0x2], $0x4000, $0x38;
	[tilespmem:$0xD000] =	vst v63  }
0x178: {  	_ =	swait.ge [sflag:s10], $0x4000  }
0x179: {  	[sflag:s10] =	ssyncset.done $0x0  }
0x17a: {  	[sflag:s10] =	ssyncadd.s32 $0xFFFFC000  }
0x17b: {  	s3 =	rddreg [dreg:$0x6]  }
0x17c: {  	s2 =	rddreg [dreg:$0x5];
	s3 =	sadd.s32 $0x1, s3  }
0x17d: {  	p0 =	sne.s32 s3, s2  }
.Ltmp2:
0x17e: {  	_ = 	snop;
	(pc) =	sbr.rel @p0 .LBB2_1-.Ltmp2, $1  }
0x17f: {  	_ =	sdelay $0x3  }
0x180: {  	_ =	sfence.sel $0x180000  }
0x181: {  	[bflag:$0x0] =	sbarrier.arrive $0xFFFF  }
0x182: {  	_ =	strace $0x90000047  }
0x183: {  	s0 =	stileid.u32;
	[bflag:$0x2] =	sbarrier.arrive $0xFFFF  }
0x184: {  	p0 =	sne.s32 s0, $0x0;
	s0 =	rddreg [dreg:$0x4]  }
0x185: {  	s0 =	sadd.s32 @!p0 $0x100000, s0  }
0x186: {  	[sflag:s0] =	ssyncadd.tile.s32 @!p0 $0x1;
	_ =	shalt  }
.Lfunc_end2:
_tile_overlayer_lowered:
.L_overlay_start_2:
0x187: {  	(tag) =	ssettag $0x2  }
0x188: {  	s0 =	rddreg [dreg:$0x0];
	s2 =	stileid.u32  }
0x189: {  	s1 =	rddreg [dreg:$0x1];
	p0 =	sne.s32 s2, $0x0  }
0x18a: {  	s3 =	rddreg [dreg:$0x2];
	[bflag:$0x3] =	sbarrier.arrive $0xFFFF;
	s2 =	simm.s32 @!p0 $0x1C02  }
0x18b: {  	[timem:s3], [sflag:s2] =	dma.local @!p0 [hbm:s0], s1  }
0x18c: {  	s0 =	simm.s32 @!p0 $0x2  }
0x18d: {  	_ =	swait.ge @!p0 [sflag:s0], s1  }
0x18e: {  	s1 =	ssub.s32 @!p0 $0x0, s1;
	[sflag:s0] =	ssyncset.done @!p0 $0x0  }
0x18f: {  	[sflag:s0] =	ssyncadd.s32 @!p0 s1  }
0x190: {  	[bflag:$0x3] =	sbarrier.arrive $0xFFFF  }
0x191: {  	_ =	shalt  }

// kernel: sparse-core-data-format-call.cloned.1.call-start
scs
called_computation_lowered:
.L_overlay_start_0:
0x0: {  	s2 =	sld [smem:$0x3FD9]  }
0x1: {  	s3 =	sld [smem:$0x3FFE];
	_ =	sdelay $0x1  }
0x2: {  	s1 =	srdreg.scid  }
0x3: {  	s0 =	sand.u32 $0x1, s1  }
0x4: {  	s18 =	sshll.u32 s0, $0xA;
	s2 =	sadd.s32 s3, s2  }
0x5: {  	s2 =	sadd.s32 s2, s18  }
0x6: {  	[smem:$0x3FC5] =	sst s2  }
0x7: {  	_ = 	snop  }
0x8: {  	s2 =	sld [smem:$0x3FD0];
	(tm) =	ssettm $0x1  }
0x9: {  	s19 =	sld [smem:$0x3FFB];
	_ =	sdelay $0x3  }
0xa: {  	_ =	strace s19  }
0xb: {  	s3 =	sld [smem:$0x3FFC];
	_ =	sdelay $0x3  }
0xc: {  	_ =	strace s3  }
0xd: {  	s3 =	sld [smem:$0x3FFD];
	_ =	sdelay $0x3  }
0xe: {  	_ =	strace s3  }
0xf: {  	_ =	strace $0x8FFFFFFF  }
0x10: {  	s20 =	sld [smem:$0x3FDB];
	_ =	sdelay $0x1  }
0x11: {  	s4 =	simm.s32 $_scs_section_size  }
0x12: {  	s5 =	simm.s32 $_size__tile_overlayer_lowered;
	s6 =	simm.s32 $_tile_overlayer_lowered  }
0x13: {  	s23 =	simm.s32 $0x1BFF;
	s22 =	sshll.u32 s6, $0x1;
	s3 =	sadd.s32 s4, s20  }
0x14: {  	s7 =	simm.s32 $0x0;
	s21 =	sshll.u32 s5, $0x1;
	s5 =	sadd.s32 s22, s3  }
0x15: {  	[timem:s7], [sflag:s23] =	dma.local [hbm:s5], s21  }
0x16: {  	_ =	swait.ge [sflag:s23], s21  }
0x17: {  	s4 =	ssub.s32 $0x0, s21;
	[sflag:s23] =	ssyncset.done $0x0  }
0x18: {  	[sflag:s23] =	ssyncadd.s32 s4;
	_ =	sdelay $0x1  }
0x19: {  	s24 =	simm.s32 $0x1B8B  }
0x1a: {  	_ =	swait.ge [sflag:s24], $0x1  }
0x1b: {  	[sflag:s24] =	ssyncset.done $0x0  }
0x1c: {  	s26 =	simm.s32 $0x1B8E;
	s25 =	sld [smem:$0x3FFE];
	[sflag:s24] =	ssyncadd.s32 $0xFFFFFFFF  }
0x1d: {  	s27 =	simm.s32 $execute0_lowered;
	[smem:$0x3FD2] =	sst s26  }
0x1e: {  	s5 =	sshll.u32 s27, $0x1;
	_ =	strace $0x80000049;
	[dreg:$0x1] =	wrdreg $0xFFFFFFFF  }
0x1f: {  	s28 =	simm.s32 $_size_execute0_lowered;
	s3 =	sadd.s32 s3, s5;
	[dreg:$0x0] =	wrdreg $0x0  }
0x20: {  	s5 =	sshll.u32 s28, $0x1;
	[dreg:$0x2] =	wrdreg s3  }
0x21: {  	[dreg:$0x3] =	wrdreg s5  }
0x22: {  	[dreg:$0x4] =	wrdreg $0xC0  }
0x23: {  	_ =	task [dreg:s7], $0x5FFFF  }
0x24: {  	[dreg:$0x1] =	wrdreg $0xFFFFFFFF  }
0x25: {  	[dreg:$0x0] =	wrdreg $0x60  }
0x26: {  	[dreg:$0x2] =	wrdreg s25  }
0x27: {  	[dreg:$0x3] =	wrdreg s2  }
0x28: {  	[dreg:$0x4] =	wrdreg $0x9  }
0x29: {  	_ =	task.clear_ibuf [dreg:s7], $0x5FFFF;
	_ =	strace $0x90000049  }
0x2a: {  	s29 =	simm.s32 $0x9;
	_ =	strace $0x8000004B  }
0x2b: {  	_ =	swait.ge [sflag:s29], $0x1  }
0x2c: {  	[sflag:s29] =	ssyncadd.s32 $0xFFFFFFFF  }
0x2d: {  	_ =	strace $0x9000004B  }
0x2e: {  	_ =	sfence  }
0x2f: {  	s30 =	sld [smem:$0x0];
	_ =	sdelay $0x2  }
0x30: {  	s31 =	sshll.u32 s1, $0xD;
	s1 =	sshrl.u32 s1, $0x2  }
0x31: {  	s3 =	sand.u32 $0x4000, s31;
	s1 =	sadd.s32 s1, s30  }
0x32: {  	s0 =	sor.u32 s3, s0;
	s1 =	sshll.u32 s1, $0x11  }
0x33: {  	s0 =	sor.u32 s1, s0  }
0x34: {  	s0 =	sadd.s32 $0x8F2B, s0  }
0x35: {  	[sflag:s0] =	ssyncadd.remote.s32 $0x1  }
0x36: {  	_ =	sfence.sel $0xFFFF  }
0x37: {  	[dreg:$0x0] =	wrdreg $0xFFFFFFFF;
	(pc) =	sbr.abs _section_cstart, $3  }
0x38: {  	[dreg:$0x1] =	wrdreg $0xFFFFFFFF  }
0x39: {  	_ =	task.clear_ibuf [dreg:s7], $0x2FFFF;
	_ =	strace $0x9FFFFFFF  }
0x3a: {  	(tm) =	ssettm $0x7FFFFFFF  }
0x3b: {  	_ =	shalt  }
tec
execute0_lowered:
.L_overlay_start_1:
0x0: {  	(tag) =	ssettag $0x1  }
0x1: {  	s0 =	srdreg.scid  }
0x2: {  	s5 =	rddreg [dreg:$0x0];
	s1 =	sshll.u32 s0, $0x4  }
0x3: {  	s2 =	rddreg [dreg:$0x1];
	s0 =	stileid.u32;
	s1 =	sand.u32 $0x10, s1  }
0x4: {  	s4 =	simm.s32 $0x1;
	s8 =	simm.s32 $0x2;
	s1 =	sor.u32 s0, s1  }
0x5: {  	s12 =	simm.s32 $0x0;
	s9 =	simm.s32 $0x0;
	s3 =	sshll.u32 s1, $0x7  }
0x6: {  	s11 =	simm.s32 $0x0;
	s5 =	sadd.s32 $0x61B000, s5;
	s6 =	ssub.s32 $0x61A800, s3  }
.Ltmp0:
0x7: {  	s1 =	rddreg [dreg:$0x2];
	s7 =	sand.u32 $0xF80, s6;
	(pc) =	sbr.rel .LBB1_1-.Ltmp0, $4  }
0x8: {  	_ =	strace $0x8000004A;
	p0 =	sne.s32 s7, $0x0;
	s7 =	simm.s32 $0x1  }
0x9: {  	[sflag:s4] =	ssyncpa.u1 $0x0;
	s6 =	sshrl.u32 s6, $0xC;
	s7 =	simm.s32 @!p0 $0x0  }
0xa: {  	s10 =	smov.u32 s3;
	[sflag:s8] =	ssyncpa.u1 $0x0;
	s6 =	sadd.s32 s7, s6  }
0xb: {  	s8 =	simm.s32 $0x186A000;
	p0 =	por $0x0, $0x0;
	s7 =	sadd.s32 $0x1, s6  }
.LBB1_4:
0xc: {  	s15 =	sshll.u32 s9, $0x2;
	p1 =	sgt.s32 s9, $0x61A780  }
0xd: {  	s17 =	smov.u32 s9;
	s18 =	sshra.s32 s9, $0x1F;
	s16 =	sshrl.u32 s15, $0xB  }
0xe: {  	s17 =	simm.s32 @!p1 $0x61A780;
	s18 =	sand.u32 s18, s9;
	s16 =	smulhi.u32 $0x14F8B6, s16  }
0xf: {  	s19 =	sand.u32 $0x7F, s9;
	s15 =	sand.u32 $0xFFFFFE00, s15;
	s17 =	ssub.s32 s17, s18  }
0x10: {  	s17 =	sadd.s32 $0xFF9E5880, s17;
	s26 =	smul.u32 $0x61A800, s16  }
0x11: {  	s15 =	sor.u32 s19, s15;
	s16 =	sand.u32 $0x3, s16;
	s27 =	sshll.u32 s17, $0x4  }
0x12: {  	s28 =	ssub.s32 $0x800, s27;
	s16 =	smul.u32 $0xC3500, s16;
	s15 =	ssub.s32 s15, s26  }
0x13: {  	p1 =	sgt.s32 s17, $0x7F;
	s17 =	sshrl.u32 s28, $0x2;
	s29 =	sand.u32 $0x7, s15  }
0x14: {  	s15 =	sshrl.u32 s15, $0x3;
	s16 =	sadd.s32 s2, s16;
	s18 =	sshll.u32 s29, $0x12  }
0x15: {  	[tilespmem:s14+$0x0 ss:$0x81] =	vst.msk $0xffff, v0;
	s17 =	simm.s32 @p1 $0x0;
	s30 =	sadd.s32 s15, s16;
	s31 =	sor.u32 $0x200, s18  }
0x16: {  	[hbm4b:s30+s31] =	stream.strided.scatter [tilespmem:s13], [sflag:$0x2], s17, s8, s31, $0x20;
	[tilespmem:$0x4040] =	vst v63  }
.LBB1_5:
0x17: {  	p1 =	slt.u32 s11, $0x2  }
0x18: {  	p2 =	sgt.s32 @!p1 s12, $0x61A780  }
0x19: {  	s13 =	smov.u32 s12;
	s14 =	sshra.s32 @!p1 s12, $0x1F;
	p2 =	por !p2, p1  }
0x1a: {  	s12 =	sand.u32 @!p1 s14, s12;
	s13 =	simm.s32 @p2 $0x61A780  }
0x1b: {  	s12 =	ssub.s32 @!p1 s13, s12  }
0x1c: {  	s12 =	sadd.s32 @!p1 $0xFF9E5880, s12  }
0x1d: {  	s13 =	sshll.u32 @!p1 s12, $0x4  }
0x1e: {  	p2 =	sgt.s32 @!p1 s12, $0x7F;
	s12 =	ssub.s32 @!p1 $0x800, s13  }
0x1f: {  	s14 =	sadd.s32 $0x1000, s10;
	p2 =	por !p2, p1;
	s12 =	sshrl.u32 @!p1 s12, $0x2  }
0x20: {  	s12 =	simm.s32 @!p2 $0x0;
	p2 =	sgt.s32 s14, $0x61A7FF  }
0x21: {  	s14 =	smov.u32 @p2 s3;
	p2 =	sne.s32 s11, s7  }
.Ltmp1:
0x22: {  	_ = 	snop;
	(pc) =	sbr.rel @!p2 .LBB1_6-.Ltmp1, $4  }
0x23: {  	s13 =	simm.s32 @!p1 $0x2  }
0x24: {  	p0 =	por !p0, !p0;
	_ =	swait.ge @!p1 [sflag:s13], s12;
	s15 =	ssub.s32 @!p1 $0x0, s12  }
0x25: {  	s12 =	smov.u32 s9;
	s11 =	sadd.s32 $0x1, s11;
	[sflag:s13] =	ssyncset.done @!p1 $0x0  }
0x26: {  	s9 =	smov.u32 s10;
	s10 =	smov.u32 s14;
	[sflag:s13] =	ssyncadd.s32 @!p1 s15  }
.LBB1_1:
0x27: {  	p1 =	sge.u32 s11, s6  }
0x28: {  	s13 =	sand.u32 @!p1 $0x1FFFFFF, s10  }
0x29: {  	s14 =	smulhi.u32 @!p1 $0x14F8B59, s13;
	_ =	sdelay $0x1  }
0x2a: {  	s14 =	sshrl.u32 @!p1 s14, $0xF  }
0x2b: {  	s14 =	smul.u32 @!p1 $0x61A800, s14;
	_ =	sdelay $0x1  }
0x2c: {  	s31 =	sadd.s32 $0xFFFFFFFF, s11;
	s15 =	sxor.u32 @!p1 $0xFFFFFFFF, s11;
	s13 =	ssub.s32 @!p1 s13, s14  }
0x2d: {  	s16 =	simm.s32 @!p1 $0x80;
	s15 =	sshll.u32 @!p1 s15, $0xC;
	s13 =	sshll.u32 @!p1 s13, $0x4  }
0x2e: {  	s14 =	sand.u32 @!p1 $0x1000, s15;
	s15 =	simm.s32 @!p1 $0x20;
	s13 =	sadd.s32 @!p1 s5, s13  }
0x2f: {  	[tilespmem:s14], [sflag:$0x1] =	stream.strided.gather @!p1 [hbm4b:s13+s15], $0x1000, s16, s15, $0x38;
	[tilespmem:$0x4040] =	vst v63  }
0x30: {  	p1 =	sge.u32 s31, s6  }
.Ltmp2:
0x31: {  	_ = 	snop;
	(pc) =	sbr.rel @p1 .LBB1_5-.Ltmp2, $1  }
0x32: {  	_ =	sdelay $0x3  }
0x33: {  	s13 =	simm.s32 $0x1  }
0x34: {  	_ =	swait.ge [sflag:s4], $0x1000;
	s13 =	simm.s32 @!p0 $0x0  }
0x35: {  	[sflag:s4] =	ssyncset.done $0x0;
	s14 =	sshll.u32 s13, $0xC  }
0x36: {  	[sflag:s4] =	ssyncadd.s32 $0xFFFFF000;
	s17 =	sor.u32 $0x10, s14  }
0x37: {  	s13 =	smul.u32 $0x4080, s13;
	v1 =	vld [tilespmem:s17+$0x0]  }
0x38: {  	s30 =	sand.u32 $0x1, s11;
	v0 =	vld [tilespmem:s17+$0xFFFFFFF0]  }
0x39: {  	s14 =	smul.u32 $0x4080, s30;
	s13 =	sshrl.u32 s13, $0x2  }
0x3a: {  	s15 =	sor.u32 $0x2000, s13  }
0x3b: {  	s31 =	sshrl.u32 s14, $0x2;
	s14 =	sadd.s32 $0x0, s15  }
0x3c: {  	s16 =	simm.s32 $0x4;
	s17 =	sadd.s32 $0x20, s17;
	s13 =	sor.u32 $0x2000, s31;
	[tilespmem:s14+$0x810 ss:$0x81] =	vst.msk $0xffff, v1  }
.LBB1_3:
0x3d: {  	v1 =	vld [tilespmem:s17+$0x0];
	p1 =	sne.s32 s16, $0x1FC;
	[tilespmem:s14+$0x0 ss:$0x81] =	vst.msk $0xffff, v0;
	s14 =	smov.u32 s16;
	s16 =	sadd.s32 $0x4, s16  }
.Ltmp3:
0x3e: {  	v0 =	vld [tilespmem:s17+$0xFFFFFFF0];
	(pc) =	sbr.rel @p1 .LBB1_3-.Ltmp3, $4  }
0x3f: {  	_ = 	snop  }
0x40: {  	s14 =	sshra.s32 s14, $0x2  }
0x41: {  	s14 =	sadd.s32 s14, s15  }
0x42: {  	s17 =	sadd.s32 $0x20, s17;
	[tilespmem:s14+$0x810 ss:$0x81] =	vst.msk $0xffff, v1  }
.Ltmp4:
0x43: {  	_ = 	snop;
	(pc) =	sbr.rel .LBB1_4-.Ltmp4, $1  }
0x44: {  	_ =	sdelay $0x3  }
.LBB1_6:
0x45: {  	_ =	sfence.sel $0x180000  }
0x46: {  	s2 =	simm.s32 $0x1;
	[bflag:$0x0] =	sbarrier.arrive $0xFFFF  }
0x47: {  	s31 =	simm.s32 $0x2;
	[sflag:s2] =	ssyncpa.u1 $0x1  }
0x48: {  	[sflag:s31] =	ssyncpa.u1 $0x1  }
0x49: {  	p0 =	sne.s32 s0, $0x0;
	_ =	strace $0x9000004A  }
0x4a: {  	s0 =	sadd.s32 @!p0 $0x100000, s1;
	[bflag:$0x2] =	sbarrier.arrive $0xFFFF  }
0x4b: {  	[sflag:s0] =	ssyncadd.tile.s32 @!p0 $0x1;
	_ =	shalt  }
.Lfunc_end1:
_tile_overlayer_lowered:
.L_overlay_start_2:
0x4c: {  	(tag) =	ssettag $0x2  }
0x4d: {  	s0 =	rddreg [dreg:$0x0];
	s2 =	stileid.u32  }
0x4e: {  	s1 =	rddreg [dreg:$0x1];
	p0 =	sne.s32 s2, $0x0  }
0x4f: {  	s3 =	rddreg [dreg:$0x2];
	[bflag:$0x3] =	sbarrier.arrive $0xFFFF;
	s2 =	simm.s32 @!p0 $0x1C01  }
0x50: {  	[timem:s3], [sflag:s2] =	dma.local @!p0 [hbm:s0], s1  }
0x51: {  	s0 =	simm.s32 @!p0 $0x1  }
0x52: {  	_ =	swait.ge @!p0 [sflag:s0], s1  }
0x53: {  	s1 =	ssub.s32 @!p0 $0x0, s1;
	[sflag:s0] =	ssyncset.done @!p0 $0x0  }
0x54: {  	[sflag:s0] =	ssyncadd.s32 @!p0 s1  }
0x55: {  	[bflag:$0x3] =	sbarrier.arrive $0xFFFF  }
0x56: {  	_ =	shalt  }

</sc_bundles>
